<compile_context>
chip_gen: v7x
topology: tpu7x:2x2x1
jax: 0.10.2.dev20260603
libtpu: 0.0.44.dev20260713+nightly
codegen_flags: <defaults>
</compile_context>

<pallas_src>
import functools

import jax
import jax.numpy as jnp
from jax import lax
from jax.experimental import pallas as pl
from jax.experimental.pallas import tpu as pltpu
from jax.experimental.pallas import tpu_sc as plsc

N = 100000
E = 6400000

NC = 2
NS = 16
NW = NC * NS

FF = 8
CH = 3584
G0 = 52
G1 = 60
EP = NS * (G0 + G1) * CH

NT = 100096
RPS = NT // NS

NTR = NT // 16
BN = 3128
TCG = NTR // BN
NPB = BN * 16

_mesh = plsc.VectorSubcoreMesh(
    core_axis_name="c", subcore_axis_name="s", num_cores=NC, num_subcores=NS)
_cparams = pltpu.CompilerParams(use_tc_tiling_on_sc=False)



def _tile_chunks(c, s):
  base = jnp.where(c == 0, s * G0, NS * G0 + s * G1)
  gp = jnp.where(c == 0, G0 // 2, G1 // 2)
  return base, gp


@functools.partial(
    pl.kernel,
    out_type=jax.ShapeDtypeStruct((NC, NT, FF), jnp.float32),
    mesh=_mesh,
    scratch_types=[
        [pltpu.VMEM((CH,), jnp.int32) for _ in range(2)],
        pltpu.VMEM((CH, FF), jnp.float32),
        pltpu.VMEM_SHARED((NT, FF), jnp.float32),
        pltpu.SemaphoreType.DMA,
        pltpu.SemaphoreType.DMA,
    ],
    compiler_params=_cparams,
)
def _deg_kernel(dst_hbm, zeros_hbm, ones_hbm, out_hbm, dstv, onesv, degs,
                isem, ssem):
  c = lax.axis_index("c")
  s = lax.axis_index("s")
  r0 = s * RPS
  pltpu.sync_copy(zeros_hbm.at[pl.ds(r0, RPS)], degs.at[pl.ds(r0, RPS)])
  pltpu.sync_copy(ones_hbm, onesv)
  plsc.subcore_barrier()
  base, gp = _tile_chunks(c, s)

  def idx_ref(g):
    return dst_hbm.at[pl.ds((base + g) * CH, CH)]

  pltpu.async_copy(idx_ref(0), dstv[0], isem)

  def body(gg, carry):
    a = 2 * gg

    @pl.when(gg == 0)
    def _():
      pltpu.make_async_copy(idx_ref(a), dstv[0], isem).wait()
      pltpu.async_copy(onesv, degs.at[dstv[0]], ssem, add=True)

    @pl.when(gg > 0)
    def _():
      pltpu.make_async_copy(idx_ref(a), dstv[0], isem).wait()
      pltpu.make_async_copy(onesv, degs.at[dstv[1]], ssem).wait()
      pltpu.async_copy(onesv, degs.at[dstv[0]], ssem, add=True)

    pltpu.async_copy(idx_ref(a + 1), dstv[1], isem)
    pltpu.make_async_copy(idx_ref(a + 1), dstv[1], isem).wait()
    pltpu.make_async_copy(onesv, degs.at[dstv[0]], ssem).wait()
    pltpu.async_copy(onesv, degs.at[dstv[1]], ssem, add=True)

    @pl.when(gg < gp - 1)
    def _():
      pltpu.async_copy(idx_ref(a + 2), dstv[0], isem)

    return carry

  lax.fori_loop(0, gp, body, 0)
  pltpu.make_async_copy(onesv, degs.at[dstv[1]], ssem).wait()
  plsc.subcore_barrier()
  pltpu.sync_copy(degs.at[pl.ds(r0, RPS)], out_hbm.at[c, pl.ds(r0, RPS)])


@functools.partial(
    pl.kernel,
    out_type=jax.ShapeDtypeStruct((NC, NT, FF), jnp.float32),
    mesh=_mesh,
    scratch_types=[
        [pltpu.VMEM((CH,), jnp.int32) for _ in range(2)],
        [pltpu.VMEM((CH,), jnp.int32) for _ in range(2)],
        [pltpu.VMEM((CH, FF), jnp.float32) for _ in range(2)],
        pltpu.VMEM_SHARED((NT, FF), jnp.float32),
        pltpu.SemaphoreType.DMA,
        pltpu.SemaphoreType.DMA,
        pltpu.SemaphoreType.DMA,
    ],
    compiler_params=_cparams,
)
def _edge_kernel(y_hbm, src_hbm, dst_hbm, zeros_hbm, out_hbm,
                 srcv, dstv, rowsv, aggs, isem, gsem, ssem):
  c = lax.axis_index("c")
  s = lax.axis_index("s")
  r0 = s * RPS
  pltpu.sync_copy(zeros_hbm.at[pl.ds(r0, RPS)], aggs.at[pl.ds(r0, RPS)])
  plsc.subcore_barrier()
  base, gp = _tile_chunks(c, s)

  def src_ref(g):
    return src_hbm.at[pl.ds((base + g) * CH, CH)]

  def dst_ref(g):
    return dst_hbm.at[pl.ds((base + g) * CH, CH)]

  def start_idx(g, p):
    pltpu.async_copy(src_ref(g), srcv[p], isem)
    pltpu.async_copy(dst_ref(g), dstv[p], isem)

  def wait_idx(g, p):
    pltpu.make_async_copy(src_ref(g), srcv[p], isem).wait()
    pltpu.make_async_copy(dst_ref(g), dstv[p], isem).wait()

  def drain_scatter(p):
    pltpu.make_async_copy(rowsv[p], aggs.at[dstv[p]], ssem).wait()

  start_idx(0, 0)

  def body(gg, carry):
    a = 2 * gg

    wait_idx(a, 0)
    pltpu.async_copy(y_hbm.at[srcv[0]], rowsv[0], gsem).wait()

    @pl.when(gg > 0)
    def _():
      drain_scatter(1)
    pltpu.async_copy(rowsv[0], aggs.at[dstv[0]], ssem, add=True)
    start_idx(a + 1, 1)

    wait_idx(a + 1, 1)
    pltpu.async_copy(y_hbm.at[srcv[1]], rowsv[1], gsem).wait()
    drain_scatter(0)
    pltpu.async_copy(rowsv[1], aggs.at[dstv[1]], ssem, add=True)

    @pl.when(gg < gp - 1)
    def _():
      start_idx(a + 2, 0)

    return carry

  lax.fori_loop(0, gp, body, 0)
  drain_scatter(1)
  plsc.subcore_barrier()
  pltpu.sync_copy(aggs.at[pl.ds(r0, RPS)], out_hbm.at[c, pl.ds(r0, RPS)])



def _node_mask(pid):
  row = lax.broadcasted_iota(jnp.int32, (BN, 128), 0) + pid * BN
  lane = lax.broadcasted_iota(jnp.int32, (BN, 128), 1)
  nid = row * 16 + lane // 8
  return (nid < N).astype(jnp.float32)


def _pre_body(dp, x, wb1, dinv_o, y_o):
  cnt = dp[0] + dp[1]
  dinv = lax.rsqrt(cnt + 1.0)
  dinv_o[...] = dinv
  y_o[...] = jnp.dot(x[...], wb1[...], preferred_element_type=jnp.float32) * dinv


def _tc_pre(dp, x, wb1):
  return pl.pallas_call(
      _pre_body,
      grid=(TCG,),
      in_specs=[
          pl.BlockSpec((NC, BN, 128), lambda i: (0, i, 0)),
          pl.BlockSpec((BN, 128), lambda i: (i, 0)),
          pl.BlockSpec((128, 128), lambda i: (0, 0)),
      ],
      out_specs=[
          pl.BlockSpec((BN, 128), lambda i: (i, 0)),
          pl.BlockSpec((BN, 128), lambda i: (i, 0)),
      ],
      out_shape=[
          jax.ShapeDtypeStruct((NTR, 128), jnp.float32),
          jax.ShapeDtypeStruct((NTR, 128), jnp.float32),
      ],
  )(dp, x, wb1)


def _layer_body(ap, y, dinv, wb, bl, y_o):
  agg = ap[0] + ap[1] + y[...]
  h = jnp.tanh(agg * dinv[...] + bl[...])
  y_o[...] = (jnp.dot(h, wb[...], preferred_element_type=jnp.float32)
              * dinv[...] * _node_mask(pl.program_id(0)))


def _tc_layer(ap, y, dinv, wb, bl):
  return pl.pallas_call(
      _layer_body,
      grid=(TCG,),
      in_specs=[
          pl.BlockSpec((NC, BN, 128), lambda i: (0, i, 0)),
          pl.BlockSpec((BN, 128), lambda i: (i, 0)),
          pl.BlockSpec((BN, 128), lambda i: (i, 0)),
          pl.BlockSpec((128, 128), lambda i: (0, 0)),
          pl.BlockSpec((1, 128), lambda i: (0, 0)),
      ],
      out_specs=pl.BlockSpec((BN, 128), lambda i: (i, 0)),
      out_shape=jax.ShapeDtypeStruct((NTR, 128), jnp.float32),
  )(ap, y, dinv, wb, bl)


def _final_body(ap, y, dinv, bl3, wrl, br, o):
  @pl.when(pl.program_id(0) == 0)
  def _():
    o[...] = jnp.float32(N) * br[...]

  agg = ap[0] + ap[1] + y[...]
  h = jnp.tanh(agg * dinv[...] + bl3[...])
  o[...] += jnp.sum(h * wrl[...] * _node_mask(pl.program_id(0)))


def _tc_final(ap, y, dinv, bl3, wrl, br):
  return pl.pallas_call(
      _final_body,
      grid=(TCG,),
      in_specs=[
          pl.BlockSpec((NC, BN, 128), lambda i: (0, i, 0)),
          pl.BlockSpec((BN, 128), lambda i: (i, 0)),
          pl.BlockSpec((BN, 128), lambda i: (i, 0)),
          pl.BlockSpec((1, 128), lambda i: (0, 0)),
          pl.BlockSpec((1, 128), lambda i: (0, 0)),
          pl.BlockSpec((1, 1), lambda i: (0, 0)),
      ],
      out_specs=pl.BlockSpec((1, 1), lambda i: (0, 0)),
      out_shape=jax.ShapeDtypeStruct((1, 1), jnp.float32),
  )(ap, y, dinv, bl3, wrl, br)


def _pad_mat(w, rows, cols):
  out = jnp.zeros((rows, cols), jnp.float32)
  return out.at[:w.shape[0], :w.shape[1]].set(w.astype(jnp.float32))



def kernel(x, edge_index, W1, b1, W2, b2, W3, b3, Wr, br):
  src = edge_index[0].astype(jnp.int32)
  dst = edge_index[1].astype(jnp.int32)
  pad = jnp.full((EP - E,), N, jnp.int32)
  srcp = jnp.concatenate([src, pad])
  dstp = jnp.concatenate([dst, pad])

  zt = jnp.zeros((NT, FF), jnp.float32)
  ones = jnp.ones((CH, FF), jnp.float32)
  xp8 = jnp.concatenate(
      [_pad_mat(x.astype(jnp.float32), N, FF),
       jnp.zeros((NT - N, FF), jnp.float32)]).reshape(NTR, 128)

  eye16 = jnp.eye(16, dtype=jnp.float32)
  wb1 = jnp.kron(eye16, _pad_mat(W1, FF, FF))
  wb2 = jnp.kron(eye16, _pad_mat(W2, FF, FF))
  wb3 = jnp.kron(eye16, _pad_mat(W3, FF, FF))
  bl1 = jnp.tile(_pad_mat(b1.reshape(1, -1), 1, FF), (1, 16))
  bl2 = jnp.tile(_pad_mat(b2.reshape(1, -1), 1, FF), (1, 16))
  bl3 = jnp.tile(_pad_mat(b3.reshape(1, -1), 1, FF), (1, 16))
  wrl = jnp.tile(_pad_mat(Wr.reshape(1, -1), 1, FF), (1, 16))
  brp = br.reshape(1, 1).astype(jnp.float32)

  degp = _deg_kernel(dstp, zt, ones)
  dinv, y1 = _tc_pre(degp.reshape(NC, NTR, 128), xp8, wb1)

  a1 = _edge_kernel(y1.reshape(NT, FF), srcp, dstp, zt)
  y2 = _tc_layer(a1.reshape(NC, NTR, 128), y1, dinv, wb2, bl1)

  a2 = _edge_kernel(y2.reshape(NT, FF), srcp, dstp, zt)
  y3 = _tc_layer(a2.reshape(NC, NTR, 128), y2, dinv, wb3, bl2)

  a3 = _edge_kernel(y3.reshape(NT, FF), srcp, dstp, zt)
  out = _tc_final(a3.reshape(NC, NTR, 128), y3, dinv, bl3, wrl, brp)
  return out[0, 0]

# --- scband reference (transcript-rebuilt; emitter-appended) ---
"""Pipeline reference for scband-convex-hull-model-11957188952280 (READ-ONLY COPY).

The authoritative reference and input builder live on the scoring server;
editing this copy changes nothing except your own understanding.
"""

import jax, jax.numpy as jnp
import numpy as np

N = 100000
E = 6400000


def gcn_conv(x, edge_index, W, b):
    # PyG GCNConv: x' = D^{-1/2} (A + I) D^{-1/2} (x W) + b, self-loops added
    src = edge_index[0]
    dst = edge_index[1]
    loop = jnp.arange(N, dtype=src.dtype)
    src = jnp.concatenate([src, loop])
    dst = jnp.concatenate([dst, loop])
    deg = jnp.zeros((N,), jnp.float32).at[dst].add(1.0)
    dinv = jnp.where(deg > 0, deg ** -0.5, 0.0)
    norm = dinv[src] * dinv[dst]
    xw = x @ W
    msg = xw[src] * norm[:, None]
    out = jnp.zeros((N, W.shape[1]), x.dtype).at[dst].add(msg)
    return out + b


def setup_inputs(seed: int = 0) -> dict:
    key = jax.random.key(seed)
    ks = jax.random.split(key, 12)
    x = jax.random.normal(ks[0], (N, 2), dtype=jnp.float32)
    edge_index = jax.random.randint(ks[1], (2, E), 0, N)
    def glorot(k, fan_in, fan_out):
        lim = (6.0 / (fan_in + fan_out)) ** 0.5
        return jax.random.uniform(k, (fan_in, fan_out), jnp.float32, -lim, lim)
    W1 = glorot(ks[2], 2, 4)
    b1 = jnp.zeros((4,), jnp.float32)
    W2 = glorot(ks[3], 4, 4)
    b2 = jnp.zeros((4,), jnp.float32)
    W3 = glorot(ks[4], 4, 2)
    b3 = jnp.zeros((2,), jnp.float32)
    Wr = glorot(ks[5], 2, 1)
    br = jnp.zeros((1,), jnp.float32)
    return {"x": x, "edge_index": edge_index, "W1": W1, "b1": b1,
            "W2": W2, "b2": b2, "W3": W3, "b3": b3, "Wr": Wr, "br": br}


def reference(x, edge_index, W1, b1, W2, b2, W3, b3, Wr, br):
    h = jnp.tanh(gcn_conv(x, edge_index, W1, b1))
    h = jnp.tanh(gcn_conv(h, edge_index, W2, b2))
    h = jnp.tanh(gcn_conv(h, edge_index, W3, b3))
    return (h @ Wr + br).sum()

if __name__ == "__main__":
    import jax
    _d = setup_inputs()
    print(jax.jit(kernel)(*tuple(_d.values())))

</pallas_src>

<mosaic_0001>
#map = affine_map<(d0, d1) -> (0, 0)>
#map1 = affine_map<(d0, d1) -> (0)>
#map2 = affine_map<(d0, d1) -> (0, 0, 0)>
module attributes {stable_mosaic.version = 14 : i64} {
  func.func @_edge_kernel(%arg0: i32, %arg1: i32, %arg2: memref<100096x8xf32, #tpu.memory_space<hbm>>, %arg3: memref<6422528xi32, #tpu.memory_space<hbm>>, %arg4: memref<6422528xi32, #tpu.memory_space<hbm>>, %arg5: memref<100096x8xf32, #tpu.memory_space<hbm>>, %arg6: memref<2x100096x8xf32, #tpu.memory_space<hbm>>, %arg7: memref<3584xi32, #tpu.memory_space<vmem>>, %arg8: memref<3584xi32, #tpu.memory_space<vmem>>, %arg9: memref<3584xi32, #tpu.memory_space<vmem>>, %arg10: memref<3584xi32, #tpu.memory_space<vmem>>, %arg11: memref<3584x8xf32, #tpu.memory_space<vmem>>, %arg12: memref<3584x8xf32, #tpu.memory_space<vmem>>, %arg13: memref<100096x8xf32, #tpu.memory_space<vmem_shared>>, %arg14: memref<!tpu.dma_semaphore, #tpu.memory_space<semaphore_mem>>, %arg15: memref<!tpu.dma_semaphore, #tpu.memory_space<semaphore_mem>>, %arg16: memref<!tpu.dma_semaphore, #tpu.memory_space<semaphore_mem>>) attributes {dimension_semantics = [#tpu.dimension_semantics<core_parallel>, #tpu.dimension_semantics<subcore_parallel>], iteration_bounds = array<i64: 2, 16>, scalar_prefetch = 0 : i64, scratch_operands = 10 : i64, tpu.core_type = #tpu.core_type<sc_vector_subcore>, window_params = [{transform_indices = #map}, {transform_indices = #map1}, {transform_indices = #map1}, {transform_indices = #map}, {transform_indices = #map2}]} {
    %mul3A = arith.constant 6256 : i32
    %mul3A_0 = arith.muli %arg1, %mul3A : i32
    "tpu.region"() ({
      %run_scoped3A = tpu.sem_alloc : memref<!tpu.dma_semaphore, #tpu.memory_space<semaphore_mem>>
      %dma_start3A_34 = arith.constant 0 : i32
      %dma_start3A_35 = tpu.memref_slice %arg13[%mul3A_0, %dma_start3A_34] : memref<100096x8xf32, #tpu.memory_space<vmem_shared>> -> memref<6256x8xf32, #tpu.memory_space<vmem_shared>>
      %dma_start3A_36 = arith.constant 0 : i32
      %dma_start3A_37 = tpu.memref_slice %arg5[%mul3A_0, %dma_start3A_36] : memref<100096x8xf32, #tpu.memory_space<hbm>> -> memref<6256x8xf32, #tpu.memory_space<hbm>>
      tpu.enqueue_dma source(%dma_start3A_37 : memref<6256x8xf32, #tpu.memory_space<hbm>>) target(%dma_start3A_35 : memref<6256x8xf32, #tpu.memory_space<vmem_shared>>) target_semaphore(%run_scoped3A : memref<!tpu.dma_semaphore, #tpu.memory_space<semaphore_mem>>)
      %dma_wait3A_38 = arith.constant 0 : i32
      %dma_wait3A_39 = tpu.memref_slice %arg13[%mul3A_0, %dma_wait3A_38] : memref<100096x8xf32, #tpu.memory_space<vmem_shared>> -> memref<6256x8xf32, #tpu.memory_space<vmem_shared>>
      %dma_wait3A_40 = arith.constant 0 : i32
      %dma_wait3A_41 = tpu.memref_slice %arg5[%mul3A_0, %dma_wait3A_40] : memref<100096x8xf32, #tpu.memory_space<hbm>> -> memref<6256x8xf32, #tpu.memory_space<hbm>>
      tpu.wait_dma2 semaphore(%run_scoped3A : memref<!tpu.dma_semaphore, #tpu.memory_space<semaphore_mem>>) src(%dma_wait3A_41 : memref<6256x8xf32, #tpu.memory_space<hbm>>) dst(%dma_wait3A_39 : memref<6256x8xf32, #tpu.memory_space<vmem_shared>>)
      tpu.yield
    }) : () -> ()
    %barrier3A = arith.constant 0 : index
    tpu.barrier barrier_id(%barrier3A)
    %eq3A = arith.constant 0 : i32
    %eq3A_1 = arith.cmpi eq, %arg0, %eq3A : i32
    %mul3A_2 = arith.constant 52 : i32
    %mul3A_3 = arith.muli %arg1, %mul3A_2 : i32
    %mul3A_4 = arith.constant 60 : i32
    %mul3A_5 = arith.muli %arg1, %mul3A_4 : i32
    %add3A = arith.constant 832 : i32
    %add3A_6 = arith.addi %add3A, %mul3A_5 : i32
    %select_n3A = arith.select %eq3A_1, %mul3A_3, %add3A_6 : i32
    %eq3A_7 = arith.constant 0 : i32
    %eq3A_8 = arith.cmpi eq, %arg0, %eq3A_7 : i32
    %jit3A = arith.constant 26 : i32
    %jit3A_9 = arith.constant 30 : i32
    %select_n3A_10 = arith.select %eq3A_8, %jit3A, %jit3A_9 : i32
    %add3A_11 = arith.constant 0 : i32
    %add3A_12 = arith.addi %select_n3A, %add3A_11 : i32
    %mul3A_13 = arith.constant 3584 : i32
    %mul3A_14 = arith.muli %add3A_12, %mul3A_13 : i32
    %dma_start3A = tpu.memref_slice %arg3[%mul3A_14] : memref<6422528xi32, #tpu.memory_space<hbm>> -> memref<3584xi32, #tpu.memory_space<hbm>>
    %dma_start3A_15 = tpu.memref_slice %arg3[%mul3A_14] : memref<6422528xi32, #tpu.memory_space<hbm>> -> memref<3584xi32, #tpu.memory_space<hbm>>
    tpu.enqueue_dma source(%dma_start3A_15 : memref<3584xi32, #tpu.memory_space<hbm>>) target(%arg7 : memref<3584xi32, #tpu.memory_space<vmem>>) target_semaphore(%arg14 : memref<!tpu.dma_semaphore, #tpu.memory_space<semaphore_mem>>)
    %add3A_16 = arith.constant 0 : i32
    %add3A_17 = arith.addi %select_n3A, %add3A_16 : i32
    %mul3A_18 = arith.constant 3584 : i32
    %mul3A_19 = arith.muli %add3A_17, %mul3A_18 : i32
    %dma_start3A_20 = tpu.memref_slice %arg4[%mul3A_19] : memref<6422528xi32, #tpu.memory_space<hbm>> -> memref<3584xi32, #tpu.memory_space<hbm>>
    %dma_start3A_21 = tpu.memref_slice %arg4[%mul3A_19] : memref<6422528xi32, #tpu.memory_space<hbm>> -> memref<3584xi32, #tpu.memory_space<hbm>>
    tpu.enqueue_dma source(%dma_start3A_21 : memref<3584xi32, #tpu.memory_space<hbm>>) target(%arg9 : memref<3584xi32, #tpu.memory_space<vmem>>) target_semaphore(%arg14 : memref<!tpu.dma_semaphore, #tpu.memory_space<semaphore_mem>>)
    %while3A = arith.constant 0 : i32
    %while3A_22 = arith.constant 0 : i32
    %while3A_23 = arith.subi %select_n3A_10, %while3A_22 : i32
    %while3A_24 = arith.addi %while3A_22, %while3A_23 : i32
    %while3A_25 = arith.constant 1 : i32
    %while3A_26 = arith.divsi %while3A_23, %while3A_25 : i32
    %while3A_27 = arith.muli %while3A_26, %while3A_25 : i32
    %while3A_28 = arith.addi %while3A_22, %while3A_27 : i32
    %while3A_29 = arith.constant 1 : i32
    scf.for %while3A_34 = %while3A_22 to %while3A_28 step %while3A_29  : i32 {
      %mul3A_35 = arith.constant 2 : i32
      %mul3A_36 = arith.muli %mul3A_35, %while3A_34 : i32
      %add3A_37 = arith.addi %select_n3A, %mul3A_36 : i32
      %mul3A_38 = arith.constant 3584 : i32
      %mul3A_39 = arith.muli %add3A_37, %mul3A_38 : i32
      %dma_wait3A_40 = tpu.memref_slice %arg3[%mul3A_39] : memref<6422528xi32, #tpu.memory_space<hbm>> -> memref<3584xi32, #tpu.memory_space<hbm>>
      %dma_wait3A_41 = tpu.memref_slice %arg3[%mul3A_39] : memref<6422528xi32, #tpu.memory_space<hbm>> -> memref<3584xi32, #tpu.memory_space<hbm>>
      tpu.wait_dma2 semaphore(%arg14 : memref<!tpu.dma_semaphore, #tpu.memory_space<semaphore_mem>>) src(%dma_wait3A_41 : memref<3584xi32, #tpu.memory_space<hbm>>) dst(%arg7 : memref<3584xi32, #tpu.memory_space<vmem>>)
      %add3A_42 = arith.addi %select_n3A, %mul3A_36 : i32
      %mul3A_43 = arith.constant 3584 : i32
      %mul3A_44 = arith.muli %add3A_42, %mul3A_43 : i32
      %dma_wait3A_45 = tpu.memref_slice %arg4[%mul3A_44] : memref<6422528xi32, #tpu.memory_space<hbm>> -> memref<3584xi32, #tpu.memory_space<hbm>>
      %dma_wait3A_46 = tpu.memref_slice %arg4[%mul3A_44] : memref<6422528xi32, #tpu.memory_space<hbm>> -> memref<3584xi32, #tpu.memory_space<hbm>>
      tpu.wait_dma2 semaphore(%arg14 : memref<!tpu.dma_semaphore, #tpu.memory_space<semaphore_mem>>) src(%dma_wait3A_46 : memref<3584xi32, #tpu.memory_space<hbm>>) dst(%arg9 : memref<3584xi32, #tpu.memory_space<vmem>>)
      %dma_start3A_47 = arith.constant 0 : i32
      %dma_start3A_48 = arith.constant 0 : i32
      %dma_start3A_49 = tpu.memref_slice %arg2[%dma_start3A_47, %dma_start3A_48] : memref<100096x8xf32, #tpu.memory_space<hbm>> -> memref<100096x8xf32, #tpu.memory_space<hbm>>
      tpu.enqueue_indirect_dma source(%dma_start3A_49 : memref<100096x8xf32, #tpu.memory_space<hbm>>) target(%arg11 : memref<3584x8xf32, #tpu.memory_space<vmem>>) offsets(%arg7 : memref<3584xi32, #tpu.memory_space<vmem>>) semaphore(%arg15 : memref<!tpu.dma_semaphore, #tpu.memory_space<semaphore_mem>>)
      %dma_wait3A_50 = arith.constant 0 : i32
      %dma_wait3A_51 = arith.constant 0 : i32
      %dma_wait3A_52 = tpu.memref_slice %arg2[%dma_wait3A_50, %dma_wait3A_51] : memref<100096x8xf32, #tpu.memory_space<hbm>> -> memref<100096x8xf32, #tpu.memory_space<hbm>>
      tpu.wait_indirect_dma semaphore(%arg15 : memref<!tpu.dma_semaphore, #tpu.memory_space<semaphore_mem>>) src(%dma_wait3A_52 : memref<100096x8xf32, #tpu.memory_space<hbm>>) dst(%arg11 : memref<3584x8xf32, #tpu.memory_space<vmem>>)
      %gt3A = arith.constant 0 : i32
      %gt3A_53 = arith.cmpi sgt, %while3A_34, %gt3A : i32
      %convert_element_type3A = arith.extui %gt3A_53 : i1 to i32
      %cond3A = arith.constant 0 : i32
      %cond3A_54 = arith.cmpi ne, %convert_element_type3A, %cond3A : i32
      scf.if %cond3A_54 {
        %dma_wait3A_98 = arith.constant 0 : i32
        %dma_wait3A_99 = arith.constant 0 : i32
        %dma_wait3A_100 = tpu.memref_slice %arg13[%dma_wait3A_98, %dma_wait3A_99] : memref<100096x8xf32, #tpu.memory_space<vmem_shared>> -> memref<100096x8xf32, #tpu.memory_space<vmem_shared>>
        tpu.wait_indirect_dma semaphore(%arg16 : memref<!tpu.dma_semaphore, #tpu.memory_space<semaphore_mem>>) src(%arg12 : memref<3584x8xf32, #tpu.memory_space<vmem>>) dst(%dma_wait3A_100 : memref<100096x8xf32, #tpu.memory_space<vmem_shared>>)
      } else {
      }
      %dma_start3A_55 = arith.constant 0 : i32
      %dma_start3A_56 = arith.constant 0 : i32
      %dma_start3A_57 = tpu.memref_slice %arg13[%dma_start3A_55, %dma_start3A_56] : memref<100096x8xf32, #tpu.memory_space<vmem_shared>> -> memref<100096x8xf32, #tpu.memory_space<vmem_shared>>
      tpu.enqueue_indirect_dma source(%arg11 : memref<3584x8xf32, #tpu.memory_space<vmem>>) target(%dma_start3A_57 : memref<100096x8xf32, #tpu.memory_space<vmem_shared>>) offsets(%arg9 : memref<3584xi32, #tpu.memory_space<vmem>>) semaphore(%arg16 : memref<!tpu.dma_semaphore, #tpu.memory_space<semaphore_mem>>) {add = true}
      %add3A_58 = arith.constant 1 : i32
      %add3A_59 = arith.addi %mul3A_36, %add3A_58 : i32
      %add3A_60 = arith.addi %select_n3A, %add3A_59 : i32
      %mul3A_61 = arith.constant 3584 : i32
      %mul3A_62 = arith.muli %add3A_60, %mul3A_61 : i32
      %dma_start3A_63 = tpu.memref_slice %arg3[%mul3A_62] : memref<6422528xi32, #tpu.memory_space<hbm>> -> memref<3584xi32, #tpu.memory_space<hbm>>
      %dma_start3A_64 = tpu.memref_slice %arg3[%mul3A_62] : memref<6422528xi32, #tpu.memory_space<hbm>> -> memref<3584xi32, #tpu.memory_space<hbm>>
      tpu.enqueue_dma source(%dma_start3A_64 : memref<3584xi32, #tpu.memory_space<hbm>>) target(%arg8 : memref<3584xi32, #tpu.memory_space<vmem>>) target_semaphore(%arg14 : memref<!tpu.dma_semaphore, #tpu.memory_space<semaphore_mem>>)
      %add3A_65 = arith.addi %select_n3A, %add3A_59 : i32
      %mul3A_66 = arith.constant 3584 : i32
      %mul3A_67 = arith.muli %add3A_65, %mul3A_66 : i32
      %dma_start3A_68 = tpu.memref_slice %arg4[%mul3A_67] : memref<6422528xi32, #tpu.memory_space<hbm>> -> memref<3584xi32, #tpu.memory_space<hbm>>
      %dma_start3A_69 = tpu.memref_slice %arg4[%mul3A_67] : memref<6422528xi32, #tpu.memory_space<hbm>> -> memref<3584xi32, #tpu.memory_space<hbm>>
      tpu.enqueue_dma source(%dma_start3A_69 : memref<3584xi32, #tpu.memory_space<hbm>>) target(%arg10 : memref<3584xi32, #tpu.memory_space<vmem>>) target_semaphore(%arg14 : memref<!tpu.dma_semaphore, #tpu.memory_space<semaphore_mem>>)
      %add3A_70 = arith.constant 1 : i32
      %add3A_71 = arith.addi %mul3A_36, %add3A_70 : i32
      %add3A_72 = arith.addi %select_n3A, %add3A_71 : i32
      %mul3A_73 = arith.constant 3584 : i32
      %mul3A_74 = arith.muli %add3A_72, %mul3A_73 : i32
      %dma_wait3A_75 = tpu.memref_slice %arg3[%mul3A_74] : memref<6422528xi32, #tpu.memory_space<hbm>> -> memref<3584xi32, #tpu.memory_space<hbm>>
      %dma_wait3A_76 = tpu.memref_slice %arg3[%mul3A_74] : memref<6422528xi32, #tpu.memory_space<hbm>> -> memref<3584xi32, #tpu.memory_space<hbm>>
      tpu.wait_dma2 semaphore(%arg14 : memref<!tpu.dma_semaphore, #tpu.memory_space<semaphore_mem>>) src(%dma_wait3A_76 : memref<3584xi32, #tpu.memory_space<hbm>>) dst(%arg8 : memref<3584xi32, #tpu.memory_space<vmem>>)
      %add3A_77 = arith.addi %select_n3A, %add3A_71 : i32
      %mul3A_78 = arith.constant 3584 : i32
      %mul3A_79 = arith.muli %add3A_77, %mul3A_78 : i32
      %dma_wait3A_80 = tpu.memref_slice %arg4[%mul3A_79] : memref<6422528xi32, #tpu.memory_space<hbm>> -> memref<3584xi32, #tpu.memory_space<hbm>>
      %dma_wait3A_81 = tpu.memref_slice %arg4[%mul3A_79] : memref<6422528xi32, #tpu.memory_space<hbm>> -> memref<3584xi32, #tpu.memory_space<hbm>>
      tpu.wait_dma2 semaphore(%arg14 : memref<!tpu.dma_semaphore, #tpu.memory_space<semaphore_mem>>) src(%dma_wait3A_81 : memref<3584xi32, #tpu.memory_space<hbm>>) dst(%arg10 : memref<3584xi32, #tpu.memory_space<vmem>>)
      %dma_start3A_82 = arith.constant 0 : i32
      %dma_start3A_83 = arith.constant 0 : i32
      %dma_start3A_84 = tpu.memref_slice %arg2[%dma_start3A_82, %dma_start3A_83] : memref<100096x8xf32, #tpu.memory_space<hbm>> -> memref<100096x8xf32, #tpu.memory_space<hbm>>
      tpu.enqueue_indirect_dma source(%dma_start3A_84 : memref<100096x8xf32, #tpu.memory_space<hbm>>) target(%arg12 : memref<3584x8xf32, #tpu.memory_space<vmem>>) offsets(%arg8 : memref<3584xi32, #tpu.memory_space<vmem>>) semaphore(%arg15 : memref<!tpu.dma_semaphore, #tpu.memory_space<semaphore_mem>>)
      %dma_wait3A_85 = arith.constant 0 : i32
      %dma_wait3A_86 = arith.constant 0 : i32
      %dma_wait3A_87 = tpu.memref_slice %arg2[%dma_wait3A_85, %dma_wait3A_86] : memref<100096x8xf32, #tpu.memory_space<hbm>> -> memref<100096x8xf32, #tpu.memory_space<hbm>>
      tpu.wait_indirect_dma semaphore(%arg15 : memref<!tpu.dma_semaphore, #tpu.memory_space<semaphore_mem>>) src(%dma_wait3A_87 : memref<100096x8xf32, #tpu.memory_space<hbm>>) dst(%arg12 : memref<3584x8xf32, #tpu.memory_space<vmem>>)
      %dma_wait3A_88 = arith.constant 0 : i32
      %dma_wait3A_89 = arith.constant 0 : i32
      %dma_wait3A_90 = tpu.memref_slice %arg13[%dma_wait3A_88, %dma_wait3A_89] : memref<100096x8xf32, #tpu.memory_space<vmem_shared>> -> memref<100096x8xf32, #tpu.memory_space<vmem_shared>>
      tpu.wait_indirect_dma semaphore(%arg16 : memref<!tpu.dma_semaphore, #tpu.memory_space<semaphore_mem>>) src(%arg11 : memref<3584x8xf32, #tpu.memory_space<vmem>>) dst(%dma_wait3A_90 : memref<100096x8xf32, #tpu.memory_space<vmem_shared>>)
      %dma_start3A_91 = arith.constant 0 : i32
      %dma_start3A_92 = arith.constant 0 : i32
      %dma_start3A_93 = tpu.memref_slice %arg13[%dma_start3A_91, %dma_start3A_92] : memref<100096x8xf32, #tpu.memory_space<vmem_shared>> -> memref<100096x8xf32, #tpu.memory_space<vmem_shared>>
      tpu.enqueue_indirect_dma source(%arg12 : memref<3584x8xf32, #tpu.memory_space<vmem>>) target(%dma_start3A_93 : memref<100096x8xf32, #tpu.memory_space<vmem_shared>>) offsets(%arg10 : memref<3584xi32, #tpu.memory_space<vmem>>) semaphore(%arg16 : memref<!tpu.dma_semaphore, #tpu.memory_space<semaphore_mem>>) {add = true}
      %sub3A = arith.constant 1 : i32
      %sub3A_94 = arith.subi %select_n3A_10, %sub3A : i32
      %lt3A = arith.cmpi slt, %while3A_34, %sub3A_94 : i32
      %convert_element_type3A_95 = arith.extui %lt3A : i1 to i32
      %cond3A_96 = arith.constant 0 : i32
      %cond3A_97 = arith.cmpi ne, %convert_element_type3A_95, %cond3A_96 : i32
      scf.if %cond3A_97 {
        %add3A_98 = arith.constant 2 : i32
        %add3A_99 = arith.addi %mul3A_36, %add3A_98 : i32
        %add3A_100 = arith.addi %select_n3A, %add3A_99 : i32
        %mul3A_101 = arith.constant 3584 : i32
        %mul3A_102 = arith.muli %add3A_100, %mul3A_101 : i32
        %dma_start3A_103 = tpu.memref_slice %arg3[%mul3A_102] : memref<6422528xi32, #tpu.memory_space<hbm>> -> memref<3584xi32, #tpu.memory_space<hbm>>
        %dma_start3A_104 = tpu.memref_slice %arg3[%mul3A_102] : memref<6422528xi32, #tpu.memory_space<hbm>> -> memref<3584xi32, #tpu.memory_space<hbm>>
        tpu.enqueue_dma source(%dma_start3A_104 : memref<3584xi32, #tpu.memory_space<hbm>>) target(%arg7 : memref<3584xi32, #tpu.memory_space<vmem>>) target_semaphore(%arg14 : memref<!tpu.dma_semaphore, #tpu.memory_space<semaphore_mem>>)
        %add3A_105 = arith.addi %select_n3A, %add3A_99 : i32
        %mul3A_106 = arith.constant 3584 : i32
        %mul3A_107 = arith.muli %add3A_105, %mul3A_106 : i32
        %dma_start3A_108 = tpu.memref_slice %arg4[%mul3A_107] : memref<6422528xi32, #tpu.memory_space<hbm>> -> memref<3584xi32, #tpu.memory_space<hbm>>
        %dma_start3A_109 = tpu.memref_slice %arg4[%mul3A_107] : memref<6422528xi32, #tpu.memory_space<hbm>> -> memref<3584xi32, #tpu.memory_space<hbm>>
        tpu.enqueue_dma source(%dma_start3A_109 : memref<3584xi32, #tpu.memory_space<hbm>>) target(%arg9 : memref<3584xi32, #tpu.memory_space<vmem>>) target_semaphore(%arg14 : memref<!tpu.dma_semaphore, #tpu.memory_space<semaphore_mem>>)
      } else {
      }
    }
    %while3A_30 = arith.constant 1 : i32
    scf.for %while3A_34 = %while3A_28 to %while3A_24 step %while3A_30  : i32 {
      %mul3A_35 = arith.constant 2 : i32
      %mul3A_36 = arith.muli %mul3A_35, %while3A_34 : i32
      %add3A_37 = arith.addi %select_n3A, %mul3A_36 : i32
      %mul3A_38 = arith.constant 3584 : i32
      %mul3A_39 = arith.muli %add3A_37, %mul3A_38 : i32
      %dma_wait3A_40 = tpu.memref_slice %arg3[%mul3A_39] : memref<6422528xi32, #tpu.memory_space<hbm>> -> memref<3584xi32, #tpu.memory_space<hbm>>
      %dma_wait3A_41 = tpu.memref_slice %arg3[%mul3A_39] : memref<6422528xi32, #tpu.memory_space<hbm>> -> memref<3584xi32, #tpu.memory_space<hbm>>
      tpu.wait_dma2 semaphore(%arg14 : memref<!tpu.dma_semaphore, #tpu.memory_space<semaphore_mem>>) src(%dma_wait3A_41 : memref<3584xi32, #tpu.memory_space<hbm>>) dst(%arg7 : memref<3584xi32, #tpu.memory_space<vmem>>)
      %add3A_42 = arith.addi %select_n3A, %mul3A_36 : i32
      %mul3A_43 = arith.constant 3584 : i32
      %mul3A_44 = arith.muli %add3A_42, %mul3A_43 : i32
      %dma_wait3A_45 = tpu.memref_slice %arg4[%mul3A_44] : memref<6422528xi32, #tpu.memory_space<hbm>> -> memref<3584xi32, #tpu.memory_space<hbm>>
      %dma_wait3A_46 = tpu.memref_slice %arg4[%mul3A_44] : memref<6422528xi32, #tpu.memory_space<hbm>> -> memref<3584xi32, #tpu.memory_space<hbm>>
      tpu.wait_dma2 semaphore(%arg14 : memref<!tpu.dma_semaphore, #tpu.memory_space<semaphore_mem>>) src(%dma_wait3A_46 : memref<3584xi32, #tpu.memory_space<hbm>>) dst(%arg9 : memref<3584xi32, #tpu.memory_space<vmem>>)
      %dma_start3A_47 = arith.constant 0 : i32
      %dma_start3A_48 = arith.constant 0 : i32
      %dma_start3A_49 = tpu.memref_slice %arg2[%dma_start3A_47, %dma_start3A_48] : memref<100096x8xf32, #tpu.memory_space<hbm>> -> memref<100096x8xf32, #tpu.memory_space<hbm>>
      tpu.enqueue_indirect_dma source(%dma_start3A_49 : memref<100096x8xf32, #tpu.memory_space<hbm>>) target(%arg11 : memref<3584x8xf32, #tpu.memory_space<vmem>>) offsets(%arg7 : memref<3584xi32, #tpu.memory_space<vmem>>) semaphore(%arg15 : memref<!tpu.dma_semaphore, #tpu.memory_space<semaphore_mem>>)
      %dma_wait3A_50 = arith.constant 0 : i32
      %dma_wait3A_51 = arith.constant 0 : i32
      %dma_wait3A_52 = tpu.memref_slice %arg2[%dma_wait3A_50, %dma_wait3A_51] : memref<100096x8xf32, #tpu.memory_space<hbm>> -> memref<100096x8xf32, #tpu.memory_space<hbm>>
      tpu.wait_indirect_dma semaphore(%arg15 : memref<!tpu.dma_semaphore, #tpu.memory_space<semaphore_mem>>) src(%dma_wait3A_52 : memref<100096x8xf32, #tpu.memory_space<hbm>>) dst(%arg11 : memref<3584x8xf32, #tpu.memory_space<vmem>>)
      %gt3A = arith.constant 0 : i32
      %gt3A_53 = arith.cmpi sgt, %while3A_34, %gt3A : i32
      %convert_element_type3A = arith.extui %gt3A_53 : i1 to i32
      %cond3A = arith.constant 0 : i32
      %cond3A_54 = arith.cmpi ne, %convert_element_type3A, %cond3A : i32
      scf.if %cond3A_54 {
        %dma_wait3A_98 = arith.constant 0 : i32
        %dma_wait3A_99 = arith.constant 0 : i32
        %dma_wait3A_100 = tpu.memref_slice %arg13[%dma_wait3A_98, %dma_wait3A_99] : memref<100096x8xf32, #tpu.memory_space<vmem_shared>> -> memref<100096x8xf32, #tpu.memory_space<vmem_shared>>
        tpu.wait_indirect_dma semaphore(%arg16 : memref<!tpu.dma_semaphore, #tpu.memory_space<semaphore_mem>>) src(%arg12 : memref<3584x8xf32, #tpu.memory_space<vmem>>) dst(%dma_wait3A_100 : memref<100096x8xf32, #tpu.memory_space<vmem_shared>>)
      } else {
      }
      %dma_start3A_55 = arith.constant 0 : i32
      %dma_start3A_56 = arith.constant 0 : i32
      %dma_start3A_57 = tpu.memref_slice %arg13[%dma_start3A_55, %dma_start3A_56] : memref<100096x8xf32, #tpu.memory_space<vmem_shared>> -> memref<100096x8xf32, #tpu.memory_space<vmem_shared>>
      tpu.enqueue_indirect_dma source(%arg11 : memref<3584x8xf32, #tpu.memory_space<vmem>>) target(%dma_start3A_57 : memref<100096x8xf32, #tpu.memory_space<vmem_shared>>) offsets(%arg9 : memref<3584xi32, #tpu.memory_space<vmem>>) semaphore(%arg16 : memref<!tpu.dma_semaphore, #tpu.memory_space<semaphore_mem>>) {add = true}
      %add3A_58 = arith.constant 1 : i32
      %add3A_59 = arith.addi %mul3A_36, %add3A_58 : i32
      %add3A_60 = arith.addi %select_n3A, %add3A_59 : i32
      %mul3A_61 = arith.constant 3584 : i32
      %mul3A_62 = arith.muli %add3A_60, %mul3A_61 : i32
      %dma_start3A_63 = tpu.memref_slice %arg3[%mul3A_62] : memref<6422528xi32, #tpu.memory_space<hbm>> -> memref<3584xi32, #tpu.memory_space<hbm>>
      %dma_start3A_64 = tpu.memref_slice %arg3[%mul3A_62] : memref<6422528xi32, #tpu.memory_space<hbm>> -> memref<3584xi32, #tpu.memory_space<hbm>>
      tpu.enqueue_dma source(%dma_start3A_64 : memref<3584xi32, #tpu.memory_space<hbm>>) target(%arg8 : memref<3584xi32, #tpu.memory_space<vmem>>) target_semaphore(%arg14 : memref<!tpu.dma_semaphore, #tpu.memory_space<semaphore_mem>>)
      %add3A_65 = arith.addi %select_n3A, %add3A_59 : i32
      %mul3A_66 = arith.constant 3584 : i32
      %mul3A_67 = arith.muli %add3A_65, %mul3A_66 : i32
      %dma_start3A_68 = tpu.memref_slice %arg4[%mul3A_67] : memref<6422528xi32, #tpu.memory_space<hbm>> -> memref<3584xi32, #tpu.memory_space<hbm>>
      %dma_start3A_69 = tpu.memref_slice %arg4[%mul3A_67] : memref<6422528xi32, #tpu.memory_space<hbm>> -> memref<3584xi32, #tpu.memory_space<hbm>>
      tpu.enqueue_dma source(%dma_start3A_69 : memref<3584xi32, #tpu.memory_space<hbm>>) target(%arg10 : memref<3584xi32, #tpu.memory_space<vmem>>) target_semaphore(%arg14 : memref<!tpu.dma_semaphore, #tpu.memory_space<semaphore_mem>>)
      %add3A_70 = arith.constant 1 : i32
      %add3A_71 = arith.addi %mul3A_36, %add3A_70 : i32
      %add3A_72 = arith.addi %select_n3A, %add3A_71 : i32
      %mul3A_73 = arith.constant 3584 : i32
      %mul3A_74 = arith.muli %add3A_72, %mul3A_73 : i32
      %dma_wait3A_75 = tpu.memref_slice %arg3[%mul3A_74] : memref<6422528xi32, #tpu.memory_space<hbm>> -> memref<3584xi32, #tpu.memory_space<hbm>>
      %dma_wait3A_76 = tpu.memref_slice %arg3[%mul3A_74] : memref<6422528xi32, #tpu.memory_space<hbm>> -> memref<3584xi32, #tpu.memory_space<hbm>>
      tpu.wait_dma2 semaphore(%arg14 : memref<!tpu.dma_semaphore, #tpu.memory_space<semaphore_mem>>) src(%dma_wait3A_76 : memref<3584xi32, #tpu.memory_space<hbm>>) dst(%arg8 : memref<3584xi32, #tpu.memory_space<vmem>>)
      %add3A_77 = arith.addi %select_n3A, %add3A_71 : i32
      %mul3A_78 = arith.constant 3584 : i32
      %mul3A_79 = arith.muli %add3A_77, %mul3A_78 : i32
      %dma_wait3A_80 = tpu.memref_slice %arg4[%mul3A_79] : memref<6422528xi32, #tpu.memory_space<hbm>> -> memref<3584xi32, #tpu.memory_space<hbm>>
      %dma_wait3A_81 = tpu.memref_slice %arg4[%mul3A_79] : memref<6422528xi32, #tpu.memory_space<hbm>> -> memref<3584xi32, #tpu.memory_space<hbm>>
      tpu.wait_dma2 semaphore(%arg14 : memref<!tpu.dma_semaphore, #tpu.memory_space<semaphore_mem>>) src(%dma_wait3A_81 : memref<3584xi32, #tpu.memory_space<hbm>>) dst(%arg10 : memref<3584xi32, #tpu.memory_space<vmem>>)
      %dma_start3A_82 = arith.constant 0 : i32
      %dma_start3A_83 = arith.constant 0 : i32
      %dma_start3A_84 = tpu.memref_slice %arg2[%dma_start3A_82, %dma_start3A_83] : memref<100096x8xf32, #tpu.memory_space<hbm>> -> memref<100096x8xf32, #tpu.memory_space<hbm>>
      tpu.enqueue_indirect_dma source(%dma_start3A_84 : memref<100096x8xf32, #tpu.memory_space<hbm>>) target(%arg12 : memref<3584x8xf32, #tpu.memory_space<vmem>>) offsets(%arg8 : memref<3584xi32, #tpu.memory_space<vmem>>) semaphore(%arg15 : memref<!tpu.dma_semaphore, #tpu.memory_space<semaphore_mem>>)
      %dma_wait3A_85 = arith.constant 0 : i32
      %dma_wait3A_86 = arith.constant 0 : i32
      %dma_wait3A_87 = tpu.memref_slice %arg2[%dma_wait3A_85, %dma_wait3A_86] : memref<100096x8xf32, #tpu.memory_space<hbm>> -> memref<100096x8xf32, #tpu.memory_space<hbm>>
      tpu.wait_indirect_dma semaphore(%arg15 : memref<!tpu.dma_semaphore, #tpu.memory_space<semaphore_mem>>) src(%dma_wait3A_87 : memref<100096x8xf32, #tpu.memory_space<hbm>>) dst(%arg12 : memref<3584x8xf32, #tpu.memory_space<vmem>>)
      %dma_wait3A_88 = arith.constant 0 : i32
      %dma_wait3A_89 = arith.constant 0 : i32
      %dma_wait3A_90 = tpu.memref_slice %arg13[%dma_wait3A_88, %dma_wait3A_89] : memref<100096x8xf32, #tpu.memory_space<vmem_shared>> -> memref<100096x8xf32, #tpu.memory_space<vmem_shared>>
      tpu.wait_indirect_dma semaphore(%arg16 : memref<!tpu.dma_semaphore, #tpu.memory_space<semaphore_mem>>) src(%arg11 : memref<3584x8xf32, #tpu.memory_space<vmem>>) dst(%dma_wait3A_90 : memref<100096x8xf32, #tpu.memory_space<vmem_shared>>)
      %dma_start3A_91 = arith.constant 0 : i32
      %dma_start3A_92 = arith.constant 0 : i32
      %dma_start3A_93 = tpu.memref_slice %arg13[%dma_start3A_91, %dma_start3A_92] : memref<100096x8xf32, #tpu.memory_space<vmem_shared>> -> memref<100096x8xf32, #tpu.memory_space<vmem_shared>>
      tpu.enqueue_indirect_dma source(%arg12 : memref<3584x8xf32, #tpu.memory_space<vmem>>) target(%dma_start3A_93 : memref<100096x8xf32, #tpu.memory_space<vmem_shared>>) offsets(%arg10 : memref<3584xi32, #tpu.memory_space<vmem>>) semaphore(%arg16 : memref<!tpu.dma_semaphore, #tpu.memory_space<semaphore_mem>>) {add = true}
      %sub3A = arith.constant 1 : i32
      %sub3A_94 = arith.subi %select_n3A_10, %sub3A : i32
      %lt3A = arith.cmpi slt, %while3A_34, %sub3A_94 : i32
      %convert_element_type3A_95 = arith.extui %lt3A : i1 to i32
      %cond3A_96 = arith.constant 0 : i32
      %cond3A_97 = arith.cmpi ne, %convert_element_type3A_95, %cond3A_96 : i32
      scf.if %cond3A_97 {
        %add3A_98 = arith.constant 2 : i32
        %add3A_99 = arith.addi %mul3A_36, %add3A_98 : i32
        %add3A_100 = arith.addi %select_n3A, %add3A_99 : i32
        %mul3A_101 = arith.constant 3584 : i32
        %mul3A_102 = arith.muli %add3A_100, %mul3A_101 : i32
        %dma_start3A_103 = tpu.memref_slice %arg3[%mul3A_102] : memref<6422528xi32, #tpu.memory_space<hbm>> -> memref<3584xi32, #tpu.memory_space<hbm>>
        %dma_start3A_104 = tpu.memref_slice %arg3[%mul3A_102] : memref<6422528xi32, #tpu.memory_space<hbm>> -> memref<3584xi32, #tpu.memory_space<hbm>>
        tpu.enqueue_dma source(%dma_start3A_104 : memref<3584xi32, #tpu.memory_space<hbm>>) target(%arg7 : memref<3584xi32, #tpu.memory_space<vmem>>) target_semaphore(%arg14 : memref<!tpu.dma_semaphore, #tpu.memory_space<semaphore_mem>>)
        %add3A_105 = arith.addi %select_n3A, %add3A_99 : i32
        %mul3A_106 = arith.constant 3584 : i32
        %mul3A_107 = arith.muli %add3A_105, %mul3A_106 : i32
        %dma_start3A_108 = tpu.memref_slice %arg4[%mul3A_107] : memref<6422528xi32, #tpu.memory_space<hbm>> -> memref<3584xi32, #tpu.memory_space<hbm>>
        %dma_start3A_109 = tpu.memref_slice %arg4[%mul3A_107] : memref<6422528xi32, #tpu.memory_space<hbm>> -> memref<3584xi32, #tpu.memory_space<hbm>>
        tpu.enqueue_dma source(%dma_start3A_109 : memref<3584xi32, #tpu.memory_space<hbm>>) target(%arg9 : memref<3584xi32, #tpu.memory_space<vmem>>) target_semaphore(%arg14 : memref<!tpu.dma_semaphore, #tpu.memory_space<semaphore_mem>>)
      } else {
      }
    }
    %dma_wait3A = arith.constant 0 : i32
    %dma_wait3A_31 = arith.constant 0 : i32
    %dma_wait3A_32 = tpu.memref_slice %arg13[%dma_wait3A, %dma_wait3A_31] : memref<100096x8xf32, #tpu.memory_space<vmem_shared>> -> memref<100096x8xf32, #tpu.memory_space<vmem_shared>>
    tpu.wait_indirect_dma semaphore(%arg16 : memref<!tpu.dma_semaphore, #tpu.memory_space<semaphore_mem>>) src(%arg12 : memref<3584x8xf32, #tpu.memory_space<vmem>>) dst(%dma_wait3A_32 : memref<100096x8xf32, #tpu.memory_space<vmem_shared>>)
    %barrier3A_33 = arith.constant 0 : index
    tpu.barrier barrier_id(%barrier3A_33)
    "tpu.region"() ({
      %run_scoped3A = tpu.sem_alloc : memref<!tpu.dma_semaphore, #tpu.memory_space<semaphore_mem>>
      %dma_start3A_34 = arith.constant 0 : i32
      %dma_start3A_35 = tpu.memref_slice %arg6[%arg0, %mul3A_0, %dma_start3A_34] : memref<2x100096x8xf32, #tpu.memory_space<hbm>> -> memref<1x6256x8xf32, #tpu.memory_space<hbm>>
      %dma_start3A_36 = tpu.memref_squeeze %dma_start3A_35 : memref<1x6256x8xf32, #tpu.memory_space<hbm>> -> memref<6256x8xf32, #tpu.memory_space<hbm>>
      %dma_start3A_37 = arith.constant 0 : i32
      %dma_start3A_38 = tpu.memref_slice %arg13[%mul3A_0, %dma_start3A_37] : memref<100096x8xf32, #tpu.memory_space<vmem_shared>> -> memref<6256x8xf32, #tpu.memory_space<vmem_shared>>
      tpu.enqueue_dma source(%dma_start3A_38 : memref<6256x8xf32, #tpu.memory_space<vmem_shared>>) target(%dma_start3A_36 : memref<6256x8xf32, #tpu.memory_space<hbm>>) target_semaphore(%run_scoped3A : memref<!tpu.dma_semaphore, #tpu.memory_space<semaphore_mem>>)
      %dma_wait3A_39 = arith.constant 0 : i32
      %dma_wait3A_40 = tpu.memref_slice %arg6[%arg0, %mul3A_0, %dma_wait3A_39] : memref<2x100096x8xf32, #tpu.memory_space<hbm>> -> memref<1x6256x8xf32, #tpu.memory_space<hbm>>
      %dma_wait3A_41 = tpu.memref_squeeze %dma_wait3A_40 : memref<1x6256x8xf32, #tpu.memory_space<hbm>> -> memref<6256x8xf32, #tpu.memory_space<hbm>>
      %dma_wait3A_42 = arith.constant 0 : i32
      %dma_wait3A_43 = tpu.memref_slice %arg13[%mul3A_0, %dma_wait3A_42] : memref<100096x8xf32, #tpu.memory_space<vmem_shared>> -> memref<6256x8xf32, #tpu.memory_space<vmem_shared>>
      tpu.wait_dma2 semaphore(%run_scoped3A : memref<!tpu.dma_semaphore, #tpu.memory_space<semaphore_mem>>) src(%dma_wait3A_43 : memref<6256x8xf32, #tpu.memory_space<vmem_shared>>) dst(%dma_wait3A_41 : memref<6256x8xf32, #tpu.memory_space<hbm>>)
      tpu.yield
    }) : () -> ()
    return
  }
}

#map = affine_map<(d0, d1) -> (0, 0)>
#map1 = affine_map<(d0, d1) -> (0)>
#map2 = affine_map<(d0, d1) -> (0, 0, 0)>
module attributes {stable_mosaic.version = 14 : i64} {
  func.func @_edge_kernel(%arg0: i32, %arg1: i32, %arg2: memref<100096x8xf32, #tpu.memory_space<hbm>>, %arg3: memref<6422528xi32, #tpu.memory_space<hbm>>, %arg4: memref<6422528xi32, #tpu.memory_space<hbm>>, %arg5: memref<100096x8xf32, #tpu.memory_space<hbm>>, %arg6: memref<2x100096x8xf32, #tpu.memory_space<hbm>>, %arg7: memref<3584xi32, #tpu.memory_space<vmem>>, %arg8: memref<3584xi32, #tpu.memory_space<vmem>>, %arg9: memref<3584xi32, #tpu.memory_space<vmem>>, %arg10: memref<3584xi32, #tpu.memory_space<vmem>>, %arg11: memref<3584x8xf32, #tpu.memory_space<vmem>>, %arg12: memref<3584x8xf32, #tpu.memory_space<vmem>>, %arg13: memref<100096x8xf32, #tpu.memory_space<vmem_shared>>, %arg14: memref<!tpu.dma_semaphore, #tpu.memory_space<semaphore_mem>>, %arg15: memref<!tpu.dma_semaphore, #tpu.memory_space<semaphore_mem>>, %arg16: memref<!tpu.dma_semaphore, #tpu.memory_space<semaphore_mem>>) attributes {dimension_semantics = [#tpu.dimension_semantics<core_parallel>, #tpu.dimension_semantics<subcore_parallel>], iteration_bounds = array<i64: 2, 16>, scalar_prefetch = 0 : i64, scratch_operands = 10 : i64, tpu.core_type = #tpu.core_type<sc_vector_subcore>, window_params = [{transform_indices = #map}, {transform_indices = #map1}, {transform_indices = #map1}, {transform_indices = #map}, {transform_indices = #map2}]} {
    %mul3A = arith.constant 6256 : i32
    %mul3A_0 = arith.muli %arg1, %mul3A : i32
    "tpu.region"() ({
      %run_scoped3A = tpu.sem_alloc : memref<!tpu.dma_semaphore, #tpu.memory_space<semaphore_mem>>
      %dma_start3A_34 = arith.constant 0 : i32
      %dma_start3A_35 = tpu.memref_slice %arg13[%mul3A_0, %dma_start3A_34] : memref<100096x8xf32, #tpu.memory_space<vmem_shared>> -> memref<6256x8xf32, #tpu.memory_space<vmem_shared>>
      %dma_start3A_36 = arith.constant 0 : i32
      %dma_start3A_37 = tpu.memref_slice %arg5[%mul3A_0, %dma_start3A_36] : memref<100096x8xf32, #tpu.memory_space<hbm>> -> memref<6256x8xf32, #tpu.memory_space<hbm>>
      tpu.enqueue_dma source(%dma_start3A_37 : memref<6256x8xf32, #tpu.memory_space<hbm>>) target(%dma_start3A_35 : memref<6256x8xf32, #tpu.memory_space<vmem_shared>>) target_semaphore(%run_scoped3A : memref<!tpu.dma_semaphore, #tpu.memory_space<semaphore_mem>>)
      %dma_wait3A_38 = arith.constant 0 : i32
      %dma_wait3A_39 = tpu.memref_slice %arg13[%mul3A_0, %dma_wait3A_38] : memref<100096x8xf32, #tpu.memory_space<vmem_shared>> -> memref<6256x8xf32, #tpu.memory_space<vmem_shared>>
      %dma_wait3A_40 = arith.constant 0 : i32
      %dma_wait3A_41 = tpu.memref_slice %arg5[%mul3A_0, %dma_wait3A_40] : memref<100096x8xf32, #tpu.memory_space<hbm>> -> memref<6256x8xf32, #tpu.memory_space<hbm>>
      tpu.wait_dma2 semaphore(%run_scoped3A : memref<!tpu.dma_semaphore, #tpu.memory_space<semaphore_mem>>) src(%dma_wait3A_41 : memref<6256x8xf32, #tpu.memory_space<hbm>>) dst(%dma_wait3A_39 : memref<6256x8xf32, #tpu.memory_space<vmem_shared>>)
      tpu.yield
    }) : () -> ()
    %barrier3A = arith.constant 0 : index
    tpu.barrier barrier_id(%barrier3A)
    %eq3A = arith.constant 0 : i32
    %eq3A_1 = arith.cmpi eq, %arg0, %eq3A : i32
    %mul3A_2 = arith.constant 52 : i32
    %mul3A_3 = arith.muli %arg1, %mul3A_2 : i32
    %mul3A_4 = arith.constant 60 : i32
    %mul3A_5 = arith.muli %arg1, %mul3A_4 : i32
    %add3A = arith.constant 832 : i32
    %add3A_6 = arith.addi %add3A, %mul3A_5 : i32
    %select_n3A = arith.select %eq3A_1, %mul3A_3, %add3A_6 : i32
    %eq3A_7 = arith.constant 0 : i32
    %eq3A_8 = arith.cmpi eq, %arg0, %eq3A_7 : i32
    %jit3A = arith.constant 26 : i32
    %jit3A_9 = arith.constant 30 : i32
    %select_n3A_10 = arith.select %eq3A_8, %jit3A, %jit3A_9 : i32
    %add3A_11 = arith.constant 0 : i32
    %add3A_12 = arith.addi %select_n3A, %add3A_11 : i32
    %mul3A_13 = arith.constant 3584 : i32
    %mul3A_14 = arith.muli %add3A_12, %mul3A_13 : i32
    %dma_start3A = tpu.memref_slice %arg3[%mul3A_14] : memref<6422528xi32, #tpu.memory_space<hbm>> -> memref<3584xi32, #tpu.memory_space<hbm>>
    %dma_start3A_15 = tpu.memref_slice %arg3[%mul3A_14] : memref<6422528xi32, #tpu.memory_space<hbm>> -> memref<3584xi32, #tpu.memory_space<hbm>>
    tpu.enqueue_dma source(%dma_start3A_15 : memref<3584xi32, #tpu.memory_space<hbm>>) target(%arg7 : memref<3584xi32, #tpu.memory_space<vmem>>) target_semaphore(%arg14 : memref<!tpu.dma_semaphore, #tpu.memory_space<semaphore_mem>>)
    %add3A_16 = arith.constant 0 : i32
    %add3A_17 = arith.addi %select_n3A, %add3A_16 : i32
    %mul3A_18 = arith.constant 3584 : i32
    %mul3A_19 = arith.muli %add3A_17, %mul3A_18 : i32
    %dma_start3A_20 = tpu.memref_slice %arg4[%mul3A_19] : memref<6422528xi32, #tpu.memory_space<hbm>> -> memref<3584xi32, #tpu.memory_space<hbm>>
    %dma_start3A_21 = tpu.memref_slice %arg4[%mul3A_19] : memref<6422528xi32, #tpu.memory_space<hbm>> -> memref<3584xi32, #tpu.memory_space<hbm>>
    tpu.enqueue_dma source(%dma_start3A_21 : memref<3584xi32, #tpu.memory_space<hbm>>) target(%arg9 : memref<3584xi32, #tpu.memory_space<vmem>>) target_semaphore(%arg14 : memref<!tpu.dma_semaphore, #tpu.memory_space<semaphore_mem>>)
    %while3A = arith.constant 0 : i32
    %while3A_22 = arith.constant 0 : i32
    %while3A_23 = arith.subi %select_n3A_10, %while3A_22 : i32
    %while3A_24 = arith.addi %while3A_22, %while3A_23 : i32
    %while3A_25 = arith.constant 1 : i32
    %while3A_26 = arith.divsi %while3A_23, %while3A_25 : i32
    %while3A_27 = arith.muli %while3A_26, %while3A_25 : i32
    %while3A_28 = arith.addi %while3A_22, %while3A_27 : i32
    %while3A_29 = arith.constant 1 : i32
    scf.for %while3A_34 = %while3A_22 to %while3A_28 step %while3A_29  : i32 {
      %mul3A_35 = arith.constant 2 : i32
      %mul3A_36 = arith.muli %mul3A_35, %while3A_34 : i32
      %add3A_37 = arith.addi %select_n3A, %mul3A_36 : i32
      %mul3A_38 = arith.constant 3584 : i32
      %mul3A_39 = arith.muli %add3A_37, %mul3A_38 : i32
      %dma_wait3A_40 = tpu.memref_slice %arg3[%mul3A_39] : memref<6422528xi32, #tpu.memory_space<hbm>> -> memref<3584xi32, #tpu.memory_space<hbm>>
      %dma_wait3A_41 = tpu.memref_slice %arg3[%mul3A_39] : memref<6422528xi32, #tpu.memory_space<hbm>> -> memref<3584xi32, #tpu.memory_space<hbm>>
      tpu.wait_dma2 semaphore(%arg14 : memref<!tpu.dma_semaphore, #tpu.memory_space<semaphore_mem>>) src(%dma_wait3A_41 : memref<3584xi32, #tpu.memory_space<hbm>>) dst(%arg7 : memref<3584xi32, #tpu.memory_space<vmem>>)
      %add3A_42 = arith.addi %select_n3A, %mul3A_36 : i32
      %mul3A_43 = arith.constant 3584 : i32
      %mul3A_44 = arith.muli %add3A_42, %mul3A_43 : i32
      %dma_wait3A_45 = tpu.memref_slice %arg4[%mul3A_44] : memref<6422528xi32, #tpu.memory_space<hbm>> -> memref<3584xi32, #tpu.memory_space<hbm>>
      %dma_wait3A_46 = tpu.memref_slice %arg4[%mul3A_44] : memref<6422528xi32, #tpu.memory_space<hbm>> -> memref<3584xi32, #tpu.memory_space<hbm>>
      tpu.wait_dma2 semaphore(%arg14 : memref<!tpu.dma_semaphore, #tpu.memory_space<semaphore_mem>>) src(%dma_wait3A_46 : memref<3584xi32, #tpu.memory_space<hbm>>) dst(%arg9 : memref<3584xi32, #tpu.memory_space<vmem>>)
      %dma_start3A_47 = arith.constant 0 : i32
      %dma_start3A_48 = arith.constant 0 : i32
      %dma_start3A_49 = tpu.memref_slice %arg2[%dma_start3A_47, %dma_start3A_48] : memref<100096x8xf32, #tpu.memory_space<hbm>> -> memref<100096x8xf32, #tpu.memory_space<hbm>>
      tpu.enqueue_indirect_dma source(%dma_start3A_49 : memref<100096x8xf32, #tpu.memory_space<hbm>>) target(%arg11 : memref<3584x8xf32, #tpu.memory_space<vmem>>) offsets(%arg7 : memref<3584xi32, #tpu.memory_space<vmem>>) semaphore(%arg15 : memref<!tpu.dma_semaphore, #tpu.memory_space<semaphore_mem>>)
      %dma_wait3A_50 = arith.constant 0 : i32
      %dma_wait3A_51 = arith.constant 0 : i32
      %dma_wait3A_52 = tpu.memref_slice %arg2[%dma_wait3A_50, %dma_wait3A_51] : memref<100096x8xf32, #tpu.memory_space<hbm>> -> memref<100096x8xf32, #tpu.memory_space<hbm>>
      tpu.wait_indirect_dma semaphore(%arg15 : memref<!tpu.dma_semaphore, #tpu.memory_space<semaphore_mem>>) src(%dma_wait3A_52 : memref<100096x8xf32, #tpu.memory_space<hbm>>) dst(%arg11 : memref<3584x8xf32, #tpu.memory_space<vmem>>)
      %gt3A = arith.constant 0 : i32
      %gt3A_53 = arith.cmpi sgt, %while3A_34, %gt3A : i32
      %convert_element_type3A = arith.extui %gt3A_53 : i1 to i32
      %cond3A = arith.constant 0 : i32
      %cond3A_54 = arith.cmpi ne, %convert_element_type3A, %cond3A : i32
      scf.if %cond3A_54 {
        %dma_wait3A_98 = arith.constant 0 : i32
        %dma_wait3A_99 = arith.constant 0 : i32
        %dma_wait3A_100 = tpu.memref_slice %arg13[%dma_wait3A_98, %dma_wait3A_99] : memref<100096x8xf32, #tpu.memory_space<vmem_shared>> -> memref<100096x8xf32, #tpu.memory_space<vmem_shared>>
        tpu.wait_indirect_dma semaphore(%arg16 : memref<!tpu.dma_semaphore, #tpu.memory_space<semaphore_mem>>) src(%arg12 : memref<3584x8xf32, #tpu.memory_space<vmem>>) dst(%dma_wait3A_100 : memref<100096x8xf32, #tpu.memory_space<vmem_shared>>)
      } else {
      }
      %dma_start3A_55 = arith.constant 0 : i32
      %dma_start3A_56 = arith.constant 0 : i32
      %dma_start3A_57 = tpu.memref_slice %arg13[%dma_start3A_55, %dma_start3A_56] : memref<100096x8xf32, #tpu.memory_space<vmem_shared>> -> memref<100096x8xf32, #tpu.memory_space<vmem_shared>>
      tpu.enqueue_indirect_dma source(%arg11 : memref<3584x8xf32, #tpu.memory_space<vmem>>) target(%dma_start3A_57 : memref<100096x8xf32, #tpu.memory_space<vmem_shared>>) offsets(%arg9 : memref<3584xi32, #tpu.memory_space<vmem>>) semaphore(%arg16 : memref<!tpu.dma_semaphore, #tpu.memory_space<semaphore_mem>>) {add = true}
      %add3A_58 = arith.constant 1 : i32
      %add3A_59 = arith.addi %mul3A_36, %add3A_58 : i32
      %add3A_60 = arith.addi %select_n3A, %add3A_59 : i32
      %mul3A_61 = arith.constant 3584 : i32
      %mul3A_62 = arith.muli %add3A_60, %mul3A_61 : i32
      %dma_start3A_63 = tpu.memref_slice %arg3[%mul3A_62] : memref<6422528xi32, #tpu.memory_space<hbm>> -> memref<3584xi32, #tpu.memory_space<hbm>>
      %dma_start3A_64 = tpu.memref_slice %arg3[%mul3A_62] : memref<6422528xi32, #tpu.memory_space<hbm>> -> memref<3584xi32, #tpu.memory_space<hbm>>
      tpu.enqueue_dma source(%dma_start3A_64 : memref<3584xi32, #tpu.memory_space<hbm>>) target(%arg8 : memref<3584xi32, #tpu.memory_space<vmem>>) target_semaphore(%arg14 : memref<!tpu.dma_semaphore, #tpu.memory_space<semaphore_mem>>)
      %add3A_65 = arith.addi %select_n3A, %add3A_59 : i32
      %mul3A_66 = arith.constant 3584 : i32
      %mul3A_67 = arith.muli %add3A_65, %mul3A_66 : i32
      %dma_start3A_68 = tpu.memref_slice %arg4[%mul3A_67] : memref<6422528xi32, #tpu.memory_space<hbm>> -> memref<3584xi32, #tpu.memory_space<hbm>>
      %dma_start3A_69 = tpu.memref_slice %arg4[%mul3A_67] : memref<6422528xi32, #tpu.memory_space<hbm>> -> memref<3584xi32, #tpu.memory_space<hbm>>
      tpu.enqueue_dma source(%dma_start3A_69 : memref<3584xi32, #tpu.memory_space<hbm>>) target(%arg10 : memref<3584xi32, #tpu.memory_space<vmem>>) target_semaphore(%arg14 : memref<!tpu.dma_semaphore, #tpu.memory_space<semaphore_mem>>)
      %add3A_70 = arith.constant 1 : i32
      %add3A_71 = arith.addi %mul3A_36, %add3A_70 : i32
      %add3A_72 = arith.addi %select_n3A, %add3A_71 : i32
      %mul3A_73 = arith.constant 3584 : i32
      %mul3A_74 = arith.muli %add3A_72, %mul3A_73 : i32
      %dma_wait3A_75 = tpu.memref_slice %arg3[%mul3A_74] : memref<6422528xi32, #tpu.memory_space<hbm>> -> memref<3584xi32, #tpu.memory_space<hbm>>
      %dma_wait3A_76 = tpu.memref_slice %arg3[%mul3A_74] : memref<6422528xi32, #tpu.memory_space<hbm>> -> memref<3584xi32, #tpu.memory_space<hbm>>
      tpu.wait_dma2 semaphore(%arg14 : memref<!tpu.dma_semaphore, #tpu.memory_space<semaphore_mem>>) src(%dma_wait3A_76 : memref<3584xi32, #tpu.memory_space<hbm>>) dst(%arg8 : memref<3584xi32, #tpu.memory_space<vmem>>)
      %add3A_77 = arith.addi %select_n3A, %add3A_71 : i32
      %mul3A_78 = arith.constant 3584 : i32
      %mul3A_79 = arith.muli %add3A_77, %mul3A_78 : i32
      %dma_wait3A_80 = tpu.memref_slice %arg4[%mul3A_79] : memref<6422528xi32, #tpu.memory_space<hbm>> -> memref<3584xi32, #tpu.memory_space<hbm>>
      %dma_wait3A_81 = tpu.memref_slice %arg4[%mul3A_79] : memref<6422528xi32, #tpu.memory_space<hbm>> -> memref<3584xi32, #tpu.memory_space<hbm>>
      tpu.wait_dma2 semaphore(%arg14 : memref<!tpu.dma_semaphore, #tpu.memory_space<semaphore_mem>>) src(%dma_wait3A_81 : memref<3584xi32, #tpu.memory_space<hbm>>) dst(%arg10 : memref<3584xi32, #tpu.memory_space<vmem>>)
      %dma_start3A_82 = arith.constant 0 : i32
      %dma_start3A_83 = arith.constant 0 : i32
      %dma_start3A_84 = tpu.memref_slice %arg2[%dma_start3A_82, %dma_start3A_83] : memref<100096x8xf32, #tpu.memory_space<hbm>> -> memref<100096x8xf32, #tpu.memory_space<hbm>>
      tpu.enqueue_indirect_dma source(%dma_start3A_84 : memref<100096x8xf32, #tpu.memory_space<hbm>>) target(%arg12 : memref<3584x8xf32, #tpu.memory_space<vmem>>) offsets(%arg8 : memref<3584xi32, #tpu.memory_space<vmem>>) semaphore(%arg15 : memref<!tpu.dma_semaphore, #tpu.memory_space<semaphore_mem>>)
      %dma_wait3A_85 = arith.constant 0 : i32
      %dma_wait3A_86 = arith.constant 0 : i32
      %dma_wait3A_87 = tpu.memref_slice %arg2[%dma_wait3A_85, %dma_wait3A_86] : memref<100096x8xf32, #tpu.memory_space<hbm>> -> memref<100096x8xf32, #tpu.memory_space<hbm>>
      tpu.wait_indirect_dma semaphore(%arg15 : memref<!tpu.dma_semaphore, #tpu.memory_space<semaphore_mem>>) src(%dma_wait3A_87 : memref<100096x8xf32, #tpu.memory_space<hbm>>) dst(%arg12 : memref<3584x8xf32, #tpu.memory_space<vmem>>)
      %dma_wait3A_88 = arith.constant 0 : i32
      %dma_wait3A_89 = arith.constant 0 : i32
      %dma_wait3A_90 = tpu.memref_slice %arg13[%dma_wait3A_88, %dma_wait3A_89] : memref<100096x8xf32, #tpu.memory_space<vmem_shared>> -> memref<100096x8xf32, #tpu.memory_space<vmem_shared>>
      tpu.wait_indirect_dma semaphore(%arg16 : memref<!tpu.dma_semaphore, #tpu.memory_space<semaphore_mem>>) src(%arg11 : memref<3584x8xf32, #tpu.memory_space<vmem>>) dst(%dma_wait3A_90 : memref<100096x8xf32, #tpu.memory_space<vmem_shared>>)
      %dma_start3A_91 = arith.constant 0 : i32
      %dma_start3A_92 = arith.constant 0 : i32
      %dma_start3A_93 = tpu.memref_slice %arg13[%dma_start3A_91, %dma_start3A_92] : memref<100096x8xf32, #tpu.memory_space<vmem_shared>> -> memref<100096x8xf32, #tpu.memory_space<vmem_shared>>
      tpu.enqueue_indirect_dma source(%arg12 : memref<3584x8xf32, #tpu.memory_space<vmem>>) target(%dma_start3A_93 : memref<100096x8xf32, #tpu.memory_space<vmem_shared>>) offsets(%arg10 : memref<3584xi32, #tpu.memory_space<vmem>>) semaphore(%arg16 : memref<!tpu.dma_semaphore, #tpu.memory_space<semaphore_mem>>) {add = true}
      %sub3A = arith.constant 1 : i32
      %sub3A_94 = arith.subi %select_n3A_10, %sub3A : i32
      %lt3A = arith.cmpi slt, %while3A_34, %sub3A_94 : i32
      %convert_element_type3A_95 = arith.extui %lt3A : i1 to i32
      %cond3A_96 = arith.constant 0 : i32
      %cond3A_97 = arith.cmpi ne, %convert_element_type3A_95, %cond3A_96 : i32
      scf.if %cond3A_97 {
        %add3A_98 = arith.constant 2 : i32
        %add3A_99 = arith.addi %mul3A_36, %add3A_98 : i32
        %add3A_100 = arith.addi %select_n3A, %add3A_99 : i32
        %mul3A_101 = arith.constant 3584 : i32
        %mul3A_102 = arith.muli %add3A_100, %mul3A_101 : i32
        %dma_start3A_103 = tpu.memref_slice %arg3[%mul3A_102] : memref<6422528xi32, #tpu.memory_space<hbm>> -> memref<3584xi32, #tpu.memory_space<hbm>>
        %dma_start3A_104 = tpu.memref_slice %arg3[%mul3A_102] : memref<6422528xi32, #tpu.memory_space<hbm>> -> memref<3584xi32, #tpu.memory_space<hbm>>
        tpu.enqueue_dma source(%dma_start3A_104 : memref<3584xi32, #tpu.memory_space<hbm>>) target(%arg7 : memref<3584xi32, #tpu.memory_space<vmem>>) target_semaphore(%arg14 : memref<!tpu.dma_semaphore, #tpu.memory_space<semaphore_mem>>)
        %add3A_105 = arith.addi %select_n3A, %add3A_99 : i32
        %mul3A_106 = arith.constant 3584 : i32
        %mul3A_107 = arith.muli %add3A_105, %mul3A_106 : i32
        %dma_start3A_108 = tpu.memref_slice %arg4[%mul3A_107] : memref<6422528xi32, #tpu.memory_space<hbm>> -> memref<3584xi32, #tpu.memory_space<hbm>>
        %dma_start3A_109 = tpu.memref_slice %arg4[%mul3A_107] : memref<6422528xi32, #tpu.memory_space<hbm>> -> memref<3584xi32, #tpu.memory_space<hbm>>
        tpu.enqueue_dma source(%dma_start3A_109 : memref<3584xi32, #tpu.memory_space<hbm>>) target(%arg9 : memref<3584xi32, #tpu.memory_space<vmem>>) target_semaphore(%arg14 : memref<!tpu.dma_semaphore, #tpu.memory_space<semaphore_mem>>)
      } else {
      }
    }
    %while3A_30 = arith.constant 1 : i32
    scf.for %while3A_34 = %while3A_28 to %while3A_24 step %while3A_30  : i32 {
      %mul3A_35 = arith.constant 2 : i32
      %mul3A_36 = arith.muli %mul3A_35, %while3A_34 : i32
      %add3A_37 = arith.addi %select_n3A, %mul3A_36 : i32
      %mul3A_38 = arith.constant 3584 : i32
      %mul3A_39 = arith.muli %add3A_37, %mul3A_38 : i32
      %dma_wait3A_40 = tpu.memref_slice %arg3[%mul3A_39] : memref<6422528xi32, #tpu.memory_space<hbm>> -> memref<3584xi32, #tpu.memory_space<hbm>>
      %dma_wait3A_41 = tpu.memref_slice %arg3[%mul3A_39] : memref<6422528xi32, #tpu.memory_space<hbm>> -> memref<3584xi32, #tpu.memory_space<hbm>>
      tpu.wait_dma2 semaphore(%arg14 : memref<!tpu.dma_semaphore, #tpu.memory_space<semaphore_mem>>) src(%dma_wait3A_41 : memref<3584xi32, #tpu.memory_space<hbm>>) dst(%arg7 : memref<3584xi32, #tpu.memory_space<vmem>>)
      %add3A_42 = arith.addi %select_n3A, %mul3A_36 : i32
      %mul3A_43 = arith.constant 3584 : i32
      %mul3A_44 = arith.muli %add3A_42, %mul3A_43 : i32
      %dma_wait3A_45 = tpu.memref_slice %arg4[%mul3A_44] : memref<6422528xi32, #tpu.memory_space<hbm>> -> memref<3584xi32, #tpu.memory_space<hbm>>
      %dma_wait3A_46 = tpu.memref_slice %arg4[%mul3A_44] : memref<6422528xi32, #tpu.memory_space<hbm>> -> memref<3584xi32, #tpu.memory_space<hbm>>
      tpu.wait_dma2 semaphore(%arg14 : memref<!tpu.dma_semaphore, #tpu.memory_space<semaphore_mem>>) src(%dma_wait3A_46 : memref<3584xi32, #tpu.memory_space<hbm>>) dst(%arg9 : memref<3584xi32, #tpu.memory_space<vmem>>)
      %dma_start3A_47 = arith.constant 0 : i32
      %dma_start3A_48 = arith.constant 0 : i32
      %dma_start3A_49 = tpu.memref_slice %arg2[%dma_start3A_47, %dma_start3A_48] : memref<100096x8xf32, #tpu.memory_space<hbm>> -> memref<100096x8xf32, #tpu.memory_space<hbm>>
      tpu.enqueue_indirect_dma source(%dma_start3A_49 : memref<100096x8xf32, #tpu.memory_space<hbm>>) target(%arg11 : memref<3584x8xf32, #tpu.memory_space<vmem>>) offsets(%arg7 : memref<3584xi32, #tpu.memory_space<vmem>>) semaphore(%arg15 : memref<!tpu.dma_semaphore, #tpu.memory_space<semaphore_mem>>)
      %dma_wait3A_50 = arith.constant 0 : i32
      %dma_wait3A_51 = arith.constant 0 : i32
      %dma_wait3A_52 = tpu.memref_slice %arg2[%dma_wait3A_50, %dma_wait3A_51] : memref<100096x8xf32, #tpu.memory_space<hbm>> -> memref<100096x8xf32, #tpu.memory_space<hbm>>
      tpu.wait_indirect_dma semaphore(%arg15 : memref<!tpu.dma_semaphore, #tpu.memory_space<semaphore_mem>>) src(%dma_wait3A_52 : memref<100096x8xf32, #tpu.memory_space<hbm>>) dst(%arg11 : memref<3584x8xf32, #tpu.memory_space<vmem>>)
      %gt3A = arith.constant 0 : i32
      %gt3A_53 = arith.cmpi sgt, %while3A_34, %gt3A : i32
      %convert_element_type3A = arith.extui %gt3A_53 : i1 to i32
      %cond3A = arith.constant 0 : i32
      %cond3A_54 = arith.cmpi ne, %convert_element_type3A, %cond3A : i32
      scf.if %cond3A_54 {
        %dma_wait3A_98 = arith.constant 0 : i32
        %dma_wait3A_99 = arith.constant 0 : i32
        %dma_wait3A_100 = tpu.memref_slice %arg13[%dma_wait3A_98, %dma_wait3A_99] : memref<100096x8xf32, #tpu.memory_space<vmem_shared>> -> memref<100096x8xf32, #tpu.memory_space<vmem_shared>>
        tpu.wait_indirect_dma semaphore(%arg16 : memref<!tpu.dma_semaphore, #tpu.memory_space<semaphore_mem>>) src(%arg12 : memref<3584x8xf32, #tpu.memory_space<vmem>>) dst(%dma_wait3A_100 : memref<100096x8xf32, #tpu.memory_space<vmem_shared>>)
      } else {
      }
      %dma_start3A_55 = arith.constant 0 : i32
      %dma_start3A_56 = arith.constant 0 : i32
      %dma_start3A_57 = tpu.memref_slice %arg13[%dma_start3A_55, %dma_start3A_56] : memref<100096x8xf32, #tpu.memory_space<vmem_shared>> -> memref<100096x8xf32, #tpu.memory_space<vmem_shared>>
      tpu.enqueue_indirect_dma source(%arg11 : memref<3584x8xf32, #tpu.memory_space<vmem>>) target(%dma_start3A_57 : memref<100096x8xf32, #tpu.memory_space<vmem_shared>>) offsets(%arg9 : memref<3584xi32, #tpu.memory_space<vmem>>) semaphore(%arg16 : memref<!tpu.dma_semaphore, #tpu.memory_space<semaphore_mem>>) {add = true}
      %add3A_58 = arith.constant 1 : i32
      %add3A_59 = arith.addi %mul3A_36, %add3A_58 : i32
      %add3A_60 = arith.addi %select_n3A, %add3A_59 : i32
      %mul3A_61 = arith.constant 3584 : i32
      %mul3A_62 = arith.muli %add3A_60, %mul3A_61 : i32
      %dma_start3A_63 = tpu.memref_slice %arg3[%mul3A_62] : memref<6422528xi32, #tpu.memory_space<hbm>> -> memref<3584xi32, #tpu.memory_space<hbm>>
      %dma_start3A_64 = tpu.memref_slice %arg3[%mul3A_62] : memref<6422528xi32, #tpu.memory_space<hbm>> -> memref<3584xi32, #tpu.memory_space<hbm>>
      tpu.enqueue_dma source(%dma_start3A_64 : memref<3584xi32, #tpu.memory_space<hbm>>) target(%arg8 : memref<3584xi32, #tpu.memory_space<vmem>>) target_semaphore(%arg14 : memref<!tpu.dma_semaphore, #tpu.memory_space<semaphore_mem>>)
      %add3A_65 = arith.addi %select_n3A, %add3A_59 : i32
      %mul3A_66 = arith.constant 3584 : i32
      %mul3A_67 = arith.muli %add3A_65, %mul3A_66 : i32
      %dma_start3A_68 = tpu.memref_slice %arg4[%mul3A_67] : memref<6422528xi32, #tpu.memory_space<hbm>> -> memref<3584xi32, #tpu.memory_space<hbm>>
      %dma_start3A_69 = tpu.memref_slice %arg4[%mul3A_67] : memref<6422528xi32, #tpu.memory_space<hbm>> -> memref<3584xi32, #tpu.memory_space<hbm>>
      tpu.enqueue_dma source(%dma_start3A_69 : memref<3584xi32, #tpu.memory_space<hbm>>) target(%arg10 : memref<3584xi32, #tpu.memory_space<vmem>>) target_semaphore(%arg14 : memref<!tpu.dma_semaphore, #tpu.memory_space<semaphore_mem>>)
      %add3A_70 = arith.constant 1 : i32
      %add3A_71 = arith.addi %mul3A_36, %add3A_70 : i32
      %add3A_72 = arith.addi %select_n3A, %add3A_71 : i32
      %mul3A_73 = arith.constant 3584 : i32
      %mul3A_74 = arith.muli %add3A_72, %mul3A_73 : i32
      %dma_wait3A_75 = tpu.memref_slice %arg3[%mul3A_74] : memref<6422528xi32, #tpu.memory_space<hbm>> -> memref<3584xi32, #tpu.memory_space<hbm>>
      %dma_wait3A_76 = tpu.memref_slice %arg3[%mul3A_74] : memref<6422528xi32, #tpu.memory_space<hbm>> -> memref<3584xi32, #tpu.memory_space<hbm>>
      tpu.wait_dma2 semaphore(%arg14 : memref<!tpu.dma_semaphore, #tpu.memory_space<semaphore_mem>>) src(%dma_wait3A_76 : memref<3584xi32, #tpu.memory_space<hbm>>) dst(%arg8 : memref<3584xi32, #tpu.memory_space<vmem>>)
      %add3A_77 = arith.addi %select_n3A, %add3A_71 : i32
      %mul3A_78 = arith.constant 3584 : i32
      %mul3A_79 = arith.muli %add3A_77, %mul3A_78 : i32
      %dma_wait3A_80 = tpu.memref_slice %arg4[%mul3A_79] : memref<6422528xi32, #tpu.memory_space<hbm>> -> memref<3584xi32, #tpu.memory_space<hbm>>
      %dma_wait3A_81 = tpu.memref_slice %arg4[%mul3A_79] : memref<6422528xi32, #tpu.memory_space<hbm>> -> memref<3584xi32, #tpu.memory_space<hbm>>
      tpu.wait_dma2 semaphore(%arg14 : memref<!tpu.dma_semaphore, #tpu.memory_space<semaphore_mem>>) src(%dma_wait3A_81 : memref<3584xi32, #tpu.memory_space<hbm>>) dst(%arg10 : memref<3584xi32, #tpu.memory_space<vmem>>)
      %dma_start3A_82 = arith.constant 0 : i32
      %dma_start3A_83 = arith.constant 0 : i32
      %dma_start3A_84 = tpu.memref_slice %arg2[%dma_start3A_82, %dma_start3A_83] : memref<100096x8xf32, #tpu.memory_space<hbm>> -> memref<100096x8xf32, #tpu.memory_space<hbm>>
      tpu.enqueue_indirect_dma source(%dma_start3A_84 : memref<100096x8xf32, #tpu.memory_space<hbm>>) target(%arg12 : memref<3584x8xf32, #tpu.memory_space<vmem>>) offsets(%arg8 : memref<3584xi32, #tpu.memory_space<vmem>>) semaphore(%arg15 : memref<!tpu.dma_semaphore, #tpu.memory_space<semaphore_mem>>)
      %dma_wait3A_85 = arith.constant 0 : i32
      %dma_wait3A_86 = arith.constant 0 : i32
      %dma_wait3A_87 = tpu.memref_slice %arg2[%dma_wait3A_85, %dma_wait3A_86] : memref<100096x8xf32, #tpu.memory_space<hbm>> -> memref<100096x8xf32, #tpu.memory_space<hbm>>
      tpu.wait_indirect_dma semaphore(%arg15 : memref<!tpu.dma_semaphore, #tpu.memory_space<semaphore_mem>>) src(%dma_wait3A_87 : memref<100096x8xf32, #tpu.memory_space<hbm>>) dst(%arg12 : memref<3584x8xf32, #tpu.memory_space<vmem>>)
      %dma_wait3A_88 = arith.constant 0 : i32
      %dma_wait3A_89 = arith.constant 0 : i32
      %dma_wait3A_90 = tpu.memref_slice %arg13[%dma_wait3A_88, %dma_wait3A_89] : memref<100096x8xf32, #tpu.memory_space<vmem_shared>> -> memref<100096x8xf32, #tpu.memory_space<vmem_shared>>
      tpu.wait_indirect_dma semaphore(%arg16 : memref<!tpu.dma_semaphore, #tpu.memory_space<semaphore_mem>>) src(%arg11 : memref<3584x8xf32, #tpu.memory_space<vmem>>) dst(%dma_wait3A_90 : memref<100096x8xf32, #tpu.memory_space<vmem_shared>>)
      %dma_start3A_91 = arith.constant 0 : i32
      %dma_start3A_92 = arith.constant 0 : i32
      %dma_start3A_93 = tpu.memref_slice %arg13[%dma_start3A_91, %dma_start3A_92] : memref<100096x8xf32, #tpu.memory_space<vmem_shared>> -> memref<100096x8xf32, #tpu.memory_space<vmem_shared>>
      tpu.enqueue_indirect_dma source(%arg12 : memref<3584x8xf32, #tpu.memory_space<vmem>>) target(%dma_start3A_93 : memref<100096x8xf32, #tpu.memory_space<vmem_shared>>) offsets(%arg10 : memref<3584xi32, #tpu.memory_space<vmem>>) semaphore(%arg16 : memref<!tpu.dma_semaphore, #tpu.memory_space<semaphore_mem>>) {add = true}
      %sub3A = arith.constant 1 : i32
      %sub3A_94 = arith.subi %select_n3A_10, %sub3A : i32
      %lt3A = arith.cmpi slt, %while3A_34, %sub3A_94 : i32
      %convert_element_type3A_95 = arith.extui %lt3A : i1 to i32
      %cond3A_96 = arith.constant 0 : i32
      %cond3A_97 = arith.cmpi ne, %convert_element_type3A_95, %cond3A_96 : i32
      scf.if %cond3A_97 {
        %add3A_98 = arith.constant 2 : i32
        %add3A_99 = arith.addi %mul3A_36, %add3A_98 : i32
        %add3A_100 = arith.addi %select_n3A, %add3A_99 : i32
        %mul3A_101 = arith.constant 3584 : i32
        %mul3A_102 = arith.muli %add3A_100, %mul3A_101 : i32
        %dma_start3A_103 = tpu.memref_slice %arg3[%mul3A_102] : memref<6422528xi32, #tpu.memory_space<hbm>> -> memref<3584xi32, #tpu.memory_space<hbm>>
        %dma_start3A_104 = tpu.memref_slice %arg3[%mul3A_102] : memref<6422528xi32, #tpu.memory_space<hbm>> -> memref<3584xi32, #tpu.memory_space<hbm>>
        tpu.enqueue_dma source(%dma_start3A_104 : memref<3584xi32, #tpu.memory_space<hbm>>) target(%arg7 : memref<3584xi32, #tpu.memory_space<vmem>>) target_semaphore(%arg14 : memref<!tpu.dma_semaphore, #tpu.memory_space<semaphore_mem>>)
        %add3A_105 = arith.addi %select_n3A, %add3A_99 : i32
        %mul3A_106 = arith.constant 3584 : i32
        %mul3A_107 = arith.muli %add3A_105, %mul3A_106 : i32
        %dma_start3A_108 = tpu.memref_slice %arg4[%mul3A_107] : memref<6422528xi32, #tpu.memory_space<hbm>> -> memref<3584xi32, #tpu.memory_space<hbm>>
        %dma_start3A_109 = tpu.memref_slice %arg4[%mul3A_107] : memref<6422528xi32, #tpu.memory_space<hbm>> -> memref<3584xi32, #tpu.memory_space<hbm>>
        tpu.enqueue_dma source(%dma_start3A_109 : memref<3584xi32, #tpu.memory_space<hbm>>) target(%arg9 : memref<3584xi32, #tpu.memory_space<vmem>>) target_semaphore(%arg14 : memref<!tpu.dma_semaphore, #tpu.memory_space<semaphore_mem>>)
      } else {
      }
    }
    %dma_wait3A = arith.constant 0 : i32
    %dma_wait3A_31 = arith.constant 0 : i32
    %dma_wait3A_32 = tpu.memref_slice %arg13[%dma_wait3A, %dma_wait3A_31] : memref<100096x8xf32, #tpu.memory_space<vmem_shared>> -> memref<100096x8xf32, #tpu.memory_space<vmem_shared>>
    tpu.wait_indirect_dma semaphore(%arg16 : memref<!tpu.dma_semaphore, #tpu.memory_space<semaphore_mem>>) src(%arg12 : memref<3584x8xf32, #tpu.memory_space<vmem>>) dst(%dma_wait3A_32 : memref<100096x8xf32, #tpu.memory_space<vmem_shared>>)
    %barrier3A_33 = arith.constant 0 : index
    tpu.barrier barrier_id(%barrier3A_33)
    "tpu.region"() ({
      %run_scoped3A = tpu.sem_alloc : memref<!tpu.dma_semaphore, #tpu.memory_space<semaphore_mem>>
      %dma_start3A_34 = arith.constant 0 : i32
      %dma_start3A_35 = tpu.memref_slice %arg6[%arg0, %mul3A_0, %dma_start3A_34] : memref<2x100096x8xf32, #tpu.memory_space<hbm>> -> memref<1x6256x8xf32, #tpu.memory_space<hbm>>
      %dma_start3A_36 = tpu.memref_squeeze %dma_start3A_35 : memref<1x6256x8xf32, #tpu.memory_space<hbm>> -> memref<6256x8xf32, #tpu.memory_space<hbm>>
      %dma_start3A_37 = arith.constant 0 : i32
      %dma_start3A_38 = tpu.memref_slice %arg13[%mul3A_0, %dma_start3A_37] : memref<100096x8xf32, #tpu.memory_space<vmem_shared>> -> memref<6256x8xf32, #tpu.memory_space<vmem_shared>>
      tpu.enqueue_dma source(%dma_start3A_38 : memref<6256x8xf32, #tpu.memory_space<vmem_shared>>) target(%dma_start3A_36 : memref<6256x8xf32, #tpu.memory_space<hbm>>) target_semaphore(%run_scoped3A : memref<!tpu.dma_semaphore, #tpu.memory_space<semaphore_mem>>)
      %dma_wait3A_39 = arith.constant 0 : i32
      %dma_wait3A_40 = tpu.memref_slice %arg6[%arg0, %mul3A_0, %dma_wait3A_39] : memref<2x100096x8xf32, #tpu.memory_space<hbm>> -> memref<1x6256x8xf32, #tpu.memory_space<hbm>>
      %dma_wait3A_41 = tpu.memref_squeeze %dma_wait3A_40 : memref<1x6256x8xf32, #tpu.memory_space<hbm>> -> memref<6256x8xf32, #tpu.memory_space<hbm>>
      %dma_wait3A_42 = arith.constant 0 : i32
      %dma_wait3A_43 = tpu.memref_slice %arg13[%mul3A_0, %dma_wait3A_42] : memref<100096x8xf32, #tpu.memory_space<vmem_shared>> -> memref<6256x8xf32, #tpu.memory_space<vmem_shared>>
      tpu.wait_dma2 semaphore(%run_scoped3A : memref<!tpu.dma_semaphore, #tpu.memory_space<semaphore_mem>>) src(%dma_wait3A_43 : memref<6256x8xf32, #tpu.memory_space<vmem_shared>>) dst(%dma_wait3A_41 : memref<6256x8xf32, #tpu.memory_space<hbm>>)
      tpu.yield
    }) : () -> ()
    return
  }
}

#map = affine_map<(d0, d1) -> (0)>
#map1 = affine_map<(d0, d1) -> (0, 0)>
#map2 = affine_map<(d0, d1) -> (0, 0, 0)>
module attributes {stable_mosaic.version = 14 : i64} {
  func.func @_deg_kernel(%arg0: i32, %arg1: i32, %arg2: memref<6422528xi32, #tpu.memory_space<hbm>>, %arg3: memref<100096x8xf32, #tpu.memory_space<hbm>>, %arg4: memref<3584x8xf32, #tpu.memory_space<hbm>>, %arg5: memref<2x100096x8xf32, #tpu.memory_space<hbm>>, %arg6: memref<3584xi32, #tpu.memory_space<vmem>>, %arg7: memref<3584xi32, #tpu.memory_space<vmem>>, %arg8: memref<3584x8xf32, #tpu.memory_space<vmem>>, %arg9: memref<100096x8xf32, #tpu.memory_space<vmem_shared>>, %arg10: memref<!tpu.dma_semaphore, #tpu.memory_space<semaphore_mem>>, %arg11: memref<!tpu.dma_semaphore, #tpu.memory_space<semaphore_mem>>) attributes {dimension_semantics = [#tpu.dimension_semantics<core_parallel>, #tpu.dimension_semantics<subcore_parallel>], iteration_bounds = array<i64: 2, 16>, scalar_prefetch = 0 : i64, scratch_operands = 6 : i64, tpu.core_type = #tpu.core_type<sc_vector_subcore>, window_params = [{transform_indices = #map}, {transform_indices = #map1}, {transform_indices = #map1}, {transform_indices = #map2}]} {
    %mul3A = arith.constant 6256 : i32
    %mul3A_0 = arith.muli %arg1, %mul3A : i32
    "tpu.region"() ({
      %run_scoped3A = tpu.sem_alloc : memref<!tpu.dma_semaphore, #tpu.memory_space<semaphore_mem>>
      %dma_start3A_28 = arith.constant 0 : i32
      %dma_start3A_29 = tpu.memref_slice %arg9[%mul3A_0, %dma_start3A_28] : memref<100096x8xf32, #tpu.memory_space<vmem_shared>> -> memref<6256x8xf32, #tpu.memory_space<vmem_shared>>
      %dma_start3A_30 = arith.constant 0 : i32
      %dma_start3A_31 = tpu.memref_slice %arg3[%mul3A_0, %dma_start3A_30] : memref<100096x8xf32, #tpu.memory_space<hbm>> -> memref<6256x8xf32, #tpu.memory_space<hbm>>
      tpu.enqueue_dma source(%dma_start3A_31 : memref<6256x8xf32, #tpu.memory_space<hbm>>) target(%dma_start3A_29 : memref<6256x8xf32, #tpu.memory_space<vmem_shared>>) target_semaphore(%run_scoped3A : memref<!tpu.dma_semaphore, #tpu.memory_space<semaphore_mem>>)
      %dma_wait3A_32 = arith.constant 0 : i32
      %dma_wait3A_33 = tpu.memref_slice %arg9[%mul3A_0, %dma_wait3A_32] : memref<100096x8xf32, #tpu.memory_space<vmem_shared>> -> memref<6256x8xf32, #tpu.memory_space<vmem_shared>>
      %dma_wait3A_34 = arith.constant 0 : i32
      %dma_wait3A_35 = tpu.memref_slice %arg3[%mul3A_0, %dma_wait3A_34] : memref<100096x8xf32, #tpu.memory_space<hbm>> -> memref<6256x8xf32, #tpu.memory_space<hbm>>
      tpu.wait_dma2 semaphore(%run_scoped3A : memref<!tpu.dma_semaphore, #tpu.memory_space<semaphore_mem>>) src(%dma_wait3A_35 : memref<6256x8xf32, #tpu.memory_space<hbm>>) dst(%dma_wait3A_33 : memref<6256x8xf32, #tpu.memory_space<vmem_shared>>)
      tpu.yield
    }) : () -> ()
    "tpu.region"() ({
      %run_scoped3A = tpu.sem_alloc : memref<!tpu.dma_semaphore, #tpu.memory_space<semaphore_mem>>
      tpu.enqueue_dma source(%arg4 : memref<3584x8xf32, #tpu.memory_space<hbm>>) target(%arg8 : memref<3584x8xf32, #tpu.memory_space<vmem>>) target_semaphore(%run_scoped3A : memref<!tpu.dma_semaphore, #tpu.memory_space<semaphore_mem>>)
      tpu.wait_dma2 semaphore(%run_scoped3A : memref<!tpu.dma_semaphore, #tpu.memory_space<semaphore_mem>>) src(%arg4 : memref<3584x8xf32, #tpu.memory_space<hbm>>) dst(%arg8 : memref<3584x8xf32, #tpu.memory_space<vmem>>)
      tpu.yield
    }) : () -> ()
    %barrier3A = arith.constant 0 : index
    tpu.barrier barrier_id(%barrier3A)
    %eq3A = arith.constant 0 : i32
    %eq3A_1 = arith.cmpi eq, %arg0, %eq3A : i32
    %mul3A_2 = arith.constant 52 : i32
    %mul3A_3 = arith.muli %arg1, %mul3A_2 : i32
    %mul3A_4 = arith.constant 60 : i32
    %mul3A_5 = arith.muli %arg1, %mul3A_4 : i32
    %add3A = arith.constant 832 : i32
    %add3A_6 = arith.addi %add3A, %mul3A_5 : i32
    %select_n3A = arith.select %eq3A_1, %mul3A_3, %add3A_6 : i32
    %eq3A_7 = arith.constant 0 : i32
    %eq3A_8 = arith.cmpi eq, %arg0, %eq3A_7 : i32
    %jit3A = arith.constant 26 : i32
    %jit3A_9 = arith.constant 30 : i32
    %select_n3A_10 = arith.select %eq3A_8, %jit3A, %jit3A_9 : i32
    %add3A_11 = arith.constant 0 : i32
    %add3A_12 = arith.addi %select_n3A, %add3A_11 : i32
    %mul3A_13 = arith.constant 3584 : i32
    %mul3A_14 = arith.muli %add3A_12, %mul3A_13 : i32
    %dma_start3A = tpu.memref_slice %arg2[%mul3A_14] : memref<6422528xi32, #tpu.memory_space<hbm>> -> memref<3584xi32, #tpu.memory_space<hbm>>
    %dma_start3A_15 = tpu.memref_slice %arg2[%mul3A_14] : memref<6422528xi32, #tpu.memory_space<hbm>> -> memref<3584xi32, #tpu.memory_space<hbm>>
    tpu.enqueue_dma source(%dma_start3A_15 : memref<3584xi32, #tpu.memory_space<hbm>>) target(%arg6 : memref<3584xi32, #tpu.memory_space<vmem>>) target_semaphore(%arg10 : memref<!tpu.dma_semaphore, #tpu.memory_space<semaphore_mem>>)
    %while3A = arith.constant 0 : i32
    %while3A_16 = arith.constant 0 : i32
    %while3A_17 = arith.subi %select_n3A_10, %while3A_16 : i32
    %while3A_18 = arith.addi %while3A_16, %while3A_17 : i32
    %while3A_19 = arith.constant 1 : i32
    %while3A_20 = arith.divsi %while3A_17, %while3A_19 : i32
    %while3A_21 = arith.muli %while3A_20, %while3A_19 : i32
    %while3A_22 = arith.addi %while3A_16, %while3A_21 : i32
    %while3A_23 = arith.constant 1 : i32
    scf.for %while3A_28 = %while3A_16 to %while3A_22 step %while3A_23  : i32 {
      %mul3A_29 = arith.constant 2 : i32
      %mul3A_30 = arith.muli %mul3A_29, %while3A_28 : i32
      %eq3A_31 = arith.constant 0 : i32
      %eq3A_32 = arith.cmpi eq, %while3A_28, %eq3A_31 : i32
      %convert_element_type3A = arith.extui %eq3A_32 : i1 to i32
      %cond3A = arith.constant 0 : i32
      %cond3A_33 = arith.cmpi ne, %convert_element_type3A, %cond3A : i32
      scf.if %cond3A_33 {
        %add3A_62 = arith.addi %select_n3A, %mul3A_30 : i32
        %mul3A_63 = arith.constant 3584 : i32
        %mul3A_64 = arith.muli %add3A_62, %mul3A_63 : i32
        %dma_wait3A_65 = tpu.memref_slice %arg2[%mul3A_64] : memref<6422528xi32, #tpu.memory_space<hbm>> -> memref<3584xi32, #tpu.memory_space<hbm>>
        %dma_wait3A_66 = tpu.memref_slice %arg2[%mul3A_64] : memref<6422528xi32, #tpu.memory_space<hbm>> -> memref<3584xi32, #tpu.memory_space<hbm>>
        tpu.wait_dma2 semaphore(%arg10 : memref<!tpu.dma_semaphore, #tpu.memory_space<semaphore_mem>>) src(%dma_wait3A_66 : memref<3584xi32, #tpu.memory_space<hbm>>) dst(%arg6 : memref<3584xi32, #tpu.memory_space<vmem>>)
        %dma_start3A_67 = arith.constant 0 : i32
        %dma_start3A_68 = arith.constant 0 : i32
        %dma_start3A_69 = tpu.memref_slice %arg9[%dma_start3A_67, %dma_start3A_68] : memref<100096x8xf32, #tpu.memory_space<vmem_shared>> -> memref<100096x8xf32, #tpu.memory_space<vmem_shared>>
        tpu.enqueue_indirect_dma source(%arg8 : memref<3584x8xf32, #tpu.memory_space<vmem>>) target(%dma_start3A_69 : memref<100096x8xf32, #tpu.memory_space<vmem_shared>>) offsets(%arg6 : memref<3584xi32, #tpu.memory_space<vmem>>) semaphore(%arg11 : memref<!tpu.dma_semaphore, #tpu.memory_space<semaphore_mem>>) {add = true}
      } else {
      }
      %gt3A = arith.constant 0 : i32
      %gt3A_34 = arith.cmpi sgt, %while3A_28, %gt3A : i32
      %convert_element_type3A_35 = arith.extui %gt3A_34 : i1 to i32
      %cond3A_36 = arith.constant 0 : i32
      %cond3A_37 = arith.cmpi ne, %convert_element_type3A_35, %cond3A_36 : i32
      scf.if %cond3A_37 {
        %add3A_62 = arith.addi %select_n3A, %mul3A_30 : i32
        %mul3A_63 = arith.constant 3584 : i32
        %mul3A_64 = arith.muli %add3A_62, %mul3A_63 : i32
        %dma_wait3A_65 = tpu.memref_slice %arg2[%mul3A_64] : memref<6422528xi32, #tpu.memory_space<hbm>> -> memref<3584xi32, #tpu.memory_space<hbm>>
        %dma_wait3A_66 = tpu.memref_slice %arg2[%mul3A_64] : memref<6422528xi32, #tpu.memory_space<hbm>> -> memref<3584xi32, #tpu.memory_space<hbm>>
        tpu.wait_dma2 semaphore(%arg10 : memref<!tpu.dma_semaphore, #tpu.memory_space<semaphore_mem>>) src(%dma_wait3A_66 : memref<3584xi32, #tpu.memory_space<hbm>>) dst(%arg6 : memref<3584xi32, #tpu.memory_space<vmem>>)
        %dma_wait3A_67 = arith.constant 0 : i32
        %dma_wait3A_68 = arith.constant 0 : i32
        %dma_wait3A_69 = tpu.memref_slice %arg9[%dma_wait3A_67, %dma_wait3A_68] : memref<100096x8xf32, #tpu.memory_space<vmem_shared>> -> memref<100096x8xf32, #tpu.memory_space<vmem_shared>>
        tpu.wait_indirect_dma semaphore(%arg11 : memref<!tpu.dma_semaphore, #tpu.memory_space<semaphore_mem>>) src(%arg8 : memref<3584x8xf32, #tpu.memory_space<vmem>>) dst(%dma_wait3A_69 : memref<100096x8xf32, #tpu.memory_space<vmem_shared>>)
        %dma_start3A_70 = arith.constant 0 : i32
        %dma_start3A_71 = arith.constant 0 : i32
        %dma_start3A_72 = tpu.memref_slice %arg9[%dma_start3A_70, %dma_start3A_71] : memref<100096x8xf32, #tpu.memory_space<vmem_shared>> -> memref<100096x8xf32, #tpu.memory_space<vmem_shared>>
        tpu.enqueue_indirect_dma source(%arg8 : memref<3584x8xf32, #tpu.memory_space<vmem>>) target(%dma_start3A_72 : memref<100096x8xf32, #tpu.memory_space<vmem_shared>>) offsets(%arg6 : memref<3584xi32, #tpu.memory_space<vmem>>) semaphore(%arg11 : memref<!tpu.dma_semaphore, #tpu.memory_space<semaphore_mem>>) {add = true}
      } else {
      }
      %add3A_38 = arith.constant 1 : i32
      %add3A_39 = arith.addi %mul3A_30, %add3A_38 : i32
      %add3A_40 = arith.addi %select_n3A, %add3A_39 : i32
      %mul3A_41 = arith.constant 3584 : i32
      %mul3A_42 = arith.muli %add3A_40, %mul3A_41 : i32
      %dma_start3A_43 = tpu.memref_slice %arg2[%mul3A_42] : memref<6422528xi32, #tpu.memory_space<hbm>> -> memref<3584xi32, #tpu.memory_space<hbm>>
      %dma_start3A_44 = tpu.memref_slice %arg2[%mul3A_42] : memref<6422528xi32, #tpu.memory_space<hbm>> -> memref<3584xi32, #tpu.memory_space<hbm>>
      tpu.enqueue_dma source(%dma_start3A_44 : memref<3584xi32, #tpu.memory_space<hbm>>) target(%arg7 : memref<3584xi32, #tpu.memory_space<vmem>>) target_semaphore(%arg10 : memref<!tpu.dma_semaphore, #tpu.memory_space<semaphore_mem>>)
      %add3A_45 = arith.constant 1 : i32
      %add3A_46 = arith.addi %mul3A_30, %add3A_45 : i32
      %add3A_47 = arith.addi %select_n3A, %add3A_46 : i32
      %mul3A_48 = arith.constant 3584 : i32
      %mul3A_49 = arith.muli %add3A_47, %mul3A_48 : i32
      %dma_wait3A_50 = tpu.memref_slice %arg2[%mul3A_49] : memref<6422528xi32, #tpu.memory_space<hbm>> -> memref<3584xi32, #tpu.memory_space<hbm>>
      %dma_wait3A_51 = tpu.memref_slice %arg2[%mul3A_49] : memref<6422528xi32, #tpu.memory_space<hbm>> -> memref<3584xi32, #tpu.memory_space<hbm>>
      tpu.wait_dma2 semaphore(%arg10 : memref<!tpu.dma_semaphore, #tpu.memory_space<semaphore_mem>>) src(%dma_wait3A_51 : memref<3584xi32, #tpu.memory_space<hbm>>) dst(%arg7 : memref<3584xi32, #tpu.memory_space<vmem>>)
      %dma_wait3A_52 = arith.constant 0 : i32
      %dma_wait3A_53 = arith.constant 0 : i32
      %dma_wait3A_54 = tpu.memref_slice %arg9[%dma_wait3A_52, %dma_wait3A_53] : memref<100096x8xf32, #tpu.memory_space<vmem_shared>> -> memref<100096x8xf32, #tpu.memory_space<vmem_shared>>
      tpu.wait_indirect_dma semaphore(%arg11 : memref<!tpu.dma_semaphore, #tpu.memory_space<semaphore_mem>>) src(%arg8 : memref<3584x8xf32, #tpu.memory_space<vmem>>) dst(%dma_wait3A_54 : memref<100096x8xf32, #tpu.memory_space<vmem_shared>>)
      %dma_start3A_55 = arith.constant 0 : i32
      %dma_start3A_56 = arith.constant 0 : i32
      %dma_start3A_57 = tpu.memref_slice %arg9[%dma_start3A_55, %dma_start3A_56] : memref<100096x8xf32, #tpu.memory_space<vmem_shared>> -> memref<100096x8xf32, #tpu.memory_space<vmem_shared>>
      tpu.enqueue_indirect_dma source(%arg8 : memref<3584x8xf32, #tpu.memory_space<vmem>>) target(%dma_start3A_57 : memref<100096x8xf32, #tpu.memory_space<vmem_shared>>) offsets(%arg7 : memref<3584xi32, #tpu.memory_space<vmem>>) semaphore(%arg11 : memref<!tpu.dma_semaphore, #tpu.memory_space<semaphore_mem>>) {add = true}
      %sub3A = arith.constant 1 : i32
      %sub3A_58 = arith.subi %select_n3A_10, %sub3A : i32
      %lt3A = arith.cmpi slt, %while3A_28, %sub3A_58 : i32
      %convert_element_type3A_59 = arith.extui %lt3A : i1 to i32
      %cond3A_60 = arith.constant 0 : i32
      %cond3A_61 = arith.cmpi ne, %convert_element_type3A_59, %cond3A_60 : i32
      scf.if %cond3A_61 {
        %add3A_62 = arith.constant 2 : i32
        %add3A_63 = arith.addi %mul3A_30, %add3A_62 : i32
        %add3A_64 = arith.addi %select_n3A, %add3A_63 : i32
        %mul3A_65 = arith.constant 3584 : i32
        %mul3A_66 = arith.muli %add3A_64, %mul3A_65 : i32
        %dma_start3A_67 = tpu.memref_slice %arg2[%mul3A_66] : memref<6422528xi32, #tpu.memory_space<hbm>> -> memref<3584xi32, #tpu.memory_space<hbm>>
        %dma_start3A_68 = tpu.memref_slice %arg2[%mul3A_66] : memref<6422528xi32, #tpu.memory_space<hbm>> -> memref<3584xi32, #tpu.memory_space<hbm>>
        tpu.enqueue_dma source(%dma_start3A_68 : memref<3584xi32, #tpu.memory_space<hbm>>) target(%arg6 : memref<3584xi32, #tpu.memory_space<vmem>>) target_semaphore(%arg10 : memref<!tpu.dma_semaphore, #tpu.memory_space<semaphore_mem>>)
      } else {
      }
    }
    %while3A_24 = arith.constant 1 : i32
    scf.for %while3A_28 = %while3A_22 to %while3A_18 step %while3A_24  : i32 {
      %mul3A_29 = arith.constant 2 : i32
      %mul3A_30 = arith.muli %mul3A_29, %while3A_28 : i32
      %eq3A_31 = arith.constant 0 : i32
      %eq3A_32 = arith.cmpi eq, %while3A_28, %eq3A_31 : i32
      %convert_element_type3A = arith.extui %eq3A_32 : i1 to i32
      %cond3A = arith.constant 0 : i32
      %cond3A_33 = arith.cmpi ne, %convert_element_type3A, %cond3A : i32
      scf.if %cond3A_33 {
        %add3A_62 = arith.addi %select_n3A, %mul3A_30 : i32
        %mul3A_63 = arith.constant 3584 : i32
        %mul3A_64 = arith.muli %add3A_62, %mul3A_63 : i32
        %dma_wait3A_65 = tpu.memref_slice %arg2[%mul3A_64] : memref<6422528xi32, #tpu.memory_space<hbm>> -> memref<3584xi32, #tpu.memory_space<hbm>>
        %dma_wait3A_66 = tpu.memref_slice %arg2[%mul3A_64] : memref<6422528xi32, #tpu.memory_space<hbm>> -> memref<3584xi32, #tpu.memory_space<hbm>>
        tpu.wait_dma2 semaphore(%arg10 : memref<!tpu.dma_semaphore, #tpu.memory_space<semaphore_mem>>) src(%dma_wait3A_66 : memref<3584xi32, #tpu.memory_space<hbm>>) dst(%arg6 : memref<3584xi32, #tpu.memory_space<vmem>>)
        %dma_start3A_67 = arith.constant 0 : i32
        %dma_start3A_68 = arith.constant 0 : i32
        %dma_start3A_69 = tpu.memref_slice %arg9[%dma_start3A_67, %dma_start3A_68] : memref<100096x8xf32, #tpu.memory_space<vmem_shared>> -> memref<100096x8xf32, #tpu.memory_space<vmem_shared>>
        tpu.enqueue_indirect_dma source(%arg8 : memref<3584x8xf32, #tpu.memory_space<vmem>>) target(%dma_start3A_69 : memref<100096x8xf32, #tpu.memory_space<vmem_shared>>) offsets(%arg6 : memref<3584xi32, #tpu.memory_space<vmem>>) semaphore(%arg11 : memref<!tpu.dma_semaphore, #tpu.memory_space<semaphore_mem>>) {add = true}
      } else {
      }
      %gt3A = arith.constant 0 : i32
      %gt3A_34 = arith.cmpi sgt, %while3A_28, %gt3A : i32
      %convert_element_type3A_35 = arith.extui %gt3A_34 : i1 to i32
      %cond3A_36 = arith.constant 0 : i32
      %cond3A_37 = arith.cmpi ne, %convert_element_type3A_35, %cond3A_36 : i32
      scf.if %cond3A_37 {
        %add3A_62 = arith.addi %select_n3A, %mul3A_30 : i32
        %mul3A_63 = arith.constant 3584 : i32
        %mul3A_64 = arith.muli %add3A_62, %mul3A_63 : i32
        %dma_wait3A_65 = tpu.memref_slice %arg2[%mul3A_64] : memref<6422528xi32, #tpu.memory_space<hbm>> -> memref<3584xi32, #tpu.memory_space<hbm>>
        %dma_wait3A_66 = tpu.memref_slice %arg2[%mul3A_64] : memref<6422528xi32, #tpu.memory_space<hbm>> -> memref<3584xi32, #tpu.memory_space<hbm>>
        tpu.wait_dma2 semaphore(%arg10 : memref<!tpu.dma_semaphore, #tpu.memory_space<semaphore_mem>>) src(%dma_wait3A_66 : memref<3584xi32, #tpu.memory_space<hbm>>) dst(%arg6 : memref<3584xi32, #tpu.memory_space<vmem>>)
        %dma_wait3A_67 = arith.constant 0 : i32
        %dma_wait3A_68 = arith.constant 0 : i32
        %dma_wait3A_69 = tpu.memref_slice %arg9[%dma_wait3A_67, %dma_wait3A_68] : memref<100096x8xf32, #tpu.memory_space<vmem_shared>> -> memref<100096x8xf32, #tpu.memory_space<vmem_shared>>
        tpu.wait_indirect_dma semaphore(%arg11 : memref<!tpu.dma_semaphore, #tpu.memory_space<semaphore_mem>>) src(%arg8 : memref<3584x8xf32, #tpu.memory_space<vmem>>) dst(%dma_wait3A_69 : memref<100096x8xf32, #tpu.memory_space<vmem_shared>>)
        %dma_start3A_70 = arith.constant 0 : i32
        %dma_start3A_71 = arith.constant 0 : i32
        %dma_start3A_72 = tpu.memref_slice %arg9[%dma_start3A_70, %dma_start3A_71] : memref<100096x8xf32, #tpu.memory_space<vmem_shared>> -> memref<100096x8xf32, #tpu.memory_space<vmem_shared>>
        tpu.enqueue_indirect_dma source(%arg8 : memref<3584x8xf32, #tpu.memory_space<vmem>>) target(%dma_start3A_72 : memref<100096x8xf32, #tpu.memory_space<vmem_shared>>) offsets(%arg6 : memref<3584xi32, #tpu.memory_space<vmem>>) semaphore(%arg11 : memref<!tpu.dma_semaphore, #tpu.memory_space<semaphore_mem>>) {add = true}
      } else {
      }
      %add3A_38 = arith.constant 1 : i32
      %add3A_39 = arith.addi %mul3A_30, %add3A_38 : i32
      %add3A_40 = arith.addi %select_n3A, %add3A_39 : i32
      %mul3A_41 = arith.constant 3584 : i32
      %mul3A_42 = arith.muli %add3A_40, %mul3A_41 : i32
      %dma_start3A_43 = tpu.memref_slice %arg2[%mul3A_42] : memref<6422528xi32, #tpu.memory_space<hbm>> -> memref<3584xi32, #tpu.memory_space<hbm>>
      %dma_start3A_44 = tpu.memref_slice %arg2[%mul3A_42] : memref<6422528xi32, #tpu.memory_space<hbm>> -> memref<3584xi32, #tpu.memory_space<hbm>>
      tpu.enqueue_dma source(%dma_start3A_44 : memref<3584xi32, #tpu.memory_space<hbm>>) target(%arg7 : memref<3584xi32, #tpu.memory_space<vmem>>) target_semaphore(%arg10 : memref<!tpu.dma_semaphore, #tpu.memory_space<semaphore_mem>>)
      %add3A_45 = arith.constant 1 : i32
      %add3A_46 = arith.addi %mul3A_30, %add3A_45 : i32
      %add3A_47 = arith.addi %select_n3A, %add3A_46 : i32
      %mul3A_48 = arith.constant 3584 : i32
      %mul3A_49 = arith.muli %add3A_47, %mul3A_48 : i32
      %dma_wait3A_50 = tpu.memref_slice %arg2[%mul3A_49] : memref<6422528xi32, #tpu.memory_space<hbm>> -> memref<3584xi32, #tpu.memory_space<hbm>>
      %dma_wait3A_51 = tpu.memref_slice %arg2[%mul3A_49] : memref<6422528xi32, #tpu.memory_space<hbm>> -> memref<3584xi32, #tpu.memory_space<hbm>>
      tpu.wait_dma2 semaphore(%arg10 : memref<!tpu.dma_semaphore, #tpu.memory_space<semaphore_mem>>) src(%dma_wait3A_51 : memref<3584xi32, #tpu.memory_space<hbm>>) dst(%arg7 : memref<3584xi32, #tpu.memory_space<vmem>>)
      %dma_wait3A_52 = arith.constant 0 : i32
      %dma_wait3A_53 = arith.constant 0 : i32
      %dma_wait3A_54 = tpu.memref_slice %arg9[%dma_wait3A_52, %dma_wait3A_53] : memref<100096x8xf32, #tpu.memory_space<vmem_shared>> -> memref<100096x8xf32, #tpu.memory_space<vmem_shared>>
      tpu.wait_indirect_dma semaphore(%arg11 : memref<!tpu.dma_semaphore, #tpu.memory_space<semaphore_mem>>) src(%arg8 : memref<3584x8xf32, #tpu.memory_space<vmem>>) dst(%dma_wait3A_54 : memref<100096x8xf32, #tpu.memory_space<vmem_shared>>)
      %dma_start3A_55 = arith.constant 0 : i32
      %dma_start3A_56 = arith.constant 0 : i32
      %dma_start3A_57 = tpu.memref_slice %arg9[%dma_start3A_55, %dma_start3A_56] : memref<100096x8xf32, #tpu.memory_space<vmem_shared>> -> memref<100096x8xf32, #tpu.memory_space<vmem_shared>>
      tpu.enqueue_indirect_dma source(%arg8 : memref<3584x8xf32, #tpu.memory_space<vmem>>) target(%dma_start3A_57 : memref<100096x8xf32, #tpu.memory_space<vmem_shared>>) offsets(%arg7 : memref<3584xi32, #tpu.memory_space<vmem>>) semaphore(%arg11 : memref<!tpu.dma_semaphore, #tpu.memory_space<semaphore_mem>>) {add = true}
      %sub3A = arith.constant 1 : i32
      %sub3A_58 = arith.subi %select_n3A_10, %sub3A : i32
      %lt3A = arith.cmpi slt, %while3A_28, %sub3A_58 : i32
      %convert_element_type3A_59 = arith.extui %lt3A : i1 to i32
      %cond3A_60 = arith.constant 0 : i32
      %cond3A_61 = arith.cmpi ne, %convert_element_type3A_59, %cond3A_60 : i32
      scf.if %cond3A_61 {
        %add3A_62 = arith.constant 2 : i32
        %add3A_63 = arith.addi %mul3A_30, %add3A_62 : i32
        %add3A_64 = arith.addi %select_n3A, %add3A_63 : i32
        %mul3A_65 = arith.constant 3584 : i32
        %mul3A_66 = arith.muli %add3A_64, %mul3A_65 : i32
        %dma_start3A_67 = tpu.memref_slice %arg2[%mul3A_66] : memref<6422528xi32, #tpu.memory_space<hbm>> -> memref<3584xi32, #tpu.memory_space<hbm>>
        %dma_start3A_68 = tpu.memref_slice %arg2[%mul3A_66] : memref<6422528xi32, #tpu.memory_space<hbm>> -> memref<3584xi32, #tpu.memory_space<hbm>>
        tpu.enqueue_dma source(%dma_start3A_68 : memref<3584xi32, #tpu.memory_space<hbm>>) target(%arg6 : memref<3584xi32, #tpu.memory_space<vmem>>) target_semaphore(%arg10 : memref<!tpu.dma_semaphore, #tpu.memory_space<semaphore_mem>>)
      } else {
      }
    }
    %dma_wait3A = arith.constant 0 : i32
    %dma_wait3A_25 = arith.constant 0 : i32
    %dma_wait3A_26 = tpu.memref_slice %arg9[%dma_wait3A, %dma_wait3A_25] : memref<100096x8xf32, #tpu.memory_space<vmem_shared>> -> memref<100096x8xf32, #tpu.memory_space<vmem_shared>>
    tpu.wait_indirect_dma semaphore(%arg11 : memref<!tpu.dma_semaphore, #tpu.memory_space<semaphore_mem>>) src(%arg8 : memref<3584x8xf32, #tpu.memory_space<vmem>>) dst(%dma_wait3A_26 : memref<100096x8xf32, #tpu.memory_space<vmem_shared>>)
    %barrier3A_27 = arith.constant 0 : index
    tpu.barrier barrier_id(%barrier3A_27)
    "tpu.region"() ({
      %run_scoped3A = tpu.sem_alloc : memref<!tpu.dma_semaphore, #tpu.memory_space<semaphore_mem>>
      %dma_start3A_28 = arith.constant 0 : i32
      %dma_start3A_29 = tpu.memref_slice %arg5[%arg0, %mul3A_0, %dma_start3A_28] : memref<2x100096x8xf32, #tpu.memory_space<hbm>> -> memref<1x6256x8xf32, #tpu.memory_space<hbm>>
      %dma_start3A_30 = tpu.memref_squeeze %dma_start3A_29 : memref<1x6256x8xf32, #tpu.memory_space<hbm>> -> memref<6256x8xf32, #tpu.memory_space<hbm>>
      %dma_start3A_31 = arith.constant 0 : i32
      %dma_start3A_32 = tpu.memref_slice %arg9[%mul3A_0, %dma_start3A_31] : memref<100096x8xf32, #tpu.memory_space<vmem_shared>> -> memref<6256x8xf32, #tpu.memory_space<vmem_shared>>
      tpu.enqueue_dma source(%dma_start3A_32 : memref<6256x8xf32, #tpu.memory_space<vmem_shared>>) target(%dma_start3A_30 : memref<6256x8xf32, #tpu.memory_space<hbm>>) target_semaphore(%run_scoped3A : memref<!tpu.dma_semaphore, #tpu.memory_space<semaphore_mem>>)
      %dma_wait3A_33 = arith.constant 0 : i32
      %dma_wait3A_34 = tpu.memref_slice %arg5[%arg0, %mul3A_0, %dma_wait3A_33] : memref<2x100096x8xf32, #tpu.memory_space<hbm>> -> memref<1x6256x8xf32, #tpu.memory_space<hbm>>
      %dma_wait3A_35 = tpu.memref_squeeze %dma_wait3A_34 : memref<1x6256x8xf32, #tpu.memory_space<hbm>> -> memref<6256x8xf32, #tpu.memory_space<hbm>>
      %dma_wait3A_36 = arith.constant 0 : i32
      %dma_wait3A_37 = tpu.memref_slice %arg9[%mul3A_0, %dma_wait3A_36] : memref<100096x8xf32, #tpu.memory_space<vmem_shared>> -> memref<6256x8xf32, #tpu.memory_space<vmem_shared>>
      tpu.wait_dma2 semaphore(%run_scoped3A : memref<!tpu.dma_semaphore, #tpu.memory_space<semaphore_mem>>) src(%dma_wait3A_37 : memref<6256x8xf32, #tpu.memory_space<vmem_shared>>) dst(%dma_wait3A_35 : memref<6256x8xf32, #tpu.memory_space<hbm>>)
      tpu.yield
    }) : () -> ()
    return
  }
}

#map = affine_map<(d0, d1) -> (0, 0)>
#map1 = affine_map<(d0, d1) -> (0)>
#map2 = affine_map<(d0, d1) -> (0, 0, 0)>
module attributes {stable_mosaic.version = 14 : i64} {
  func.func @_edge_kernel(%arg0: i32, %arg1: i32, %arg2: memref<100096x8xf32, #tpu.memory_space<hbm>>, %arg3: memref<6422528xi32, #tpu.memory_space<hbm>>, %arg4: memref<6422528xi32, #tpu.memory_space<hbm>>, %arg5: memref<100096x8xf32, #tpu.memory_space<hbm>>, %arg6: memref<2x100096x8xf32, #tpu.memory_space<hbm>>, %arg7: memref<3584xi32, #tpu.memory_space<vmem>>, %arg8: memref<3584xi32, #tpu.memory_space<vmem>>, %arg9: memref<3584xi32, #tpu.memory_space<vmem>>, %arg10: memref<3584xi32, #tpu.memory_space<vmem>>, %arg11: memref<3584x8xf32, #tpu.memory_space<vmem>>, %arg12: memref<3584x8xf32, #tpu.memory_space<vmem>>, %arg13: memref<100096x8xf32, #tpu.memory_space<vmem_shared>>, %arg14: memref<!tpu.dma_semaphore, #tpu.memory_space<semaphore_mem>>, %arg15: memref<!tpu.dma_semaphore, #tpu.memory_space<semaphore_mem>>, %arg16: memref<!tpu.dma_semaphore, #tpu.memory_space<semaphore_mem>>) attributes {dimension_semantics = [#tpu.dimension_semantics<core_parallel>, #tpu.dimension_semantics<subcore_parallel>], iteration_bounds = array<i64: 2, 16>, scalar_prefetch = 0 : i64, scratch_operands = 10 : i64, tpu.core_type = #tpu.core_type<sc_vector_subcore>, window_params = [{transform_indices = #map}, {transform_indices = #map1}, {transform_indices = #map1}, {transform_indices = #map}, {transform_indices = #map2}]} {
    %mul3A = arith.constant 6256 : i32
    %mul3A_0 = arith.muli %arg1, %mul3A : i32
    "tpu.region"() ({
      %run_scoped3A = tpu.sem_alloc : memref<!tpu.dma_semaphore, #tpu.memory_space<semaphore_mem>>
      %dma_start3A_34 = arith.constant 0 : i32
      %dma_start3A_35 = tpu.memref_slice %arg13[%mul3A_0, %dma_start3A_34] : memref<100096x8xf32, #tpu.memory_space<vmem_shared>> -> memref<6256x8xf32, #tpu.memory_space<vmem_shared>>
      %dma_start3A_36 = arith.constant 0 : i32
      %dma_start3A_37 = tpu.memref_slice %arg5[%mul3A_0, %dma_start3A_36] : memref<100096x8xf32, #tpu.memory_space<hbm>> -> memref<6256x8xf32, #tpu.memory_space<hbm>>
      tpu.enqueue_dma source(%dma_start3A_37 : memref<6256x8xf32, #tpu.memory_space<hbm>>) target(%dma_start3A_35 : memref<6256x8xf32, #tpu.memory_space<vmem_shared>>) target_semaphore(%run_scoped3A : memref<!tpu.dma_semaphore, #tpu.memory_space<semaphore_mem>>)
      %dma_wait3A_38 = arith.constant 0 : i32
      %dma_wait3A_39 = tpu.memref_slice %arg13[%mul3A_0, %dma_wait3A_38] : memref<100096x8xf32, #tpu.memory_space<vmem_shared>> -> memref<6256x8xf32, #tpu.memory_space<vmem_shared>>
      %dma_wait3A_40 = arith.constant 0 : i32
      %dma_wait3A_41 = tpu.memref_slice %arg5[%mul3A_0, %dma_wait3A_40] : memref<100096x8xf32, #tpu.memory_space<hbm>> -> memref<6256x8xf32, #tpu.memory_space<hbm>>
      tpu.wait_dma2 semaphore(%run_scoped3A : memref<!tpu.dma_semaphore, #tpu.memory_space<semaphore_mem>>) src(%dma_wait3A_41 : memref<6256x8xf32, #tpu.memory_space<hbm>>) dst(%dma_wait3A_39 : memref<6256x8xf32, #tpu.memory_space<vmem_shared>>)
      tpu.yield
    }) : () -> ()
    %barrier3A = arith.constant 0 : index
    tpu.barrier barrier_id(%barrier3A)
    %eq3A = arith.constant 0 : i32
    %eq3A_1 = arith.cmpi eq, %arg0, %eq3A : i32
    %mul3A_2 = arith.constant 52 : i32
    %mul3A_3 = arith.muli %arg1, %mul3A_2 : i32
    %mul3A_4 = arith.constant 60 : i32
    %mul3A_5 = arith.muli %arg1, %mul3A_4 : i32
    %add3A = arith.constant 832 : i32
    %add3A_6 = arith.addi %add3A, %mul3A_5 : i32
    %select_n3A = arith.select %eq3A_1, %mul3A_3, %add3A_6 : i32
    %eq3A_7 = arith.constant 0 : i32
    %eq3A_8 = arith.cmpi eq, %arg0, %eq3A_7 : i32
    %jit3A = arith.constant 26 : i32
    %jit3A_9 = arith.constant 30 : i32
    %select_n3A_10 = arith.select %eq3A_8, %jit3A, %jit3A_9 : i32
    %add3A_11 = arith.constant 0 : i32
    %add3A_12 = arith.addi %select_n3A, %add3A_11 : i32
    %mul3A_13 = arith.constant 3584 : i32
    %mul3A_14 = arith.muli %add3A_12, %mul3A_13 : i32
    %dma_start3A = tpu.memref_slice %arg3[%mul3A_14] : memref<6422528xi32, #tpu.memory_space<hbm>> -> memref<3584xi32, #tpu.memory_space<hbm>>
    %dma_start3A_15 = tpu.memref_slice %arg3[%mul3A_14] : memref<6422528xi32, #tpu.memory_space<hbm>> -> memref<3584xi32, #tpu.memory_space<hbm>>
    tpu.enqueue_dma source(%dma_start3A_15 : memref<3584xi32, #tpu.memory_space<hbm>>) target(%arg7 : memref<3584xi32, #tpu.memory_space<vmem>>) target_semaphore(%arg14 : memref<!tpu.dma_semaphore, #tpu.memory_space<semaphore_mem>>)
    %add3A_16 = arith.constant 0 : i32
    %add3A_17 = arith.addi %select_n3A, %add3A_16 : i32
    %mul3A_18 = arith.constant 3584 : i32
    %mul3A_19 = arith.muli %add3A_17, %mul3A_18 : i32
    %dma_start3A_20 = tpu.memref_slice %arg4[%mul3A_19] : memref<6422528xi32, #tpu.memory_space<hbm>> -> memref<3584xi32, #tpu.memory_space<hbm>>
    %dma_start3A_21 = tpu.memref_slice %arg4[%mul3A_19] : memref<6422528xi32, #tpu.memory_space<hbm>> -> memref<3584xi32, #tpu.memory_space<hbm>>
    tpu.enqueue_dma source(%dma_start3A_21 : memref<3584xi32, #tpu.memory_space<hbm>>) target(%arg9 : memref<3584xi32, #tpu.memory_space<vmem>>) target_semaphore(%arg14 : memref<!tpu.dma_semaphore, #tpu.memory_space<semaphore_mem>>)
    %while3A = arith.constant 0 : i32
    %while3A_22 = arith.constant 0 : i32
    %while3A_23 = arith.subi %select_n3A_10, %while3A_22 : i32
    %while3A_24 = arith.addi %while3A_22, %while3A_23 : i32
    %while3A_25 = arith.constant 1 : i32
    %while3A_26 = arith.divsi %while3A_23, %while3A_25 : i32
    %while3A_27 = arith.muli %while3A_26, %while3A_25 : i32
    %while3A_28 = arith.addi %while3A_22, %while3A_27 : i32
    %while3A_29 = arith.constant 1 : i32
    scf.for %while3A_34 = %while3A_22 to %while3A_28 step %while3A_29  : i32 {
      %mul3A_35 = arith.constant 2 : i32
      %mul3A_36 = arith.muli %mul3A_35, %while3A_34 : i32
      %add3A_37 = arith.addi %select_n3A, %mul3A_36 : i32
      %mul3A_38 = arith.constant 3584 : i32
      %mul3A_39 = arith.muli %add3A_37, %mul3A_38 : i32
      %dma_wait3A_40 = tpu.memref_slice %arg3[%mul3A_39] : memref<6422528xi32, #tpu.memory_space<hbm>> -> memref<3584xi32, #tpu.memory_space<hbm>>
      %dma_wait3A_41 = tpu.memref_slice %arg3[%mul3A_39] : memref<6422528xi32, #tpu.memory_space<hbm>> -> memref<3584xi32, #tpu.memory_space<hbm>>
      tpu.wait_dma2 semaphore(%arg14 : memref<!tpu.dma_semaphore, #tpu.memory_space<semaphore_mem>>) src(%dma_wait3A_41 : memref<3584xi32, #tpu.memory_space<hbm>>) dst(%arg7 : memref<3584xi32, #tpu.memory_space<vmem>>)
      %add3A_42 = arith.addi %select_n3A, %mul3A_36 : i32
      %mul3A_43 = arith.constant 3584 : i32
      %mul3A_44 = arith.muli %add3A_42, %mul3A_43 : i32
      %dma_wait3A_45 = tpu.memref_slice %arg4[%mul3A_44] : memref<6422528xi32, #tpu.memory_space<hbm>> -> memref<3584xi32, #tpu.memory_space<hbm>>
      %dma_wait3A_46 = tpu.memref_slice %arg4[%mul3A_44] : memref<6422528xi32, #tpu.memory_space<hbm>> -> memref<3584xi32, #tpu.memory_space<hbm>>
      tpu.wait_dma2 semaphore(%arg14 : memref<!tpu.dma_semaphore, #tpu.memory_space<semaphore_mem>>) src(%dma_wait3A_46 : memref<3584xi32, #tpu.memory_space<hbm>>) dst(%arg9 : memref<3584xi32, #tpu.memory_space<vmem>>)
      %dma_start3A_47 = arith.constant 0 : i32
      %dma_start3A_48 = arith.constant 0 : i32
      %dma_start3A_49 = tpu.memref_slice %arg2[%dma_start3A_47, %dma_start3A_48] : memref<100096x8xf32, #tpu.memory_space<hbm>> -> memref<100096x8xf32, #tpu.memory_space<hbm>>
      tpu.enqueue_indirect_dma source(%dma_start3A_49 : memref<100096x8xf32, #tpu.memory_space<hbm>>) target(%arg11 : memref<3584x8xf32, #tpu.memory_space<vmem>>) offsets(%arg7 : memref<3584xi32, #tpu.memory_space<vmem>>) semaphore(%arg15 : memref<!tpu.dma_semaphore, #tpu.memory_space<semaphore_mem>>)
      %dma_wait3A_50 = arith.constant 0 : i32
      %dma_wait3A_51 = arith.constant 0 : i32
      %dma_wait3A_52 = tpu.memref_slice %arg2[%dma_wait3A_50, %dma_wait3A_51] : memref<100096x8xf32, #tpu.memory_space<hbm>> -> memref<100096x8xf32, #tpu.memory_space<hbm>>
      tpu.wait_indirect_dma semaphore(%arg15 : memref<!tpu.dma_semaphore, #tpu.memory_space<semaphore_mem>>) src(%dma_wait3A_52 : memref<100096x8xf32, #tpu.memory_space<hbm>>) dst(%arg11 : memref<3584x8xf32, #tpu.memory_space<vmem>>)
      %gt3A = arith.constant 0 : i32
      %gt3A_53 = arith.cmpi sgt, %while3A_34, %gt3A : i32
      %convert_element_type3A = arith.extui %gt3A_53 : i1 to i32
      %cond3A = arith.constant 0 : i32
      %cond3A_54 = arith.cmpi ne, %convert_element_type3A, %cond3A : i32
      scf.if %cond3A_54 {
        %dma_wait3A_98 = arith.constant 0 : i32
        %dma_wait3A_99 = arith.constant 0 : i32
        %dma_wait3A_100 = tpu.memref_slice %arg13[%dma_wait3A_98, %dma_wait3A_99] : memref<100096x8xf32, #tpu.memory_space<vmem_shared>> -> memref<100096x8xf32, #tpu.memory_space<vmem_shared>>
        tpu.wait_indirect_dma semaphore(%arg16 : memref<!tpu.dma_semaphore, #tpu.memory_space<semaphore_mem>>) src(%arg12 : memref<3584x8xf32, #tpu.memory_space<vmem>>) dst(%dma_wait3A_100 : memref<100096x8xf32, #tpu.memory_space<vmem_shared>>)
      } else {
      }
      %dma_start3A_55 = arith.constant 0 : i32
      %dma_start3A_56 = arith.constant 0 : i32
      %dma_start3A_57 = tpu.memref_slice %arg13[%dma_start3A_55, %dma_start3A_56] : memref<100096x8xf32, #tpu.memory_space<vmem_shared>> -> memref<100096x8xf32, #tpu.memory_space<vmem_shared>>
      tpu.enqueue_indirect_dma source(%arg11 : memref<3584x8xf32, #tpu.memory_space<vmem>>) target(%dma_start3A_57 : memref<100096x8xf32, #tpu.memory_space<vmem_shared>>) offsets(%arg9 : memref<3584xi32, #tpu.memory_space<vmem>>) semaphore(%arg16 : memref<!tpu.dma_semaphore, #tpu.memory_space<semaphore_mem>>) {add = true}
      %add3A_58 = arith.constant 1 : i32
      %add3A_59 = arith.addi %mul3A_36, %add3A_58 : i32
      %add3A_60 = arith.addi %select_n3A, %add3A_59 : i32
      %mul3A_61 = arith.constant 3584 : i32
      %mul3A_62 = arith.muli %add3A_60, %mul3A_61 : i32
      %dma_start3A_63 = tpu.memref_slice %arg3[%mul3A_62] : memref<6422528xi32, #tpu.memory_space<hbm>> -> memref<3584xi32, #tpu.memory_space<hbm>>
      %dma_start3A_64 = tpu.memref_slice %arg3[%mul3A_62] : memref<6422528xi32, #tpu.memory_space<hbm>> -> memref<3584xi32, #tpu.memory_space<hbm>>
      tpu.enqueue_dma source(%dma_start3A_64 : memref<3584xi32, #tpu.memory_space<hbm>>) target(%arg8 : memref<3584xi32, #tpu.memory_space<vmem>>) target_semaphore(%arg14 : memref<!tpu.dma_semaphore, #tpu.memory_space<semaphore_mem>>)
      %add3A_65 = arith.addi %select_n3A, %add3A_59 : i32
      %mul3A_66 = arith.constant 3584 : i32
      %mul3A_67 = arith.muli %add3A_65, %mul3A_66 : i32
      %dma_start3A_68 = tpu.memref_slice %arg4[%mul3A_67] : memref<6422528xi32, #tpu.memory_space<hbm>> -> memref<3584xi32, #tpu.memory_space<hbm>>
      %dma_start3A_69 = tpu.memref_slice %arg4[%mul3A_67] : memref<6422528xi32, #tpu.memory_space<hbm>> -> memref<3584xi32, #tpu.memory_space<hbm>>
      tpu.enqueue_dma source(%dma_start3A_69 : memref<3584xi32, #tpu.memory_space<hbm>>) target(%arg10 : memref<3584xi32, #tpu.memory_space<vmem>>) target_semaphore(%arg14 : memref<!tpu.dma_semaphore, #tpu.memory_space<semaphore_mem>>)
      %add3A_70 = arith.constant 1 : i32
      %add3A_71 = arith.addi %mul3A_36, %add3A_70 : i32
      %add3A_72 = arith.addi %select_n3A, %add3A_71 : i32
      %mul3A_73 = arith.constant 3584 : i32
      %mul3A_74 = arith.muli %add3A_72, %mul3A_73 : i32
      %dma_wait3A_75 = tpu.memref_slice %arg3[%mul3A_74] : memref<6422528xi32, #tpu.memory_space<hbm>> -> memref<3584xi32, #tpu.memory_space<hbm>>
      %dma_wait3A_76 = tpu.memref_slice %arg3[%mul3A_74] : memref<6422528xi32, #tpu.memory_space<hbm>> -> memref<3584xi32, #tpu.memory_space<hbm>>
      tpu.wait_dma2 semaphore(%arg14 : memref<!tpu.dma_semaphore, #tpu.memory_space<semaphore_mem>>) src(%dma_wait3A_76 : memref<3584xi32, #tpu.memory_space<hbm>>) dst(%arg8 : memref<3584xi32, #tpu.memory_space<vmem>>)
      %add3A_77 = arith.addi %select_n3A, %add3A_71 : i32
      %mul3A_78 = arith.constant 3584 : i32
      %mul3A_79 = arith.muli %add3A_77, %mul3A_78 : i32
      %dma_wait3A_80 = tpu.memref_slice %arg4[%mul3A_79] : memref<6422528xi32, #tpu.memory_space<hbm>> -> memref<3584xi32, #tpu.memory_space<hbm>>
      %dma_wait3A_81 = tpu.memref_slice %arg4[%mul3A_79] : memref<6422528xi32, #tpu.memory_space<hbm>> -> memref<3584xi32, #tpu.memory_space<hbm>>
      tpu.wait_dma2 semaphore(%arg14 : memref<!tpu.dma_semaphore, #tpu.memory_space<semaphore_mem>>) src(%dma_wait3A_81 : memref<3584xi32, #tpu.memory_space<hbm>>) dst(%arg10 : memref<3584xi32, #tpu.memory_space<vmem>>)
      %dma_start3A_82 = arith.constant 0 : i32
      %dma_start3A_83 = arith.constant 0 : i32
      %dma_start3A_84 = tpu.memref_slice %arg2[%dma_start3A_82, %dma_start3A_83] : memref<100096x8xf32, #tpu.memory_space<hbm>> -> memref<100096x8xf32, #tpu.memory_space<hbm>>
      tpu.enqueue_indirect_dma source(%dma_start3A_84 : memref<100096x8xf32, #tpu.memory_space<hbm>>) target(%arg12 : memref<3584x8xf32, #tpu.memory_space<vmem>>) offsets(%arg8 : memref<3584xi32, #tpu.memory_space<vmem>>) semaphore(%arg15 : memref<!tpu.dma_semaphore, #tpu.memory_space<semaphore_mem>>)
      %dma_wait3A_85 = arith.constant 0 : i32
      %dma_wait3A_86 = arith.constant 0 : i32
      %dma_wait3A_87 = tpu.memref_slice %arg2[%dma_wait3A_85, %dma_wait3A_86] : memref<100096x8xf32, #tpu.memory_space<hbm>> -> memref<100096x8xf32, #tpu.memory_space<hbm>>
      tpu.wait_indirect_dma semaphore(%arg15 : memref<!tpu.dma_semaphore, #tpu.memory_space<semaphore_mem>>) src(%dma_wait3A_87 : memref<100096x8xf32, #tpu.memory_space<hbm>>) dst(%arg12 : memref<3584x8xf32, #tpu.memory_space<vmem>>)
      %dma_wait3A_88 = arith.constant 0 : i32
      %dma_wait3A_89 = arith.constant 0 : i32
      %dma_wait3A_90 = tpu.memref_slice %arg13[%dma_wait3A_88, %dma_wait3A_89] : memref<100096x8xf32, #tpu.memory_space<vmem_shared>> -> memref<100096x8xf32, #tpu.memory_space<vmem_shared>>
      tpu.wait_indirect_dma semaphore(%arg16 : memref<!tpu.dma_semaphore, #tpu.memory_space<semaphore_mem>>) src(%arg11 : memref<3584x8xf32, #tpu.memory_space<vmem>>) dst(%dma_wait3A_90 : memref<100096x8xf32, #tpu.memory_space<vmem_shared>>)
      %dma_start3A_91 = arith.constant 0 : i32
      %dma_start3A_92 = arith.constant 0 : i32
      %dma_start3A_93 = tpu.memref_slice %arg13[%dma_start3A_91, %dma_start3A_92] : memref<100096x8xf32, #tpu.memory_space<vmem_shared>> -> memref<100096x8xf32, #tpu.memory_space<vmem_shared>>
      tpu.enqueue_indirect_dma source(%arg12 : memref<3584x8xf32, #tpu.memory_space<vmem>>) target(%dma_start3A_93 : memref<100096x8xf32, #tpu.memory_space<vmem_shared>>) offsets(%arg10 : memref<3584xi32, #tpu.memory_space<vmem>>) semaphore(%arg16 : memref<!tpu.dma_semaphore, #tpu.memory_space<semaphore_mem>>) {add = true}
      %sub3A = arith.constant 1 : i32
      %sub3A_94 = arith.subi %select_n3A_10, %sub3A : i32
      %lt3A = arith.cmpi slt, %while3A_34, %sub3A_94 : i32
      %convert_element_type3A_95 = arith.extui %lt3A : i1 to i32
      %cond3A_96 = arith.constant 0 : i32
      %cond3A_97 = arith.cmpi ne, %convert_element_type3A_95, %cond3A_96 : i32
      scf.if %cond3A_97 {
        %add3A_98 = arith.constant 2 : i32
        %add3A_99 = arith.addi %mul3A_36, %add3A_98 : i32
        %add3A_100 = arith.addi %select_n3A, %add3A_99 : i32
        %mul3A_101 = arith.constant 3584 : i32
        %mul3A_102 = arith.muli %add3A_100, %mul3A_101 : i32
        %dma_start3A_103 = tpu.memref_slice %arg3[%mul3A_102] : memref<6422528xi32, #tpu.memory_space<hbm>> -> memref<3584xi32, #tpu.memory_space<hbm>>
        %dma_start3A_104 = tpu.memref_slice %arg3[%mul3A_102] : memref<6422528xi32, #tpu.memory_space<hbm>> -> memref<3584xi32, #tpu.memory_space<hbm>>
        tpu.enqueue_dma source(%dma_start3A_104 : memref<3584xi32, #tpu.memory_space<hbm>>) target(%arg7 : memref<3584xi32, #tpu.memory_space<vmem>>) target_semaphore(%arg14 : memref<!tpu.dma_semaphore, #tpu.memory_space<semaphore_mem>>)
        %add3A_105 = arith.addi %select_n3A, %add3A_99 : i32
        %mul3A_106 = arith.constant 3584 : i32
        %mul3A_107 = arith.muli %add3A_105, %mul3A_106 : i32
        %dma_start3A_108 = tpu.memref_slice %arg4[%mul3A_107] : memref<6422528xi32, #tpu.memory_space<hbm>> -> memref<3584xi32, #tpu.memory_space<hbm>>
        %dma_start3A_109 = tpu.memref_slice %arg4[%mul3A_107] : memref<6422528xi32, #tpu.memory_space<hbm>> -> memref<3584xi32, #tpu.memory_space<hbm>>
        tpu.enqueue_dma source(%dma_start3A_109 : memref<3584xi32, #tpu.memory_space<hbm>>) target(%arg9 : memref<3584xi32, #tpu.memory_space<vmem>>) target_semaphore(%arg14 : memref<!tpu.dma_semaphore, #tpu.memory_space<semaphore_mem>>)
      } else {
      }
    }
    %while3A_30 = arith.constant 1 : i32
    scf.for %while3A_34 = %while3A_28 to %while3A_24 step %while3A_30  : i32 {
      %mul3A_35 = arith.constant 2 : i32
      %mul3A_36 = arith.muli %mul3A_35, %while3A_34 : i32
      %add3A_37 = arith.addi %select_n3A, %mul3A_36 : i32
      %mul3A_38 = arith.constant 3584 : i32
      %mul3A_39 = arith.muli %add3A_37, %mul3A_38 : i32
      %dma_wait3A_40 = tpu.memref_slice %arg3[%mul3A_39] : memref<6422528xi32, #tpu.memory_space<hbm>> -> memref<3584xi32, #tpu.memory_space<hbm>>
      %dma_wait3A_41 = tpu.memref_slice %arg3[%mul3A_39] : memref<6422528xi32, #tpu.memory_space<hbm>> -> memref<3584xi32, #tpu.memory_space<hbm>>
      tpu.wait_dma2 semaphore(%arg14 : memref<!tpu.dma_semaphore, #tpu.memory_space<semaphore_mem>>) src(%dma_wait3A_41 : memref<3584xi32, #tpu.memory_space<hbm>>) dst(%arg7 : memref<3584xi32, #tpu.memory_space<vmem>>)
      %add3A_42 = arith.addi %select_n3A, %mul3A_36 : i32
      %mul3A_43 = arith.constant 3584 : i32
      %mul3A_44 = arith.muli %add3A_42, %mul3A_43 : i32
      %dma_wait3A_45 = tpu.memref_slice %arg4[%mul3A_44] : memref<6422528xi32, #tpu.memory_space<hbm>> -> memref<3584xi32, #tpu.memory_space<hbm>>
      %dma_wait3A_46 = tpu.memref_slice %arg4[%mul3A_44] : memref<6422528xi32, #tpu.memory_space<hbm>> -> memref<3584xi32, #tpu.memory_space<hbm>>
      tpu.wait_dma2 semaphore(%arg14 : memref<!tpu.dma_semaphore, #tpu.memory_space<semaphore_mem>>) src(%dma_wait3A_46 : memref<3584xi32, #tpu.memory_space<hbm>>) dst(%arg9 : memref<3584xi32, #tpu.memory_space<vmem>>)
      %dma_start3A_47 = arith.constant 0 : i32
      %dma_start3A_48 = arith.constant 0 : i32
      %dma_start3A_49 = tpu.memref_slice %arg2[%dma_start3A_47, %dma_start3A_48] : memref<100096x8xf32, #tpu.memory_space<hbm>> -> memref<100096x8xf32, #tpu.memory_space<hbm>>
      tpu.enqueue_indirect_dma source(%dma_start3A_49 : memref<100096x8xf32, #tpu.memory_space<hbm>>) target(%arg11 : memref<3584x8xf32, #tpu.memory_space<vmem>>) offsets(%arg7 : memref<3584xi32, #tpu.memory_space<vmem>>) semaphore(%arg15 : memref<!tpu.dma_semaphore, #tpu.memory_space<semaphore_mem>>)
      %dma_wait3A_50 = arith.constant 0 : i32
      %dma_wait3A_51 = arith.constant 0 : i32
      %dma_wait3A_52 = tpu.memref_slice %arg2[%dma_wait3A_50, %dma_wait3A_51] : memref<100096x8xf32, #tpu.memory_space<hbm>> -> memref<100096x8xf32, #tpu.memory_space<hbm>>
      tpu.wait_indirect_dma semaphore(%arg15 : memref<!tpu.dma_semaphore, #tpu.memory_space<semaphore_mem>>) src(%dma_wait3A_52 : memref<100096x8xf32, #tpu.memory_space<hbm>>) dst(%arg11 : memref<3584x8xf32, #tpu.memory_space<vmem>>)
      %gt3A = arith.constant 0 : i32
      %gt3A_53 = arith.cmpi sgt, %while3A_34, %gt3A : i32
      %convert_element_type3A = arith.extui %gt3A_53 : i1 to i32
      %cond3A = arith.constant 0 : i32
      %cond3A_54 = arith.cmpi ne, %convert_element_type3A, %cond3A : i32
      scf.if %cond3A_54 {
        %dma_wait3A_98 = arith.constant 0 : i32
        %dma_wait3A_99 = arith.constant 0 : i32
        %dma_wait3A_100 = tpu.memref_slice %arg13[%dma_wait3A_98, %dma_wait3A_99] : memref<100096x8xf32, #tpu.memory_space<vmem_shared>> -> memref<100096x8xf32, #tpu.memory_space<vmem_shared>>
        tpu.wait_indirect_dma semaphore(%arg16 : memref<!tpu.dma_semaphore, #tpu.memory_space<semaphore_mem>>) src(%arg12 : memref<3584x8xf32, #tpu.memory_space<vmem>>) dst(%dma_wait3A_100 : memref<100096x8xf32, #tpu.memory_space<vmem_shared>>)
      } else {
      }
      %dma_start3A_55 = arith.constant 0 : i32
      %dma_start3A_56 = arith.constant 0 : i32
      %dma_start3A_57 = tpu.memref_slice %arg13[%dma_start3A_55, %dma_start3A_56] : memref<100096x8xf32, #tpu.memory_space<vmem_shared>> -> memref<100096x8xf32, #tpu.memory_space<vmem_shared>>
      tpu.enqueue_indirect_dma source(%arg11 : memref<3584x8xf32, #tpu.memory_space<vmem>>) target(%dma_start3A_57 : memref<100096x8xf32, #tpu.memory_space<vmem_shared>>) offsets(%arg9 : memref<3584xi32, #tpu.memory_space<vmem>>) semaphore(%arg16 : memref<!tpu.dma_semaphore, #tpu.memory_space<semaphore_mem>>) {add = true}
      %add3A_58 = arith.constant 1 : i32
      %add3A_59 = arith.addi %mul3A_36, %add3A_58 : i32
      %add3A_60 = arith.addi %select_n3A, %add3A_59 : i32
      %mul3A_61 = arith.constant 3584 : i32
      %mul3A_62 = arith.muli %add3A_60, %mul3A_61 : i32
      %dma_start3A_63 = tpu.memref_slice %arg3[%mul3A_62] : memref<6422528xi32, #tpu.memory_space<hbm>> -> memref<3584xi32, #tpu.memory_space<hbm>>
      %dma_start3A_64 = tpu.memref_slice %arg3[%mul3A_62] : memref<6422528xi32, #tpu.memory_space<hbm>> -> memref<3584xi32, #tpu.memory_space<hbm>>
      tpu.enqueue_dma source(%dma_start3A_64 : memref<3584xi32, #tpu.memory_space<hbm>>) target(%arg8 : memref<3584xi32, #tpu.memory_space<vmem>>) target_semaphore(%arg14 : memref<!tpu.dma_semaphore, #tpu.memory_space<semaphore_mem>>)
      %add3A_65 = arith.addi %select_n3A, %add3A_59 : i32
      %mul3A_66 = arith.constant 3584 : i32
      %mul3A_67 = arith.muli %add3A_65, %mul3A_66 : i32
      %dma_start3A_68 = tpu.memref_slice %arg4[%mul3A_67] : memref<6422528xi32, #tpu.memory_space<hbm>> -> memref<3584xi32, #tpu.memory_space<hbm>>
      %dma_start3A_69 = tpu.memref_slice %arg4[%mul3A_67] : memref<6422528xi32, #tpu.memory_space<hbm>> -> memref<3584xi32, #tpu.memory_space<hbm>>
      tpu.enqueue_dma source(%dma_start3A_69 : memref<3584xi32, #tpu.memory_space<hbm>>) target(%arg10 : memref<3584xi32, #tpu.memory_space<vmem>>) target_semaphore(%arg14 : memref<!tpu.dma_semaphore, #tpu.memory_space<semaphore_mem>>)
      %add3A_70 = arith.constant 1 : i32
      %add3A_71 = arith.addi %mul3A_36, %add3A_70 : i32
      %add3A_72 = arith.addi %select_n3A, %add3A_71 : i32
      %mul3A_73 = arith.constant 3584 : i32
      %mul3A_74 = arith.muli %add3A_72, %mul3A_73 : i32
      %dma_wait3A_75 = tpu.memref_slice %arg3[%mul3A_74] : memref<6422528xi32, #tpu.memory_space<hbm>> -> memref<3584xi32, #tpu.memory_space<hbm>>
      %dma_wait3A_76 = tpu.memref_slice %arg3[%mul3A_74] : memref<6422528xi32, #tpu.memory_space<hbm>> -> memref<3584xi32, #tpu.memory_space<hbm>>
      tpu.wait_dma2 semaphore(%arg14 : memref<!tpu.dma_semaphore, #tpu.memory_space<semaphore_mem>>) src(%dma_wait3A_76 : memref<3584xi32, #tpu.memory_space<hbm>>) dst(%arg8 : memref<3584xi32, #tpu.memory_space<vmem>>)
      %add3A_77 = arith.addi %select_n3A, %add3A_71 : i32
      %mul3A_78 = arith.constant 3584 : i32
      %mul3A_79 = arith.muli %add3A_77, %mul3A_78 : i32
      %dma_wait3A_80 = tpu.memref_slice %arg4[%mul3A_79] : memref<6422528xi32, #tpu.memory_space<hbm>> -> memref<3584xi32, #tpu.memory_space<hbm>>
      %dma_wait3A_81 = tpu.memref_slice %arg4[%mul3A_79] : memref<6422528xi32, #tpu.memory_space<hbm>> -> memref<3584xi32, #tpu.memory_space<hbm>>
      tpu.wait_dma2 semaphore(%arg14 : memref<!tpu.dma_semaphore, #tpu.memory_space<semaphore_mem>>) src(%dma_wait3A_81 : memref<3584xi32, #tpu.memory_space<hbm>>) dst(%arg10 : memref<3584xi32, #tpu.memory_space<vmem>>)
      %dma_start3A_82 = arith.constant 0 : i32
      %dma_start3A_83 = arith.constant 0 : i32
      %dma_start3A_84 = tpu.memref_slice %arg2[%dma_start3A_82, %dma_start3A_83] : memref<100096x8xf32, #tpu.memory_space<hbm>> -> memref<100096x8xf32, #tpu.memory_space<hbm>>
      tpu.enqueue_indirect_dma source(%dma_start3A_84 : memref<100096x8xf32, #tpu.memory_space<hbm>>) target(%arg12 : memref<3584x8xf32, #tpu.memory_space<vmem>>) offsets(%arg8 : memref<3584xi32, #tpu.memory_space<vmem>>) semaphore(%arg15 : memref<!tpu.dma_semaphore, #tpu.memory_space<semaphore_mem>>)
      %dma_wait3A_85 = arith.constant 0 : i32
      %dma_wait3A_86 = arith.constant 0 : i32
      %dma_wait3A_87 = tpu.memref_slice %arg2[%dma_wait3A_85, %dma_wait3A_86] : memref<100096x8xf32, #tpu.memory_space<hbm>> -> memref<100096x8xf32, #tpu.memory_space<hbm>>
      tpu.wait_indirect_dma semaphore(%arg15 : memref<!tpu.dma_semaphore, #tpu.memory_space<semaphore_mem>>) src(%dma_wait3A_87 : memref<100096x8xf32, #tpu.memory_space<hbm>>) dst(%arg12 : memref<3584x8xf32, #tpu.memory_space<vmem>>)
      %dma_wait3A_88 = arith.constant 0 : i32
      %dma_wait3A_89 = arith.constant 0 : i32
      %dma_wait3A_90 = tpu.memref_slice %arg13[%dma_wait3A_88, %dma_wait3A_89] : memref<100096x8xf32, #tpu.memory_space<vmem_shared>> -> memref<100096x8xf32, #tpu.memory_space<vmem_shared>>
      tpu.wait_indirect_dma semaphore(%arg16 : memref<!tpu.dma_semaphore, #tpu.memory_space<semaphore_mem>>) src(%arg11 : memref<3584x8xf32, #tpu.memory_space<vmem>>) dst(%dma_wait3A_90 : memref<100096x8xf32, #tpu.memory_space<vmem_shared>>)
      %dma_start3A_91 = arith.constant 0 : i32
      %dma_start3A_92 = arith.constant 0 : i32
      %dma_start3A_93 = tpu.memref_slice %arg13[%dma_start3A_91, %dma_start3A_92] : memref<100096x8xf32, #tpu.memory_space<vmem_shared>> -> memref<100096x8xf32, #tpu.memory_space<vmem_shared>>
      tpu.enqueue_indirect_dma source(%arg12 : memref<3584x8xf32, #tpu.memory_space<vmem>>) target(%dma_start3A_93 : memref<100096x8xf32, #tpu.memory_space<vmem_shared>>) offsets(%arg10 : memref<3584xi32, #tpu.memory_space<vmem>>) semaphore(%arg16 : memref<!tpu.dma_semaphore, #tpu.memory_space<semaphore_mem>>) {add = true}
      %sub3A = arith.constant 1 : i32
      %sub3A_94 = arith.subi %select_n3A_10, %sub3A : i32
      %lt3A = arith.cmpi slt, %while3A_34, %sub3A_94 : i32
      %convert_element_type3A_95 = arith.extui %lt3A : i1 to i32
      %cond3A_96 = arith.constant 0 : i32
      %cond3A_97 = arith.cmpi ne, %convert_element_type3A_95, %cond3A_96 : i32
      scf.if %cond3A_97 {
        %add3A_98 = arith.constant 2 : i32
        %add3A_99 = arith.addi %mul3A_36, %add3A_98 : i32
        %add3A_100 = arith.addi %select_n3A, %add3A_99 : i32
        %mul3A_101 = arith.constant 3584 : i32
        %mul3A_102 = arith.muli %add3A_100, %mul3A_101 : i32
        %dma_start3A_103 = tpu.memref_slice %arg3[%mul3A_102] : memref<6422528xi32, #tpu.memory_space<hbm>> -> memref<3584xi32, #tpu.memory_space<hbm>>
        %dma_start3A_104 = tpu.memref_slice %arg3[%mul3A_102] : memref<6422528xi32, #tpu.memory_space<hbm>> -> memref<3584xi32, #tpu.memory_space<hbm>>
        tpu.enqueue_dma source(%dma_start3A_104 : memref<3584xi32, #tpu.memory_space<hbm>>) target(%arg7 : memref<3584xi32, #tpu.memory_space<vmem>>) target_semaphore(%arg14 : memref<!tpu.dma_semaphore, #tpu.memory_space<semaphore_mem>>)
        %add3A_105 = arith.addi %select_n3A, %add3A_99 : i32
        %mul3A_106 = arith.constant 3584 : i32
        %mul3A_107 = arith.muli %add3A_105, %mul3A_106 : i32
        %dma_start3A_108 = tpu.memref_slice %arg4[%mul3A_107] : memref<6422528xi32, #tpu.memory_space<hbm>> -> memref<3584xi32, #tpu.memory_space<hbm>>
        %dma_start3A_109 = tpu.memref_slice %arg4[%mul3A_107] : memref<6422528xi32, #tpu.memory_space<hbm>> -> memref<3584xi32, #tpu.memory_space<hbm>>
        tpu.enqueue_dma source(%dma_start3A_109 : memref<3584xi32, #tpu.memory_space<hbm>>) target(%arg9 : memref<3584xi32, #tpu.memory_space<vmem>>) target_semaphore(%arg14 : memref<!tpu.dma_semaphore, #tpu.memory_space<semaphore_mem>>)
      } else {
      }
    }
    %dma_wait3A = arith.constant 0 : i32
    %dma_wait3A_31 = arith.constant 0 : i32
    %dma_wait3A_32 = tpu.memref_slice %arg13[%dma_wait3A, %dma_wait3A_31] : memref<100096x8xf32, #tpu.memory_space<vmem_shared>> -> memref<100096x8xf32, #tpu.memory_space<vmem_shared>>
    tpu.wait_indirect_dma semaphore(%arg16 : memref<!tpu.dma_semaphore, #tpu.memory_space<semaphore_mem>>) src(%arg12 : memref<3584x8xf32, #tpu.memory_space<vmem>>) dst(%dma_wait3A_32 : memref<100096x8xf32, #tpu.memory_space<vmem_shared>>)
    %barrier3A_33 = arith.constant 0 : index
    tpu.barrier barrier_id(%barrier3A_33)
    "tpu.region"() ({
      %run_scoped3A = tpu.sem_alloc : memref<!tpu.dma_semaphore, #tpu.memory_space<semaphore_mem>>
      %dma_start3A_34 = arith.constant 0 : i32
      %dma_start3A_35 = tpu.memref_slice %arg6[%arg0, %mul3A_0, %dma_start3A_34] : memref<2x100096x8xf32, #tpu.memory_space<hbm>> -> memref<1x6256x8xf32, #tpu.memory_space<hbm>>
      %dma_start3A_36 = tpu.memref_squeeze %dma_start3A_35 : memref<1x6256x8xf32, #tpu.memory_space<hbm>> -> memref<6256x8xf32, #tpu.memory_space<hbm>>
      %dma_start3A_37 = arith.constant 0 : i32
      %dma_start3A_38 = tpu.memref_slice %arg13[%mul3A_0, %dma_start3A_37] : memref<100096x8xf32, #tpu.memory_space<vmem_shared>> -> memref<6256x8xf32, #tpu.memory_space<vmem_shared>>
      tpu.enqueue_dma source(%dma_start3A_38 : memref<6256x8xf32, #tpu.memory_space<vmem_shared>>) target(%dma_start3A_36 : memref<6256x8xf32, #tpu.memory_space<hbm>>) target_semaphore(%run_scoped3A : memref<!tpu.dma_semaphore, #tpu.memory_space<semaphore_mem>>)
      %dma_wait3A_39 = arith.constant 0 : i32
      %dma_wait3A_40 = tpu.memref_slice %arg6[%arg0, %mul3A_0, %dma_wait3A_39] : memref<2x100096x8xf32, #tpu.memory_space<hbm>> -> memref<1x6256x8xf32, #tpu.memory_space<hbm>>
      %dma_wait3A_41 = tpu.memref_squeeze %dma_wait3A_40 : memref<1x6256x8xf32, #tpu.memory_space<hbm>> -> memref<6256x8xf32, #tpu.memory_space<hbm>>
      %dma_wait3A_42 = arith.constant 0 : i32
      %dma_wait3A_43 = tpu.memref_slice %arg13[%mul3A_0, %dma_wait3A_42] : memref<100096x8xf32, #tpu.memory_space<vmem_shared>> -> memref<6256x8xf32, #tpu.memory_space<vmem_shared>>
      tpu.wait_dma2 semaphore(%run_scoped3A : memref<!tpu.dma_semaphore, #tpu.memory_space<semaphore_mem>>) src(%dma_wait3A_43 : memref<6256x8xf32, #tpu.memory_space<vmem_shared>>) dst(%dma_wait3A_41 : memref<6256x8xf32, #tpu.memory_space<hbm>>)
      tpu.yield
    }) : () -> ()
    return
  }
}

module attributes {stable_mosaic.version = 14 : i64} {
  func.func @_pre_body(%arg0: i32, %arg1: memref<2x3128x128xf32, #tpu.memory_space<vmem>>, %arg2: memref<3128x128xf32, #tpu.memory_space<vmem>>, %arg3: memref<128x128xf32, #tpu.memory_space<vmem>>, %arg4: memref<3128x128xf32, #tpu.memory_space<vmem>>, %arg5: memref<3128x128xf32, #tpu.memory_space<vmem>>) attributes {dimension_semantics = [#tpu.dimension_semantics<arbitrary>], iteration_bounds = array<i64: 2>, scalar_prefetch = 0 : i64, scratch_operands = 0 : i64, tpu.core_type = #tpu.core_type<tc>, window_params = [{transform_indices = @transform_0, window_bounds = array<i64: 2, 3128, 128>}, {transform_indices = @transform_1, window_bounds = array<i64: 3128, 128>}, {pipeline_mode = #tpu.pipeline_mode<synchronous>, transform_indices = @transform_2, window_bounds = array<i64: 128, 128>}, {transform_indices = @transform_3, window_bounds = array<i64: 3128, 128>}, {transform_indices = @transform_4, window_bounds = array<i64: 3128, 128>}]} {
    %get3A = arith.constant 0 : index
    %get3A_0 = arith.constant 0 : index
    %get3A_1 = arith.constant 0 : index
    %get3A_2 = vector.load %arg1[%get3A, %get3A_0, %get3A_1] : memref<2x3128x128xf32, #tpu.memory_space<vmem>>, vector<1x3128x128xf32>
    %get3A_3 = vector.shape_cast %get3A_2 : vector<1x3128x128xf32> to vector<3128x128xf32>
    %get3A_4 = arith.constant 1 : index
    %get3A_5 = arith.constant 0 : index
    %get3A_6 = arith.constant 0 : index
    %get3A_7 = vector.load %arg1[%get3A_4, %get3A_5, %get3A_6] : memref<2x3128x128xf32, #tpu.memory_space<vmem>>, vector<1x3128x128xf32>
    %get3A_8 = vector.shape_cast %get3A_7 : vector<1x3128x128xf32> to vector<3128x128xf32>
    %add3A = arith.addf %get3A_3, %get3A_8 : vector<3128x128xf32>
    %add3A_9 = arith.constant 1.000000e+00 : f32
    %add3A_10 = vector.broadcast %add3A_9 : f32 to vector<3128x128xf32>
    %add3A_11 = arith.addf %add3A, %add3A_10 : vector<3128x128xf32>
    %rsqrt3A = math.rsqrt %add3A_11 : vector<3128x128xf32>
    %swap3A = arith.constant 0 : index
    %swap3A_12 = arith.constant 0 : index
    %swap3A_13 = vector.load %arg4[%swap3A, %swap3A_12] : memref<3128x128xf32, #tpu.memory_space<vmem>>, vector<3128x128xf32>
    tpu.vector_store %arg4[%swap3A, %swap3A_12], %rsqrt3A {strides = array<i32>} : memref<3128x128xf32, #tpu.memory_space<vmem>>, vector<3128x128xf32>,
    %get3A_14 = arith.constant 0 : index
    %get3A_15 = arith.constant 0 : index
    %get3A_16 = vector.load %arg2[%get3A_14, %get3A_15] : memref<3128x128xf32, #tpu.memory_space<vmem>>, vector<3128x128xf32>
    %get3A_17 = arith.constant 0 : index
    %get3A_18 = arith.constant 0 : index
    %get3A_19 = vector.load %arg3[%get3A_17, %get3A_18] : memref<128x128xf32, #tpu.memory_space<vmem>>, vector<128x128xf32>
    %dot_general3A = arith.constant dense<0.000000e+00> : vector<3128x128xf32>
    %dot_general3A_20 = tpu.matmul %get3A_16, %get3A_19, %dot_general3A {dimension_numbers = #tpu.dot_dimension_numbers<[1], [0], [0], [1], [0, 0, 1, 1], [], []>, transpose_lhs_hint = false} : vector<3128x128xf32>, vector<128x128xf32>, vector<3128x128xf32> -> vector<3128x128xf32>
    %mul3A = arith.mulf %dot_general3A_20, %rsqrt3A : vector<3128x128xf32>
    %swap3A_21 = arith.constant 0 : index
    %swap3A_22 = arith.constant 0 : index
    %swap3A_23 = vector.load %arg5[%swap3A_21, %swap3A_22] : memref<3128x128xf32, #tpu.memory_space<vmem>>, vector<3128x128xf32>
    tpu.vector_store %arg5[%swap3A_21, %swap3A_22], %mul3A {strides = array<i32>} : memref<3128x128xf32, #tpu.memory_space<vmem>>, vector<3128x128xf32>,
    return
  }
  func.func @transform_0(%arg0: i32) -> (i32, i32, i32) {
    %c0_i32 = arith.constant 0 : i32
    %c0_i32_0 = arith.constant 0 : i32
    %c0_i32_1 = arith.constant 0 : i32
    return %c0_i32, %arg0, %c0_i32_0 : i32, i32, i32
  }
  func.func @transform_1(%arg0: i32) -> (i32, i32) {
    %c0_i32 = arith.constant 0 : i32
    %c0_i32_0 = arith.constant 0 : i32
    return %arg0, %c0_i32 : i32, i32
  }
  func.func @transform_2(%arg0: i32) -> (i32, i32) {
    %c0_i32 = arith.constant 0 : i32
    %c0_i32_0 = arith.constant 0 : i32
    %c0_i32_1 = arith.constant 0 : i32
    return %c0_i32, %c0_i32_0 : i32, i32
  }
  func.func @transform_3(%arg0: i32) -> (i32, i32) {
    %c0_i32 = arith.constant 0 : i32
    %c0_i32_0 = arith.constant 0 : i32
    return %arg0, %c0_i32 : i32, i32
  }
  func.func @transform_4(%arg0: i32) -> (i32, i32) {
    %c0_i32 = arith.constant 0 : i32
    %c0_i32_0 = arith.constant 0 : i32
    return %arg0, %c0_i32 : i32, i32
  }
}

module attributes {stable_mosaic.version = 14 : i64} {
  func.func @_layer_body(%arg0: i32, %arg1: memref<2x3128x128xf32, #tpu.memory_space<vmem>>, %arg2: memref<3128x128xf32, #tpu.memory_space<vmem>>, %arg3: memref<3128x128xf32, #tpu.memory_space<vmem>>, %arg4: memref<128x128xf32, #tpu.memory_space<vmem>>, %arg5: memref<1x128xf32, #tpu.memory_space<vmem>>, %arg6: memref<3128x128xf32, #tpu.memory_space<vmem>>) attributes {dimension_semantics = [#tpu.dimension_semantics<arbitrary>], iteration_bounds = array<i64: 2>, scalar_prefetch = 0 : i64, scratch_operands = 0 : i64, tpu.core_type = #tpu.core_type<tc>, window_params = [{transform_indices = @transform_0, window_bounds = array<i64: 2, 3128, 128>}, {transform_indices = @transform_1, window_bounds = array<i64: 3128, 128>}, {transform_indices = @transform_2, window_bounds = array<i64: 3128, 128>}, {pipeline_mode = #tpu.pipeline_mode<synchronous>, transform_indices = @transform_3, window_bounds = array<i64: 128, 128>}, {pipeline_mode = #tpu.pipeline_mode<synchronous>, transform_indices = @transform_4, window_bounds = array<i64: 1, 128>}, {transform_indices = @transform_5, window_bounds = array<i64: 3128, 128>}]} {
    %get3A = arith.constant 0 : index
    %get3A_0 = arith.constant 0 : index
    %get3A_1 = arith.constant 0 : index
    %get3A_2 = vector.load %arg1[%get3A, %get3A_0, %get3A_1] : memref<2x3128x128xf32, #tpu.memory_space<vmem>>, vector<1x3128x128xf32>
    %get3A_3 = vector.shape_cast %get3A_2 : vector<1x3128x128xf32> to vector<3128x128xf32>
    %get3A_4 = arith.constant 1 : index
    %get3A_5 = arith.constant 0 : index
    %get3A_6 = arith.constant 0 : index
    %get3A_7 = vector.load %arg1[%get3A_4, %get3A_5, %get3A_6] : memref<2x3128x128xf32, #tpu.memory_space<vmem>>, vector<1x3128x128xf32>
    %get3A_8 = vector.shape_cast %get3A_7 : vector<1x3128x128xf32> to vector<3128x128xf32>
    %add3A = arith.addf %get3A_3, %get3A_8 : vector<3128x128xf32>
    %get3A_9 = arith.constant 0 : index
    %get3A_10 = arith.constant 0 : index
    %get3A_11 = vector.load %arg2[%get3A_9, %get3A_10] : memref<3128x128xf32, #tpu.memory_space<vmem>>, vector<3128x128xf32>
    %add3A_12 = arith.addf %add3A, %get3A_11 : vector<3128x128xf32>
    %get3A_13 = arith.constant 0 : index
    %get3A_14 = arith.constant 0 : index
    %get3A_15 = vector.load %arg3[%get3A_13, %get3A_14] : memref<3128x128xf32, #tpu.memory_space<vmem>>, vector<3128x128xf32>
    %mul3A = arith.mulf %add3A_12, %get3A_15 : vector<3128x128xf32>
    %get3A_16 = arith.constant 0 : index
    %get3A_17 = arith.constant 0 : index
    %get3A_18 = vector.load %arg5[%get3A_16, %get3A_17] : memref<1x128xf32, #tpu.memory_space<vmem>>, vector<1x128xf32>
    %add3A_19 = vector.broadcast %get3A_18 : vector<1x128xf32> to vector<3128x128xf32>
    %add3A_20 = arith.addf %mul3A, %add3A_19 : vector<3128x128xf32>
    %tanh3A = math.tanh %add3A_20 : vector<3128x128xf32>
    %get3A_21 = arith.constant 0 : index
    %get3A_22 = arith.constant 0 : index
    %get3A_23 = vector.load %arg4[%get3A_21, %get3A_22] : memref<128x128xf32, #tpu.memory_space<vmem>>, vector<128x128xf32>
    %dot_general3A = arith.constant dense<0.000000e+00> : vector<3128x128xf32>
    %dot_general3A_24 = tpu.matmul %tanh3A, %get3A_23, %dot_general3A {dimension_numbers = #tpu.dot_dimension_numbers<[1], [0], [0], [1], [0, 0, 1, 1], [], []>, transpose_lhs_hint = false} : vector<3128x128xf32>, vector<128x128xf32>, vector<3128x128xf32> -> vector<3128x128xf32>
    %get3A_25 = arith.constant 0 : index
    %get3A_26 = arith.constant 0 : index
    %get3A_27 = vector.load %arg3[%get3A_25, %get3A_26] : memref<3128x128xf32, #tpu.memory_space<vmem>>, vector<3128x128xf32>
    %mul3A_28 = arith.mulf %dot_general3A_24, %get3A_27 : vector<3128x128xf32>
    %iota3A = tpu.iota {dimensions = array<i32: 0>} : vector<3128x128xi32>
    %mul3A_29 = arith.constant 3128 : i32
    %mul3A_30 = arith.muli %arg0, %mul3A_29 : i32
    %add3A_31 = vector.broadcast %mul3A_30 : i32 to vector<3128x128xi32>
    %add3A_32 = arith.addi %iota3A, %add3A_31 : vector<3128x128xi32>
    %iota3A_33 = tpu.iota {dimensions = array<i32: 1>} : vector<3128x128xi32>
    %mul3A_34 = arith.constant 16 : i32
    %mul3A_35 = vector.broadcast %mul3A_34 : i32 to vector<3128x128xi32>
    %mul3A_36 = arith.muli %add3A_32, %mul3A_35 : vector<3128x128xi32>
    %jit3A = arith.constant 8 : i32
    %div3A = vector.broadcast %jit3A : i32 to vector<3128x128xi32>
    %div3A_37 = arith.divsi %iota3A_33, %div3A : vector<3128x128xi32>
    %sign3A = arith.constant 0 : i32
    %sign3A_38 = vector.broadcast %sign3A : i32 to vector<3128x128xi32>
    %sign3A_39 = arith.cmpi sgt, %iota3A_33, %sign3A_38 : vector<3128x128xi32>
    %sign3A_40 = arith.extui %sign3A_39 : vector<3128x128xi1> to vector<3128x128xi32>
    %sign3A_41 = arith.constant 0 : i32
    %sign3A_42 = vector.broadcast %sign3A_41 : i32 to vector<3128x128xi32>
    %sign3A_43 = arith.cmpi slt, %iota3A_33, %sign3A_42 : vector<3128x128xi32>
    %sign3A_44 = arith.extui %sign3A_43 : vector<3128x128xi1> to vector<3128x128xi32>
    %sign3A_45 = arith.subi %sign3A_40, %sign3A_44 : vector<3128x128xi32>
    %sign3A_46 = arith.constant 0 : i32
    %sign3A_47 = arith.cmpi sgt, %jit3A, %sign3A_46 : i32
    %sign3A_48 = arith.extui %sign3A_47 : i1 to i32
    %sign3A_49 = arith.constant 0 : i32
    %sign3A_50 = arith.cmpi slt, %jit3A, %sign3A_49 : i32
    %sign3A_51 = arith.extui %sign3A_50 : i1 to i32
    %sign3A_52 = arith.subi %sign3A_48, %sign3A_51 : i32
    %ne3A = vector.broadcast %sign3A_52 : i32 to vector<3128x128xi32>
    %ne3A_53 = arith.cmpi ne, %sign3A_45, %ne3A : vector<3128x128xi32>
    %rem3A = vector.broadcast %jit3A : i32 to vector<3128x128xi32>
    %rem3A_54 = arith.remsi %iota3A_33, %rem3A : vector<3128x128xi32>
    %ne3A_55 = arith.constant 0 : i32
    %ne3A_56 = vector.broadcast %ne3A_55 : i32 to vector<3128x128xi32>
    %ne3A_57 = arith.cmpi ne, %rem3A_54, %ne3A_56 : vector<3128x128xi32>
    %and3A = arith.andi %ne3A_53, %ne3A_57 : vector<3128x128xi1>
    %sub3A = arith.constant 1 : i32
    %sub3A_58 = vector.broadcast %sub3A : i32 to vector<3128x128xi32>
    %sub3A_59 = arith.subi %div3A_37, %sub3A_58 : vector<3128x128xi32>
    %select_n3A = arith.select %and3A, %sub3A_59, %div3A_37 : vector<3128x128xi1>, vector<3128x128xi32>
    %add3A_60 = arith.addi %mul3A_36, %select_n3A : vector<3128x128xi32>
    %lt3A = arith.constant 100000 : i32
    %lt3A_61 = vector.broadcast %lt3A : i32 to vector<3128x128xi32>
    %lt3A_62 = arith.cmpi slt, %add3A_60, %lt3A_61 : vector<3128x128xi32>
    %convert_element_type3A = arith.extui %lt3A_62 : vector<3128x128xi1> to vector<3128x128xi32>
    %convert_element_type3A_63 = arith.sitofp %convert_element_type3A : vector<3128x128xi32> to vector<3128x128xf32>
    %mul3A_64 = arith.mulf %mul3A_28, %convert_element_type3A_63 : vector<3128x128xf32>
    %swap3A = arith.constant 0 : index
    %swap3A_65 = arith.constant 0 : index
    %swap3A_66 = vector.load %arg6[%swap3A, %swap3A_65] : memref<3128x128xf32, #tpu.memory_space<vmem>>, vector<3128x128xf32>
    tpu.vector_store %arg6[%swap3A, %swap3A_65], %mul3A_64 {strides = array<i32>} : memref<3128x128xf32, #tpu.memory_space<vmem>>, vector<3128x128xf32>,
    return
  }
  func.func @transform_0(%arg0: i32) -> (i32, i32, i32) {
    %c0_i32 = arith.constant 0 : i32
    %c0_i32_0 = arith.constant 0 : i32
    %c0_i32_1 = arith.constant 0 : i32
    return %c0_i32, %arg0, %c0_i32_0 : i32, i32, i32
  }
  func.func @transform_1(%arg0: i32) -> (i32, i32) {
    %c0_i32 = arith.constant 0 : i32
    %c0_i32_0 = arith.constant 0 : i32
    return %arg0, %c0_i32 : i32, i32
  }
  func.func @transform_2(%arg0: i32) -> (i32, i32) {
    %c0_i32 = arith.constant 0 : i32
    %c0_i32_0 = arith.constant 0 : i32
    return %arg0, %c0_i32 : i32, i32
  }
  func.func @transform_3(%arg0: i32) -> (i32, i32) {
    %c0_i32 = arith.constant 0 : i32
    %c0_i32_0 = arith.constant 0 : i32
    %c0_i32_1 = arith.constant 0 : i32
    return %c0_i32, %c0_i32_0 : i32, i32
  }
  func.func @transform_4(%arg0: i32) -> (i32, i32) {
    %c0_i32 = arith.constant 0 : i32
    %c0_i32_0 = arith.constant 0 : i32
    %c0_i32_1 = arith.constant 0 : i32
    return %c0_i32, %c0_i32_0 : i32, i32
  }
  func.func @transform_5(%arg0: i32) -> (i32, i32) {
    %c0_i32 = arith.constant 0 : i32
    %c0_i32_0 = arith.constant 0 : i32
    return %arg0, %c0_i32 : i32, i32
  }
}

module attributes {stable_mosaic.version = 14 : i64} {
  func.func @_final_body(%arg0: i32, %arg1: memref<2x3128x128xf32, #tpu.memory_space<vmem>>, %arg2: memref<3128x128xf32, #tpu.memory_space<vmem>>, %arg3: memref<3128x128xf32, #tpu.memory_space<vmem>>, %arg4: memref<1x128xf32, #tpu.memory_space<vmem>>, %arg5: memref<1x128xf32, #tpu.memory_space<vmem>>, %arg6: memref<1x1xf32, #tpu.memory_space<vmem>>, %arg7: memref<1x1xf32, #tpu.memory_space<vmem>>) attributes {dimension_semantics = [#tpu.dimension_semantics<arbitrary>], iteration_bounds = array<i64: 2>, scalar_prefetch = 0 : i64, scratch_operands = 0 : i64, tpu.core_type = #tpu.core_type<tc>, window_params = [{transform_indices = @transform_0, window_bounds = array<i64: 2, 3128, 128>}, {transform_indices = @transform_1, window_bounds = array<i64: 3128, 128>}, {transform_indices = @transform_2, window_bounds = array<i64: 3128, 128>}, {pipeline_mode = #tpu.pipeline_mode<synchronous>, transform_indices = @transform_3, window_bounds = array<i64: 1, 128>}, {pipeline_mode = #tpu.pipeline_mode<synchronous>, transform_indices = @transform_4, window_bounds = array<i64: 1, 128>}, {pipeline_mode = #tpu.pipeline_mode<synchronous>, transform_indices = @transform_5, window_bounds = array<i64: 1, 1>}, {pipeline_mode = #tpu.pipeline_mode<synchronous>, transform_indices = @transform_6, window_bounds = array<i64: 1, 1>}]} {
    %eq3A = arith.constant 0 : i32
    %eq3A_0 = arith.cmpi eq, %arg0, %eq3A : i32
    %convert_element_type3A = arith.extui %eq3A_0 : i1 to i32
    %cond3A = arith.constant 0 : i32
    %cond3A_1 = arith.cmpi ne, %convert_element_type3A, %cond3A : i32
    scf.if %cond3A_1 {
      %get3A_76 = arith.constant 0 : index
      %get3A_77 = arith.constant 0 : index
      %get3A_78 = vector.load %arg6[%get3A_76, %get3A_77] : memref<1x1xf32, #tpu.memory_space<vmem>>, vector<1x1xf32>
      %mul3A_79 = arith.constant 1.000000e+05 : f32
      %mul3A_80 = vector.broadcast %mul3A_79 : f32 to vector<1x1xf32>
      %mul3A_81 = arith.mulf %mul3A_80, %get3A_78 : vector<1x1xf32>
      %swap3A_82 = arith.constant 0 : index
      %swap3A_83 = arith.constant 0 : index
      %swap3A_84 = vector.load %arg7[%swap3A_82, %swap3A_83] : memref<1x1xf32, #tpu.memory_space<vmem>>, vector<1x1xf32>
      tpu.vector_store %arg7[%swap3A_82, %swap3A_83], %mul3A_81 {strides = array<i32>} : memref<1x1xf32, #tpu.memory_space<vmem>>, vector<1x1xf32>,
    } else {
    }
    %get3A = arith.constant 0 : index
    %get3A_2 = arith.constant 0 : index
    %get3A_3 = arith.constant 0 : index
    %get3A_4 = vector.load %arg1[%get3A, %get3A_2, %get3A_3] : memref<2x3128x128xf32, #tpu.memory_space<vmem>>, vector<1x3128x128xf32>
    %get3A_5 = vector.shape_cast %get3A_4 : vector<1x3128x128xf32> to vector<3128x128xf32>
    %get3A_6 = arith.constant 1 : index
    %get3A_7 = arith.constant 0 : index
    %get3A_8 = arith.constant 0 : index
    %get3A_9 = vector.load %arg1[%get3A_6, %get3A_7, %get3A_8] : memref<2x3128x128xf32, #tpu.memory_space<vmem>>, vector<1x3128x128xf32>
    %get3A_10 = vector.shape_cast %get3A_9 : vector<1x3128x128xf32> to vector<3128x128xf32>
    %add3A = arith.addf %get3A_5, %get3A_10 : vector<3128x128xf32>
    %get3A_11 = arith.constant 0 : index
    %get3A_12 = arith.constant 0 : index
    %get3A_13 = vector.load %arg2[%get3A_11, %get3A_12] : memref<3128x128xf32, #tpu.memory_space<vmem>>, vector<3128x128xf32>
    %add3A_14 = arith.addf %add3A, %get3A_13 : vector<3128x128xf32>
    %get3A_15 = arith.constant 0 : index
    %get3A_16 = arith.constant 0 : index
    %get3A_17 = vector.load %arg3[%get3A_15, %get3A_16] : memref<3128x128xf32, #tpu.memory_space<vmem>>, vector<3128x128xf32>
    %mul3A = arith.mulf %add3A_14, %get3A_17 : vector<3128x128xf32>
    %get3A_18 = arith.constant 0 : index
    %get3A_19 = arith.constant 0 : index
    %get3A_20 = vector.load %arg4[%get3A_18, %get3A_19] : memref<1x128xf32, #tpu.memory_space<vmem>>, vector<1x128xf32>
    %add3A_21 = vector.broadcast %get3A_20 : vector<1x128xf32> to vector<3128x128xf32>
    %add3A_22 = arith.addf %mul3A, %add3A_21 : vector<3128x128xf32>
    %tanh3A = math.tanh %add3A_22 : vector<3128x128xf32>
    %get3A_23 = arith.constant 0 : index
    %get3A_24 = arith.constant 0 : index
    %get3A_25 = vector.load %arg7[%get3A_23, %get3A_24] : memref<1x1xf32, #tpu.memory_space<vmem>>, vector<1x1xf32>
    %get3A_26 = arith.constant 0 : index
    %get3A_27 = arith.constant 0 : index
    %get3A_28 = vector.load %arg5[%get3A_26, %get3A_27] : memref<1x128xf32, #tpu.memory_space<vmem>>, vector<1x128xf32>
    %mul3A_29 = vector.broadcast %get3A_28 : vector<1x128xf32> to vector<3128x128xf32>
    %mul3A_30 = arith.mulf %tanh3A, %mul3A_29 : vector<3128x128xf32>
    %iota3A = tpu.iota {dimensions = array<i32: 0>} : vector<3128x128xi32>
    %mul3A_31 = arith.constant 3128 : i32
    %mul3A_32 = arith.muli %arg0, %mul3A_31 : i32
    %add3A_33 = vector.broadcast %mul3A_32 : i32 to vector<3128x128xi32>
    %add3A_34 = arith.addi %iota3A, %add3A_33 : vector<3128x128xi32>
    %iota3A_35 = tpu.iota {dimensions = array<i32: 1>} : vector<3128x128xi32>
    %mul3A_36 = arith.constant 16 : i32
    %mul3A_37 = vector.broadcast %mul3A_36 : i32 to vector<3128x128xi32>
    %mul3A_38 = arith.muli %add3A_34, %mul3A_37 : vector<3128x128xi32>
    %jit3A = arith.constant 8 : i32
    %div3A = vector.broadcast %jit3A : i32 to vector<3128x128xi32>
    %div3A_39 = arith.divsi %iota3A_35, %div3A : vector<3128x128xi32>
    %sign3A = arith.constant 0 : i32
    %sign3A_40 = vector.broadcast %sign3A : i32 to vector<3128x128xi32>
    %sign3A_41 = arith.cmpi sgt, %iota3A_35, %sign3A_40 : vector<3128x128xi32>
    %sign3A_42 = arith.extui %sign3A_41 : vector<3128x128xi1> to vector<3128x128xi32>
    %sign3A_43 = arith.constant 0 : i32
    %sign3A_44 = vector.broadcast %sign3A_43 : i32 to vector<3128x128xi32>
    %sign3A_45 = arith.cmpi slt, %iota3A_35, %sign3A_44 : vector<3128x128xi32>
    %sign3A_46 = arith.extui %sign3A_45 : vector<3128x128xi1> to vector<3128x128xi32>
    %sign3A_47 = arith.subi %sign3A_42, %sign3A_46 : vector<3128x128xi32>
    %sign3A_48 = arith.constant 0 : i32
    %sign3A_49 = arith.cmpi sgt, %jit3A, %sign3A_48 : i32
    %sign3A_50 = arith.extui %sign3A_49 : i1 to i32
    %sign3A_51 = arith.constant 0 : i32
    %sign3A_52 = arith.cmpi slt, %jit3A, %sign3A_51 : i32
    %sign3A_53 = arith.extui %sign3A_52 : i1 to i32
    %sign3A_54 = arith.subi %sign3A_50, %sign3A_53 : i32
    %ne3A = vector.broadcast %sign3A_54 : i32 to vector<3128x128xi32>
    %ne3A_55 = arith.cmpi ne, %sign3A_47, %ne3A : vector<3128x128xi32>
    %rem3A = vector.broadcast %jit3A : i32 to vector<3128x128xi32>
    %rem3A_56 = arith.remsi %iota3A_35, %rem3A : vector<3128x128xi32>
    %ne3A_57 = arith.constant 0 : i32
    %ne3A_58 = vector.broadcast %ne3A_57 : i32 to vector<3128x128xi32>
    %ne3A_59 = arith.cmpi ne, %rem3A_56, %ne3A_58 : vector<3128x128xi32>
    %and3A = arith.andi %ne3A_55, %ne3A_59 : vector<3128x128xi1>
    %sub3A = arith.constant 1 : i32
    %sub3A_60 = vector.broadcast %sub3A : i32 to vector<3128x128xi32>
    %sub3A_61 = arith.subi %div3A_39, %sub3A_60 : vector<3128x128xi32>
    %select_n3A = arith.select %and3A, %sub3A_61, %div3A_39 : vector<3128x128xi1>, vector<3128x128xi32>
    %add3A_62 = arith.addi %mul3A_38, %select_n3A : vector<3128x128xi32>
    %lt3A = arith.constant 100000 : i32
    %lt3A_63 = vector.broadcast %lt3A : i32 to vector<3128x128xi32>
    %lt3A_64 = arith.cmpi slt, %add3A_62, %lt3A_63 : vector<3128x128xi32>
    %convert_element_type3A_65 = arith.extui %lt3A_64 : vector<3128x128xi1> to vector<3128x128xi32>
    %convert_element_type3A_66 = arith.sitofp %convert_element_type3A_65 : vector<3128x128xi32> to vector<3128x128xf32>
    %mul3A_67 = arith.mulf %mul3A_30, %convert_element_type3A_66 : vector<3128x128xf32>
    %reduce_sum3A = vector.shape_cast %mul3A_67 : vector<3128x128xf32> to vector<1x3128x128xf32>
    %reduce_sum3A_68 = arith.constant dense<0.000000e+00> : vector<1xf32>
    %reduce_sum3A_69 = vector.multi_reduction <add>, %reduce_sum3A, %reduce_sum3A_68 [1, 2] : vector<1x3128x128xf32> to vector<1xf32>
    %reduce_sum3A_70 = vector.shape_cast %reduce_sum3A_69 : vector<1xf32> to vector<1x1x1xf32>
    %reduce_sum3A_71 = vector.extract %reduce_sum3A_70[0, 0, 0] : f32 from vector<1x1x1xf32>
    %add3A_72 = vector.broadcast %reduce_sum3A_71 : f32 to vector<1x1xf32>
    %add3A_73 = arith.addf %get3A_25, %add3A_72 : vector<1x1xf32>
    %swap3A = arith.constant 0 : index
    %swap3A_74 = arith.constant 0 : index
    %swap3A_75 = vector.load %arg7[%swap3A, %swap3A_74] : memref<1x1xf32, #tpu.memory_space<vmem>>, vector<1x1xf32>
    tpu.vector_store %arg7[%swap3A, %swap3A_74], %add3A_73 {strides = array<i32>} : memref<1x1xf32, #tpu.memory_space<vmem>>, vector<1x1xf32>,
    return
  }
  func.func @transform_0(%arg0: i32) -> (i32, i32, i32) {
    %c0_i32 = arith.constant 0 : i32
    %c0_i32_0 = arith.constant 0 : i32
    %c0_i32_1 = arith.constant 0 : i32
    return %c0_i32, %arg0, %c0_i32_0 : i32, i32, i32
  }
  func.func @transform_1(%arg0: i32) -> (i32, i32) {
    %c0_i32 = arith.constant 0 : i32
    %c0_i32_0 = arith.constant 0 : i32
    return %arg0, %c0_i32 : i32, i32
  }
  func.func @transform_2(%arg0: i32) -> (i32, i32) {
    %c0_i32 = arith.constant 0 : i32
    %c0_i32_0 = arith.constant 0 : i32
    return %arg0, %c0_i32 : i32, i32
  }
  func.func @transform_3(%arg0: i32) -> (i32, i32) {
    %c0_i32 = arith.constant 0 : i32
    %c0_i32_0 = arith.constant 0 : i32
    %c0_i32_1 = arith.constant 0 : i32
    return %c0_i32, %c0_i32_0 : i32, i32
  }
  func.func @transform_4(%arg0: i32) -> (i32, i32) {
    %c0_i32 = arith.constant 0 : i32
    %c0_i32_0 = arith.constant 0 : i32
    %c0_i32_1 = arith.constant 0 : i32
    return %c0_i32, %c0_i32_0 : i32, i32
  }
  func.func @transform_5(%arg0: i32) -> (i32, i32) {
    %c0_i32 = arith.constant 0 : i32
    %c0_i32_0 = arith.constant 0 : i32
    %c0_i32_1 = arith.constant 0 : i32
    return %c0_i32, %c0_i32_0 : i32, i32
  }
  func.func @transform_6(%arg0: i32) -> (i32, i32) {
    %c0_i32 = arith.constant 0 : i32
    %c0_i32_0 = arith.constant 0 : i32
    %c0_i32_1 = arith.constant 0 : i32
    return %c0_i32, %c0_i32_0 : i32, i32
  }
}

</mosaic_0001>

<sc_bundles>
// kernel: kernel.10.cloned.1.call-start
scs
__scs_entry_jumppad:
0x0: {  	(pc) =	sbr.rel $0x88, $3  }
0x1: {  	(tag) =	ssettag $0x0;
	lr =	simm.s32 $0x1  }
0x2: {  	[smem:$0x3F97] =	sst lr;
	_ =	strace $0xD0000000  }
0x3: {  	_ = 	snop  }
0x4: {  	_ = 	snop  }
0x5: {  	_ = 	snop  }
0x6: {  	_ = 	snop  }
0x7: {  	_ = 	snop  }
__scs_overlays_trampoline_lowered:
0x8: {  	[smem:$0x3FA6] =	sst s0  }
0x9: {  	[smem:$0x3FA7] =	sst s1  }
0xa: {  	[smem:$0x3FA8] =	sst s2  }
0xb: {  	[smem:$0x3FA9] =	sst s3  }
0xc: {  	[smem:$0x3FAA] =	sst s4  }
0xd: {  	[smem:$0x3FAB] =	sst s5  }
0xe: {  	[smem:$0x3FAC] =	sst s6  }
0xf: {  	[smem:$0x3FAD] =	sst s7  }
0x10: {  	[smem:$0x3FAE] =	sst s8  }
0x11: {  	[smem:$0x3FAF] =	sst s9;
	s0 =	simm.s32 @!p0 $0x0  }
0x12: {  	s1 =	sld [smem:$0x3F95];
	s0 =	simm.s32 @p0 $0x1  }
0x13: {  	[smem:$0x3FB0] =	sst s0;
	s0 =	simm.s32 @!p1 $0x0  }
0x14: {  	s2 =	sld [smem:$0x3F94];
	s0 =	simm.s32 @p1 $0x1  }
0x15: {  	[smem:$0x3FB1] =	sst s0;
	s0 =	simm.s32 @!p2 $0x0  }
0x16: {  	s3 =	sld [smem:$0x3FDB];
	s0 =	simm.s32 @p2 $0x1  }
0x17: {  	s4 =	simm.s32 $0x1BF5;
	[smem:$0x3FB3] =	sst s0  }
0x18: {  	s0 =	sld [smem:$0x3F96];
	_ =	swait.ge [sflag:s4], $0x0  }
0x19: {  	s7 =	sld [smem:$0x3F97]  }
0x1a: {  	s8 =	sadd.s32 $0xFFFFE003, lr  }
0x1b: {  	s9 =	sadd.s32 $0xFFFFFEF7, lr;
	s5 =	simm.s32 $0xFFFFFFFF;
	p2 =	slt.u32 s8, $0xFFFFF086  }
0x1c: {  	p1 =	slt.u32 s9, $0xF7A;
	s5 =	simm.s32 @!p2 $0x0  }
0x1d: {  	s5 =	simm.s32 @p1 $0x1;
	p0 =	seq.s32 s7, s2  }
0x1e: {  	s7 =	smul.u32 @!p0 $0xF7A, s2;
	p2 =	seq.s32 @!p0 s5, $0x0  }
0x1f: {  	s9 =	smul.u32 $0xF7A, s1;
	s8 =	simm.s32 @!p0 $0x1BF5;
	p2 =	por !p2, p0  }
0x20: {  	[sflag:s8] =	ssyncset.s32 @!p0 $0xFFFFF086;
	s6 =	sadd.s32 @!p0 s3, s7;
	s7 =	simm.s32 @!p0 $0x108  }
0x21: {  	s3 =	sadd.s32 s3, s9;
	s6 =	sadd.s32 @!p0 $0x88, s6;
	s7 =	simm.s32 @p2 $0x1082  }
0x22: {  	[simem:s7], [sflag:s8] =	dma.local @!p0 [hbm:s6], $0xF7A  }
0x23: {  	s9 =	sor.u32 $0xD0000000, s2;
	s6 =	simm.s32 $0x108;
	_ =	swait.ge @!p0 [sflag:s8], $0x0  }
0x24: {  	s3 =	sadd.s32 $0x88, s3;
	s6 =	simm.s32 @!p1 $0x1082;
	[sflag:s4] =	ssyncset.s32 $0xFFFFF086  }
0x25: {  	[simem:s6], [sflag:s4] =	dma.local [hbm:s3], $0xF7A  }
0x26: {  	[smem:$0x3F97] =	sst s1;
	(tag) =	ssettag s2;
	_ =	strace s9  }
0x27: {  	s1 =	sld [smem:$0x3FA7]  }
0x28: {  	s2 =	sld [smem:$0x3FA8]  }
0x29: {  	s4 =	sld [smem:$0x3FAA]  }
0x2a: {  	p0 =	seq.s32 s5, $0x0;
	s5 =	sld [smem:$0x3FAB]  }
0x2b: {  	s6 =	sld [smem:$0x3FAC]  }
0x2c: {  	s7 =	sld [smem:$0x3FAD]  }
0x2d: {  	s3 =	simm.s32 $0x108;
	s8 =	sld [smem:$0x3FAE]  }
0x2e: {  	s3 =	simm.s32 @!p0 $0x1082;
	s9 =	sld [smem:$0x3FAF]  }
0x2f: {  	lr =	sadd.s32 s0, s3;
	s0 =	sld [smem:$0x3FA6]  }
0x30: {  	s3 =	sld [smem:$0x3FA9]  }
0x31: {  	[smem:$0x3FB2] =	sst s10  }
0x32: {  	s10 =	sld [smem:$0x3FB0];
	_ =	sdelay $0x3  }
0x33: {  	p0 =	seq.s32 s10, $0x1;
	s10 =	sld [smem:$0x3FB2];
	_ =	sdelay $0x3  }
0x34: {  	[smem:$0x3FB2] =	sst s10  }
0x35: {  	s10 =	sld [smem:$0x3FB1];
	_ =	sdelay $0x3  }
0x36: {  	p1 =	seq.s32 s10, $0x1;
	s10 =	sld [smem:$0x3FB2];
	_ =	sdelay $0x3  }
0x37: {  	[smem:$0x3FB2] =	sst s10  }
0x38: {  	s10 =	sld [smem:$0x3FB3]  }
0x39: {  	_ = 	snop;
	(pc) =	sbr.ind lr, $3  }
0x3a: {  	_ = 	snop  }
0x3b: {  	_ = 	snop  }
0x3c: {  	p2 =	seq.s32 s10, $0x1;
	s10 =	sld [smem:$0x3FB2]  }
0x3d: {  	_ =	shalt  }
0x3e: {  	_ =	shalt  }
0x3f: {  	_ =	shalt  }
0x40: {  	_ =	shalt  }
0x41: {  	_ =	shalt  }
0x42: {  	_ =	shalt  }
0x43: {  	_ =	shalt  }
0x44: {  	_ =	shalt  }
0x45: {  	_ =	shalt  }
0x46: {  	_ =	shalt  }
0x47: {  	_ =	shalt  }
0x48: {  	_ =	shalt  }
0x49: {  	_ =	shalt  }
0x4a: {  	_ =	shalt  }
0x4b: {  	_ =	shalt  }
0x4c: {  	_ =	shalt  }
0x4d: {  	_ =	shalt  }
0x4e: {  	_ =	shalt  }
0x4f: {  	_ =	shalt  }
0x50: {  	_ =	shalt  }
0x51: {  	_ =	shalt  }
0x52: {  	_ =	shalt  }
0x53: {  	_ =	shalt  }
0x54: {  	_ =	shalt  }
0x55: {  	_ =	shalt  }
0x56: {  	_ =	shalt  }
0x57: {  	_ =	shalt  }
0x58: {  	_ =	shalt  }
0x59: {  	_ =	shalt  }
0x5a: {  	_ =	shalt  }
0x5b: {  	_ =	shalt  }
0x5c: {  	_ =	shalt  }
0x5d: {  	_ =	shalt  }
0x5e: {  	_ =	shalt  }
0x5f: {  	_ =	shalt  }
0x60: {  	_ =	shalt  }
0x61: {  	_ =	shalt  }
0x62: {  	_ =	shalt  }
0x63: {  	_ =	shalt  }
0x64: {  	_ =	shalt  }
0x65: {  	_ =	shalt  }
0x66: {  	_ =	shalt  }
0x67: {  	_ =	shalt  }
0x68: {  	_ =	shalt  }
0x69: {  	_ =	shalt  }
0x6a: {  	_ =	shalt  }
0x6b: {  	_ =	shalt  }
0x6c: {  	_ =	shalt  }
0x6d: {  	_ =	shalt  }
0x6e: {  	_ =	shalt  }
0x6f: {  	_ =	shalt  }
0x70: {  	_ =	shalt  }
0x71: {  	_ =	shalt  }
0x72: {  	_ =	shalt  }
0x73: {  	_ =	shalt  }
0x74: {  	_ =	shalt  }
0x75: {  	_ =	shalt  }
0x76: {  	_ =	shalt  }
0x77: {  	_ =	shalt  }
0x78: {  	_ =	shalt  }
0x79: {  	_ =	shalt  }
0x7a: {  	_ =	shalt  }
0x7b: {  	_ =	shalt  }
0x7c: {  	_ =	shalt  }
0x7d: {  	_ =	shalt  }
0x7e: {  	_ =	shalt  }
0x7f: {  	_ =	shalt  }
0x80: {  	_ =	shalt  }
0x81: {  	_ =	shalt  }
0x82: {  	_ =	shalt  }
0x83: {  	_ =	shalt  }
0x84: {  	_ =	shalt  }
0x85: {  	_ =	shalt  }
0x86: {  	_ =	shalt  }
0x87: {  	_ =	shalt  }
.Lfunc_end0:
.L_simem_size_0:
called_computation_lowered:
.L_overlay_start_0:
0x88: {  	s2 =	sld [smem:$0x3FD9]  }
0x89: {  	s3 =	sld [smem:$0x3FFE];
	_ =	sdelay $0x1  }
0x8a: {  	s1 =	srdreg.scid  }
0x8b: {  	s0 =	sand.u32 $0x1, s1  }
0x8c: {  	s16 =	sshll.u32 s0, $0xA;
	s2 =	sadd.s32 s3, s2  }
0x8d: {  	s2 =	sadd.s32 s2, s16  }
0x8e: {  	[smem:$0x3FBE] =	sst s2  }
0x8f: {  	_ = 	snop  }
0x90: {  	(tm) =	ssettm $0x1  }
0x91: {  	s17 =	sld [smem:$0x3FFB];
	_ =	sdelay $0x3  }
0x92: {  	_ =	strace s17  }
0x93: {  	s2 =	sld [smem:$0x3FFC];
	_ =	sdelay $0x3  }
0x94: {  	_ =	strace s2  }
0x95: {  	s2 =	sld [smem:$0x3FFD];
	_ =	sdelay $0x3  }
0x96: {  	_ =	strace s2  }
0x97: {  	_ =	strace $0x8FFFFFFF  }
0x98: {  	s18 =	sld [smem:$0x3FDB];
	_ =	sdelay $0x1  }
0x99: {  	s19 =	simm.s32 $_scs_section_size  }
0x9a: {  	s4 =	simm.s32 $_size__tile_overlayer_lowered;
	s5 =	simm.s32 $_tile_overlayer_lowered  }
0x9b: {  	s22 =	simm.s32 $0x1BFF;
	s21 =	sshll.u32 s5, $0x1;
	s2 =	sadd.s32 s19, s18  }
0x9c: {  	s6 =	simm.s32 $0x0;
	s20 =	sshll.u32 s4, $0x1;
	s4 =	sadd.s32 s21, s2  }
0x9d: {  	[timem:s6], [sflag:s22] =	dma.local [hbm:s4], s20  }
0x9e: {  	_ =	swait.ge [sflag:s22], s20  }
0x9f: {  	s3 =	ssub.s32 $0x0, s20;
	[sflag:s22] =	ssyncset.done $0x0  }
0xa0: {  	[sflag:s22] =	ssyncadd.s32 s3;
	_ =	sdelay $0x1  }
0xa1: {  	s23 =	simm.s32 $0x1B8B  }
0xa2: {  	_ =	swait.ge [sflag:s23], $0x1  }
0xa3: {  	[sflag:s23] =	ssyncset.done $0x0  }
0xa4: {  	s25 =	simm.s32 $0x1B8E;
	s24 =	sld [smem:$0x3FFE];
	[sflag:s23] =	ssyncadd.s32 $0xFFFFFFFF  }
0xa5: {  	s26 =	simm.s32 $execute0_lowered;
	[smem:$0x3FD2] =	sst s25  }
0xa6: {  	s4 =	sshll.u32 s26, $0x1;
	_ =	strace $0x80000046;
	[dreg:$0x1] =	wrdreg $0xFFFFFFFF  }
0xa7: {  	s28 =	simm.s32 $_size_execute0_lowered;
	s2 =	sadd.s32 s2, s4;
	[dreg:$0x0] =	wrdreg $0x0  }
0xa8: {  	s4 =	sshll.u32 s28, $0x1;
	[dreg:$0x2] =	wrdreg s2  }
0xa9: {  	[dreg:$0x3] =	wrdreg s4  }
0xaa: {  	[dreg:$0x4] =	wrdreg $0xC0  }
0xab: {  	_ =	task [dreg:s6], $0x5FFFF  }
0xac: {  	[dreg:$0x1] =	wrdreg $0xFFFFFFFF  }
0xad: {  	[dreg:$0x0] =	wrdreg $0x60  }
0xae: {  	[dreg:$0x2] =	wrdreg s24  }
0xaf: {  	[dreg:$0x3] =	wrdreg $0x8C000  }
0xb0: {  	[dreg:$0x4] =	wrdreg $0x9  }
0xb1: {  	_ =	task.clear_ibuf [dreg:s6], $0x5FFFF;
	_ =	strace $0x90000046  }
0xb2: {  	s29 =	simm.s32 $0x9;
	_ =	strace $0x80000048  }
0xb3: {  	_ =	swait.ge [sflag:s29], $0x1  }
0xb4: {  	[sflag:s29] =	ssyncadd.s32 $0xFFFFFFFF  }
0xb5: {  	_ =	strace $0x90000048  }
0xb6: {  	_ =	sfence  }
0xb7: {  	s30 =	sld [smem:$0x0];
	_ =	sdelay $0x2  }
0xb8: {  	s31 =	sshll.u32 s1, $0xD;
	s1 =	sshrl.u32 s1, $0x2  }
0xb9: {  	s3 =	sand.u32 $0x4000, s31;
	s1 =	sadd.s32 s1, s30  }
0xba: {  	s0 =	sor.u32 s3, s0;
	s1 =	sshll.u32 s1, $0x11  }
0xbb: {  	s0 =	sor.u32 s1, s0  }
0xbc: {  	s0 =	sadd.s32 $0x8F2B, s0  }
0xbd: {  	[sflag:s0] =	ssyncadd.remote.s32 $0x1  }
0xbe: {  	_ =	sfence.sel $0xFFFF  }
0xbf: {  	[dreg:$0x0] =	wrdreg $0xFFFFFFFF;
	(pc) =	sbr.abs _section_cstart, $3  }
0xc0: {  	[dreg:$0x1] =	wrdreg $0xFFFFFFFF  }
0xc1: {  	_ =	task.clear_ibuf [dreg:s6], $0x2FFFF;
	_ =	strace $0x9FFFFFFF  }
0xc2: {  	(tm) =	ssettm $0x7FFFFFFF  }
0xc3: {  	_ =	shalt  }
tec
execute0_lowered:
.L_overlay_start_1:
0x0: {  	(tag) =	ssettag $0x1  }
0x1: {  	s5 =	rddreg [dreg:$0x0]  }
0x2: {  	s2 =	rddreg [dreg:$0x1]  }
0x3: {  	s0 =	rddreg [dreg:$0x2];
	s1 =	stileid.u32  }
0x4: {  	s4 =	srdreg.scid;
	s3 =	simm.s32 $0x0;
	s14 =	simm.s32 $0x1A  }
0x5: {  	s17 =	simm.s32 $0x1C00;
	s18 =	simm.s32 $0x1;
	s19 =	simm.s32 $0xE00  }
0x6: {  	s20 =	simm.s32 $0x2;
	s21 =	simm.s32 $0x0;
	s6 =	smul.u32 $0xC380, s1  }
0x7: {  	s7 =	sand.u32 $0x1, s4;
	[smem:$0x7FF] =	sst s3;
	s11 =	smul.u32 $0x3C, s1  }
0x8: {  	s12 =	sadd.s32 $0xC6C00, s5;
	s4 =	sadd.s32 $0x3600, s5;
	s8 =	smul.u32 $0xC3800, s7  }
0x9: {  	s29 =	sshll.u32 s1, $0x6;
	_ =	strace $0x80000047;
	s10 =	ssub.s32 $0x2, s7  }
0xa: {  	p0 =	seq.s32 s7, $0x0;
	s26 =	sshrl.u32 s6, $0x3;
	s8 =	sadd.s32 s6, s8  }
0xb: {  	s28 =	sshrl.u32 s10, $0x1;
	s7 =	sadd.s32 $0x340, s11;
	s8 =	sshrl.u32 s8, $0x3  }
0xc: {  	s15 =	sadd.s32 s6, s2;
	s13 =	sadd.s32 s8, s5;
	s8 =	smul.u32 $0x34, s1  }
0xd: {  	s14 =	simm.s32 @!p0 $0x1E;
	s9 =	sadd.s32 s26, s5;
	s10 =	ssub.s32 s10, s28  }
0xe: {  	s6 =	sor.u32 $0x1C03, s29;
	s15 =	sshrl.u32 s15, $0x3;
	s7 =	smov.u32 @p0 s8  }
0xf: {  	s10 =	smax.u32 s10, $0x1;
	s8 =	smul.u32 $0x1C0, s7;
	s30 =	sor.u32 $0x1, s7  }
0x10: {  	s5 =	sadd.s32 $0x4400, s9;
	s7 =	sor.u32 $0x2, s7;
	s31 =	smul.u32 $0x1C0, s30  }
0x11: {  	s9 =	sadd.s32 $0x1CC00, s13;
	s13 =	ssub.s32 $0x2, s14;
	s16 =	smul.u32 $0x1C0, s7  }
0x12: {  	s7 =	sadd.s32 s12, s8;
	s8 =	sadd.s32 $0xFFFFFFFF, s14;
	s11 =	sadd.s32 s12, s31  }
0x13: {  	s12 =	sadd.s32 s12, s16;
	s14 =	sadd.s32 $0x700, s7;
	s16 =	simm.s32 $0x3  }
.LBB2_1:
0x14: {  	[spmem:s15], [sflag:s6] =	dma.local [hbm:s5], $0x1870  }
0x15: {  	_ =	swait.ge [sflag:s16], $0x1870  }
0x16: {  	[sflag:s16] =	ssyncset.done $0x0  }
0x17: {  	[sflag:s16] =	ssyncadd.s32 $0xFFFFE790  }
0x18: {  	[tilespmem:s17], [sflag:$0x3] =	stream.linear.gather [hbm4b:s4+s3], $0x7000, $0x38;
	[tilespmem:$0x14F80] =	vst v63  }
0x19: {  	_ =	swait.ge [sflag:s16], $0x7000  }
0x1a: {  	[sflag:s16] =	ssyncset.done $0x0  }
0x1b: {  	[sflag:s16] =	ssyncadd.s32 $0xFFFF9000  }
0x1c: {  	[bflag:$0x0] =	sbarrier.arrive $0xFFFF  }
0x1d: {  	[tilespmem:s3], [sflag:$0x1] =	stream.linear.gather [hbm4b:s7+s3], $0xE00, $0x38;
	[tilespmem:$0x14F80] =	vst v63  }
0x1e: {  	_ =	swait.ge [sflag:s18], $0xE00  }
0x1f: {  	[sflag:s18] =	ssyncset.done $0x0  }
0x20: {  	[sflag:s18] =	ssyncadd.s32 $0xFFFFF200  }
0x21: {  	[spmem:s2] =	stream.indirect.scatter.add.f32 [tilespmem:s17], [sflag:$0x2], $0x8, s3, s19, $0xb8;
	[tilespmem:$0x14F80] =	vst v63  }
0x22: {  	_ = 	snop  }
0x23: {  	[tilespmem:s19], [sflag:$0x1] =	stream.linear.gather [hbm4b:s11+s3], $0xE00, $0x38;
	[tilespmem:$0x14F80] =	vst v63  }
0x24: {  	_ =	swait.ge [sflag:s18], $0xE00  }
0x25: {  	[sflag:s18] =	ssyncset.done $0x0  }
0x26: {  	[sflag:s18] =	ssyncadd.s32 $0xFFFFF200  }
0x27: {  	_ =	swait.ge [sflag:s20], $0x7000  }
0x28: {  	[sflag:s20] =	ssyncset.done $0x0  }
0x29: {  	[sflag:s20] =	ssyncadd.s32 $0xFFFF9000  }
0x2a: {  	[spmem:s2] =	stream.indirect.scatter.add.f32 [tilespmem:s17], [sflag:$0x2], $0x8, s19, s19, $0xb8;
	[tilespmem:$0x14F80] =	vst v63  }
0x2b: {  	_ = 	snop  }
0x2c: {  	[tilespmem:s3], [sflag:$0x1] =	stream.linear.gather [hbm4b:s12+s3], $0xE00, $0x38;
	[tilespmem:$0x14F80] =	vst v63  }
0x2d: {  	_ =	swait.ge [sflag:s18], $0xE00  }
0x2e: {  	[sflag:s18] =	ssyncset.done $0x0  }
0x2f: {  	[sflag:s18] =	ssyncadd.s32 $0xFFFFF200  }
0x30: {  	_ =	swait.ge [sflag:s20], $0x7000  }
0x31: {  	[sflag:s20] =	ssyncset.done $0x0  }
0x32: {  	[sflag:s20] =	ssyncadd.s32 $0xFFFF9000  }
0x33: {  	[spmem:s2] =	stream.indirect.scatter.add.f32 [tilespmem:s17], [sflag:$0x2], $0x8, s3, s19, $0xb8;
	[tilespmem:$0x14F80] =	vst v63  }
0x34: {  	s22 =	sadd.s32 $0xFFFFFE40, s14  }
0x35: {  	[tilespmem:s19], [sflag:$0x1] =	stream.linear.gather [hbm4b:s22+s3], $0xE00, $0x38;
	[tilespmem:$0x14F80] =	vst v63  }
0x36: {  	_ =	swait.ge [sflag:s18], $0xE00  }
0x37: {  	p0 =	sne.s32 s13, $0xFFFFFFFF;
	[sflag:s18] =	ssyncset.done $0x0  }
.Ltmp0:
0x38: {  	[sflag:s18] =	ssyncadd.s32 $0xFFFFF200;
	(pc) =	sbr.rel @!p0 .LBB2_3-.Ltmp0, $4  }
0x39: {  	_ =	swait.ge [sflag:s20], $0x7000  }
0x3a: {  	s23 =	simm.s32 $0xFFFFFFFF;
	[sflag:s20] =	ssyncset.done $0x0  }
0x3b: {  	s24 =	smov.u32 s14;
	s22 =	sadd.s32 $0x380, s14;
	[sflag:s20] =	ssyncadd.s32 $0xFFFF9000  }
0x3c: {  	[spmem:s2] =	stream.indirect.scatter.add.f32 [tilespmem:s17], [sflag:$0x2], $0x8, s19, s19, $0xb8;
	[tilespmem:$0x14F80] =	vst v63  }
.LBB2_2:
0x3d: {  	[tilespmem:s3], [sflag:$0x1] =	stream.linear.gather [hbm4b:s24+s3], $0xE00, $0x38;
	[tilespmem:$0x14F80] =	vst v63  }
0x3e: {  	s23 =	sadd.s32 $0xFFFFFFFF, s23;
	s24 =	smov.u32 s22;
	_ =	swait.ge [sflag:s18], $0xE00  }
0x3f: {  	p0 =	sne.s32 s13, s23;
	[sflag:s18] =	ssyncset.done $0x0  }
0x40: {  	[sflag:s18] =	ssyncadd.s32 $0xFFFFF200  }
0x41: {  	_ =	swait.ge [sflag:s20], $0x7000  }
0x42: {  	[sflag:s20] =	ssyncset.done $0x0  }
0x43: {  	[sflag:s20] =	ssyncadd.s32 $0xFFFF9000  }
0x44: {  	[spmem:s2] =	stream.indirect.scatter.add.f32 [tilespmem:s17], [sflag:$0x2], $0x8, s3, s19, $0xb8;
	[tilespmem:$0x14F80] =	vst v63  }
0x45: {  	s25 =	sadd.s32 $0xFFFFFE40, s22  }
0x46: {  	[tilespmem:s19], [sflag:$0x1] =	stream.linear.gather [hbm4b:s25+s3], $0xE00, $0x38;
	[tilespmem:$0x14F80] =	vst v63  }
0x47: {  	_ =	swait.ge [sflag:s18], $0xE00  }
0x48: {  	[sflag:s18] =	ssyncset.done $0x0  }
0x49: {  	[sflag:s18] =	ssyncadd.s32 $0xFFFFF200  }
.Ltmp1:
0x4a: {  	_ =	swait.ge [sflag:s20], $0x7000;
	(pc) =	sbr.rel @p0 .LBB2_2-.Ltmp1, $4  }
0x4b: {  	[sflag:s20] =	ssyncset.done $0x0  }
0x4c: {  	[sflag:s20] =	ssyncadd.s32 $0xFFFF9000  }
0x4d: {  	[spmem:s2] =	stream.indirect.scatter.add.f32 [tilespmem:s17], [sflag:$0x2], $0x8, s19, s19, $0xb8;
	[tilespmem:$0x14F80] =	vst v63  }
0x4e: {  	s22 =	sadd.s32 $0x380, s22  }
.LBB2_3:
0x4f: {  	[tilespmem:s3], [sflag:$0x1] =	stream.linear.gather [hbm4b:s24+s3], $0xE00, $0x38;
	[tilespmem:$0x14F80] =	vst v63  }
0x50: {  	_ =	swait.ge [sflag:s18], $0xE00  }
0x51: {  	[sflag:s18] =	ssyncset.done $0x0  }
0x52: {  	[sflag:s18] =	ssyncadd.s32 $0xFFFFF200  }
0x53: {  	_ =	swait.ge [sflag:s20], $0x7000  }
0x54: {  	[sflag:s20] =	ssyncset.done $0x0  }
0x55: {  	[sflag:s20] =	ssyncadd.s32 $0xFFFF9000  }
0x56: {  	[spmem:s2] =	stream.indirect.scatter.add.f32 [tilespmem:s17], [sflag:$0x2], $0x8, s3, s19, $0xb8;
	[tilespmem:$0x14F80] =	vst v63  }
0x57: {  	s31 =	sadd.s32 $0xFFFFFE40, s22  }
0x58: {  	[tilespmem:s19], [sflag:$0x1] =	stream.linear.gather [hbm4b:s31+s3], $0xE00, $0x38;
	[tilespmem:$0x14F80] =	vst v63  }
0x59: {  	_ =	swait.ge [sflag:s18], $0xE00  }
0x5a: {  	[sflag:s18] =	ssyncset.done $0x0  }
0x5b: {  	[sflag:s18] =	ssyncadd.s32 $0xFFFFF200  }
0x5c: {  	_ =	swait.ge [sflag:s20], $0x7000  }
0x5d: {  	s23 =	ssub.s32 $0x1, s23;
	[sflag:s20] =	ssyncset.done $0x0  }
0x5e: {  	p0 =	sge.u32 s23, s8;
	[sflag:s20] =	ssyncadd.s32 $0xFFFF9000  }
0x5f: {  	[spmem:s2] =	stream.indirect.scatter.add.f32 [tilespmem:s17], [sflag:$0x2], $0x8, s19, s19, $0xb8;
	[tilespmem:$0x14F80] =	vst v63  }
0x60: {  	s23 =	simm.s32 @!p0 $0x0  }
0x61: {  	[tilespmem:s23], [sflag:$0x1] =	stream.linear.gather @!p0 [hbm4b:s22+s23], $0xE00, $0x38;
	[tilespmem:$0x14F80] =	vst v63  }
0x62: {  	_ =	swait.ge [sflag:s20], $0x7000  }
0x63: {  	s21 =	sadd.s32 $0x1, s21;
	[sflag:s20] =	ssyncset.done $0x0  }
0x64: {  	p0 =	sne.s32 s21, s10;
	[sflag:s20] =	ssyncadd.s32 $0xFFFF9000  }
.Ltmp2:
0x65: {  	[bflag:$0x0] =	sbarrier.arrive $0xFFFF;
	(pc) =	sbr.rel @p0 .LBB2_1-.Ltmp2, $4  }
0x66: {  	[hbm:s9], [sflag:s6] =	dma.local [spmem:s15], $0x1870  }
0x67: {  	_ =	swait.ge [sflag:s16], $0x1870  }
0x68: {  	[sflag:s16] =	ssyncset.done $0x0  }
0x69: {  	[sflag:s16] =	ssyncadd.s32 $0xFFFFE790  }
0x6a: {  	_ =	sfence.sel $0x180000  }
0x6b: {  	[bflag:$0x0] =	sbarrier.arrive $0xFFFF  }
0x6c: {  	p0 =	sne.s32 s1, $0x0;
	_ =	strace $0x90000047  }
0x6d: {  	s0 =	sadd.s32 @!p0 $0x100000, s0;
	[bflag:$0x2] =	sbarrier.arrive $0xFFFF  }
0x6e: {  	[sflag:s0] =	ssyncadd.tile.s32 @!p0 $0x1;
	_ =	shalt  }
.Lfunc_end2:
_tile_overlayer_lowered:
.L_overlay_start_2:
0x6f: {  	(tag) =	ssettag $0x2  }
0x70: {  	s0 =	rddreg [dreg:$0x0];
	s2 =	stileid.u32  }
0x71: {  	s1 =	rddreg [dreg:$0x1];
	p0 =	sne.s32 s2, $0x0  }
0x72: {  	s3 =	rddreg [dreg:$0x2];
	[bflag:$0x3] =	sbarrier.arrive $0xFFFF;
	s2 =	simm.s32 @!p0 $0x1C03  }
0x73: {  	[timem:s3], [sflag:s2] =	dma.local @!p0 [hbm:s0], s1  }
0x74: {  	s0 =	simm.s32 @!p0 $0x3  }
0x75: {  	_ =	swait.ge @!p0 [sflag:s0], s1  }
0x76: {  	s1 =	ssub.s32 @!p0 $0x0, s1;
	[sflag:s0] =	ssyncset.done @!p0 $0x0  }
0x77: {  	[sflag:s0] =	ssyncadd.s32 @!p0 s1  }
0x78: {  	[bflag:$0x3] =	sbarrier.arrive $0xFFFF  }
0x79: {  	_ =	shalt  }

// kernel: kernel.13.cloned.1.call-start
scs
__scs_entry_jumppad:
0x0: {  	(pc) =	sbr.rel $0x88, $3  }
0x1: {  	(tag) =	ssettag $0x0;
	lr =	simm.s32 $0x1  }
0x2: {  	[smem:$0x3F97] =	sst lr;
	_ =	strace $0xD0000000  }
0x3: {  	_ = 	snop  }
0x4: {  	_ = 	snop  }
0x5: {  	_ = 	snop  }
0x6: {  	_ = 	snop  }
0x7: {  	_ = 	snop  }
__scs_overlays_trampoline_lowered:
0x8: {  	[smem:$0x3FA6] =	sst s0  }
0x9: {  	[smem:$0x3FA7] =	sst s1  }
0xa: {  	[smem:$0x3FA8] =	sst s2  }
0xb: {  	[smem:$0x3FA9] =	sst s3  }
0xc: {  	[smem:$0x3FAA] =	sst s4  }
0xd: {  	[smem:$0x3FAB] =	sst s5  }
0xe: {  	[smem:$0x3FAC] =	sst s6  }
0xf: {  	[smem:$0x3FAD] =	sst s7  }
0x10: {  	[smem:$0x3FAE] =	sst s8  }
0x11: {  	[smem:$0x3FAF] =	sst s9;
	s0 =	simm.s32 @!p0 $0x0  }
0x12: {  	s1 =	sld [smem:$0x3F95];
	s0 =	simm.s32 @p0 $0x1  }
0x13: {  	[smem:$0x3FB0] =	sst s0;
	s0 =	simm.s32 @!p1 $0x0  }
0x14: {  	s2 =	sld [smem:$0x3F94];
	s0 =	simm.s32 @p1 $0x1  }
0x15: {  	[smem:$0x3FB1] =	sst s0;
	s0 =	simm.s32 @!p2 $0x0  }
0x16: {  	s3 =	sld [smem:$0x3FDB];
	s0 =	simm.s32 @p2 $0x1  }
0x17: {  	s4 =	simm.s32 $0x1BF5;
	[smem:$0x3FB3] =	sst s0  }
0x18: {  	s0 =	sld [smem:$0x3F96];
	_ =	swait.ge [sflag:s4], $0x0  }
0x19: {  	s7 =	sld [smem:$0x3F97]  }
0x1a: {  	s8 =	sadd.s32 $0xFFFFE003, lr  }
0x1b: {  	s9 =	sadd.s32 $0xFFFFFEF7, lr;
	s5 =	simm.s32 $0xFFFFFFFF;
	p2 =	slt.u32 s8, $0xFFFFF086  }
0x1c: {  	p1 =	slt.u32 s9, $0xF7A;
	s5 =	simm.s32 @!p2 $0x0  }
0x1d: {  	s5 =	simm.s32 @p1 $0x1;
	p0 =	seq.s32 s7, s2  }
0x1e: {  	s7 =	smul.u32 @!p0 $0xF7A, s2;
	p2 =	seq.s32 @!p0 s5, $0x0  }
0x1f: {  	s9 =	smul.u32 $0xF7A, s1;
	s8 =	simm.s32 @!p0 $0x1BF5;
	p2 =	por !p2, p0  }
0x20: {  	[sflag:s8] =	ssyncset.s32 @!p0 $0xFFFFF086;
	s6 =	sadd.s32 @!p0 s3, s7;
	s7 =	simm.s32 @!p0 $0x108  }
0x21: {  	s3 =	sadd.s32 s3, s9;
	s6 =	sadd.s32 @!p0 $0x88, s6;
	s7 =	simm.s32 @p2 $0x1082  }
0x22: {  	[simem:s7], [sflag:s8] =	dma.local @!p0 [hbm:s6], $0xF7A  }
0x23: {  	s9 =	sor.u32 $0xD0000000, s2;
	s6 =	simm.s32 $0x108;
	_ =	swait.ge @!p0 [sflag:s8], $0x0  }
0x24: {  	s3 =	sadd.s32 $0x88, s3;
	s6 =	simm.s32 @!p1 $0x1082;
	[sflag:s4] =	ssyncset.s32 $0xFFFFF086  }
0x25: {  	[simem:s6], [sflag:s4] =	dma.local [hbm:s3], $0xF7A  }
0x26: {  	[smem:$0x3F97] =	sst s1;
	(tag) =	ssettag s2;
	_ =	strace s9  }
0x27: {  	s1 =	sld [smem:$0x3FA7]  }
0x28: {  	s2 =	sld [smem:$0x3FA8]  }
0x29: {  	s4 =	sld [smem:$0x3FAA]  }
0x2a: {  	p0 =	seq.s32 s5, $0x0;
	s5 =	sld [smem:$0x3FAB]  }
0x2b: {  	s6 =	sld [smem:$0x3FAC]  }
0x2c: {  	s7 =	sld [smem:$0x3FAD]  }
0x2d: {  	s3 =	simm.s32 $0x108;
	s8 =	sld [smem:$0x3FAE]  }
0x2e: {  	s3 =	simm.s32 @!p0 $0x1082;
	s9 =	sld [smem:$0x3FAF]  }
0x2f: {  	lr =	sadd.s32 s0, s3;
	s0 =	sld [smem:$0x3FA6]  }
0x30: {  	s3 =	sld [smem:$0x3FA9]  }
0x31: {  	[smem:$0x3FB2] =	sst s10  }
0x32: {  	s10 =	sld [smem:$0x3FB0];
	_ =	sdelay $0x3  }
0x33: {  	p0 =	seq.s32 s10, $0x1;
	s10 =	sld [smem:$0x3FB2];
	_ =	sdelay $0x3  }
0x34: {  	[smem:$0x3FB2] =	sst s10  }
0x35: {  	s10 =	sld [smem:$0x3FB1];
	_ =	sdelay $0x3  }
0x36: {  	p1 =	seq.s32 s10, $0x1;
	s10 =	sld [smem:$0x3FB2];
	_ =	sdelay $0x3  }
0x37: {  	[smem:$0x3FB2] =	sst s10  }
0x38: {  	s10 =	sld [smem:$0x3FB3]  }
0x39: {  	_ = 	snop;
	(pc) =	sbr.ind lr, $3  }
0x3a: {  	_ = 	snop  }
0x3b: {  	_ = 	snop  }
0x3c: {  	p2 =	seq.s32 s10, $0x1;
	s10 =	sld [smem:$0x3FB2]  }
0x3d: {  	_ =	shalt  }
0x3e: {  	_ =	shalt  }
0x3f: {  	_ =	shalt  }
0x40: {  	_ =	shalt  }
0x41: {  	_ =	shalt  }
0x42: {  	_ =	shalt  }
0x43: {  	_ =	shalt  }
0x44: {  	_ =	shalt  }
0x45: {  	_ =	shalt  }
0x46: {  	_ =	shalt  }
0x47: {  	_ =	shalt  }
0x48: {  	_ =	shalt  }
0x49: {  	_ =	shalt  }
0x4a: {  	_ =	shalt  }
0x4b: {  	_ =	shalt  }
0x4c: {  	_ =	shalt  }
0x4d: {  	_ =	shalt  }
0x4e: {  	_ =	shalt  }
0x4f: {  	_ =	shalt  }
0x50: {  	_ =	shalt  }
0x51: {  	_ =	shalt  }
0x52: {  	_ =	shalt  }
0x53: {  	_ =	shalt  }
0x54: {  	_ =	shalt  }
0x55: {  	_ =	shalt  }
0x56: {  	_ =	shalt  }
0x57: {  	_ =	shalt  }
0x58: {  	_ =	shalt  }
0x59: {  	_ =	shalt  }
0x5a: {  	_ =	shalt  }
0x5b: {  	_ =	shalt  }
0x5c: {  	_ =	shalt  }
0x5d: {  	_ =	shalt  }
0x5e: {  	_ =	shalt  }
0x5f: {  	_ =	shalt  }
0x60: {  	_ =	shalt  }
0x61: {  	_ =	shalt  }
0x62: {  	_ =	shalt  }
0x63: {  	_ =	shalt  }
0x64: {  	_ =	shalt  }
0x65: {  	_ =	shalt  }
0x66: {  	_ =	shalt  }
0x67: {  	_ =	shalt  }
0x68: {  	_ =	shalt  }
0x69: {  	_ =	shalt  }
0x6a: {  	_ =	shalt  }
0x6b: {  	_ =	shalt  }
0x6c: {  	_ =	shalt  }
0x6d: {  	_ =	shalt  }
0x6e: {  	_ =	shalt  }
0x6f: {  	_ =	shalt  }
0x70: {  	_ =	shalt  }
0x71: {  	_ =	shalt  }
0x72: {  	_ =	shalt  }
0x73: {  	_ =	shalt  }
0x74: {  	_ =	shalt  }
0x75: {  	_ =	shalt  }
0x76: {  	_ =	shalt  }
0x77: {  	_ =	shalt  }
0x78: {  	_ =	shalt  }
0x79: {  	_ =	shalt  }
0x7a: {  	_ =	shalt  }
0x7b: {  	_ =	shalt  }
0x7c: {  	_ =	shalt  }
0x7d: {  	_ =	shalt  }
0x7e: {  	_ =	shalt  }
0x7f: {  	_ =	shalt  }
0x80: {  	_ =	shalt  }
0x81: {  	_ =	shalt  }
0x82: {  	_ =	shalt  }
0x83: {  	_ =	shalt  }
0x84: {  	_ =	shalt  }
0x85: {  	_ =	shalt  }
0x86: {  	_ =	shalt  }
0x87: {  	_ =	shalt  }
.Lfunc_end0:
.L_simem_size_0:
called_computation.1_lowered:
.L_overlay_start_0:
0x88: {  	s2 =	sld [smem:$0x3FD9]  }
0x89: {  	s3 =	sld [smem:$0x3FFE];
	_ =	sdelay $0x1  }
0x8a: {  	s1 =	srdreg.scid  }
0x8b: {  	s0 =	sand.u32 $0x1, s1  }
0x8c: {  	s16 =	sshll.u32 s0, $0xA;
	s2 =	sadd.s32 s3, s2  }
0x8d: {  	s2 =	sadd.s32 s2, s16  }
0x8e: {  	[smem:$0x3FBE] =	sst s2  }
0x8f: {  	_ = 	snop  }
0x90: {  	(tm) =	ssettm $0x1  }
0x91: {  	s17 =	sld [smem:$0x3FFB];
	_ =	sdelay $0x3  }
0x92: {  	_ =	strace s17  }
0x93: {  	s2 =	sld [smem:$0x3FFC];
	_ =	sdelay $0x3  }
0x94: {  	_ =	strace s2  }
0x95: {  	s2 =	sld [smem:$0x3FFD];
	_ =	sdelay $0x3  }
0x96: {  	_ =	strace s2  }
0x97: {  	_ =	strace $0x8FFFFFFF  }
0x98: {  	s18 =	sld [smem:$0x3FDB];
	_ =	sdelay $0x1  }
0x99: {  	s19 =	simm.s32 $_scs_section_size  }
0x9a: {  	s4 =	simm.s32 $_size__tile_overlayer_lowered;
	s5 =	simm.s32 $_tile_overlayer_lowered  }
0x9b: {  	s22 =	simm.s32 $0x1BFF;
	s21 =	sshll.u32 s5, $0x1;
	s2 =	sadd.s32 s19, s18  }
0x9c: {  	s6 =	simm.s32 $0x0;
	s20 =	sshll.u32 s4, $0x1;
	s4 =	sadd.s32 s21, s2  }
0x9d: {  	[timem:s6], [sflag:s22] =	dma.local [hbm:s4], s20  }
0x9e: {  	_ =	swait.ge [sflag:s22], s20  }
0x9f: {  	s3 =	ssub.s32 $0x0, s20;
	[sflag:s22] =	ssyncset.done $0x0  }
0xa0: {  	[sflag:s22] =	ssyncadd.s32 s3;
	_ =	sdelay $0x1  }
0xa1: {  	s23 =	simm.s32 $0x1B8B  }
0xa2: {  	_ =	swait.ge [sflag:s23], $0x1  }
0xa3: {  	[sflag:s23] =	ssyncset.done $0x0  }
0xa4: {  	s25 =	simm.s32 $0x1B8E;
	s24 =	sld [smem:$0x3FFE];
	[sflag:s23] =	ssyncadd.s32 $0xFFFFFFFF  }
0xa5: {  	s26 =	simm.s32 $execute0_lowered;
	[smem:$0x3FD2] =	sst s25  }
0xa6: {  	s4 =	sshll.u32 s26, $0x1;
	_ =	strace $0x80000049;
	[dreg:$0x1] =	wrdreg $0xFFFFFFFF  }
0xa7: {  	s28 =	simm.s32 $_size_execute0_lowered;
	s2 =	sadd.s32 s2, s4;
	[dreg:$0x0] =	wrdreg $0x0  }
0xa8: {  	s4 =	sshll.u32 s28, $0x1;
	[dreg:$0x2] =	wrdreg s2  }
0xa9: {  	[dreg:$0x3] =	wrdreg s4  }
0xaa: {  	[dreg:$0x4] =	wrdreg $0xC0  }
0xab: {  	_ =	task [dreg:s6], $0x5FFFF  }
0xac: {  	[dreg:$0x1] =	wrdreg $0xFFFFFFFF  }
0xad: {  	[dreg:$0x0] =	wrdreg $0x60  }
0xae: {  	[dreg:$0x2] =	wrdreg s24  }
0xaf: {  	[dreg:$0x3] =	wrdreg $0x118000  }
0xb0: {  	[dreg:$0x4] =	wrdreg $0x9  }
0xb1: {  	_ =	task.clear_ibuf [dreg:s6], $0x5FFFF;
	_ =	strace $0x90000049  }
0xb2: {  	s29 =	simm.s32 $0x9;
	_ =	strace $0x8000004B  }
0xb3: {  	_ =	swait.ge [sflag:s29], $0x1  }
0xb4: {  	[sflag:s29] =	ssyncadd.s32 $0xFFFFFFFF  }
0xb5: {  	_ =	strace $0x9000004B  }
0xb6: {  	_ =	sfence  }
0xb7: {  	s30 =	sld [smem:$0x0];
	_ =	sdelay $0x2  }
0xb8: {  	s31 =	sshll.u32 s1, $0xD;
	s1 =	sshrl.u32 s1, $0x2  }
0xb9: {  	s3 =	sand.u32 $0x4000, s31;
	s1 =	sadd.s32 s1, s30  }
0xba: {  	s0 =	sor.u32 s3, s0;
	s1 =	sshll.u32 s1, $0x11  }
0xbb: {  	s0 =	sor.u32 s1, s0  }
0xbc: {  	s0 =	sadd.s32 $0x8F2B, s0  }
0xbd: {  	[sflag:s0] =	ssyncadd.remote.s32 $0x1  }
0xbe: {  	_ =	sfence.sel $0xFFFF  }
0xbf: {  	[dreg:$0x0] =	wrdreg $0xFFFFFFFF;
	(pc) =	sbr.abs _section_cstart, $3  }
0xc0: {  	[dreg:$0x1] =	wrdreg $0xFFFFFFFF  }
0xc1: {  	_ =	task.clear_ibuf [dreg:s6], $0x2FFFF;
	_ =	strace $0x9FFFFFFF  }
0xc2: {  	(tm) =	ssettm $0x7FFFFFFF  }
0xc3: {  	_ =	shalt  }
tec
execute0_lowered:
.L_overlay_start_1:
0x0: {  	(tag) =	ssettag $0x1  }
0x1: {  	s5 =	rddreg [dreg:$0x0]  }
0x2: {  	s2 =	rddreg [dreg:$0x1]  }
0x3: {  	s3 =	simm.s32 $0x0;
	s0 =	stileid.u32;
	s4 =	srdreg.scid  }
0x4: {  	s20 =	simm.s32 $0xE00;
	s21 =	simm.s32 $0x3800;
	s22 =	simm.s32 $0x2  }
0x5: {  	s23 =	simm.s32 $0x2A00;
	s24 =	simm.s32 $0xA800;
	s25 =	simm.s32 $0x3  }
0x6: {  	s28 =	simm.s32 $0x0;
	[smem:$0x7FF] =	sst s3;
	s6 =	smul.u32 $0xC380, s0  }
0x7: {  	s7 =	sand.u32 $0x1, s4;
	s4 =	sadd.s32 $0x1CC00, s5;
	s10 =	smul.u32 $0x3C, s0  }
0x8: {  	s14 =	sadd.s32 $0x18AC00, s5;
	s15 =	sadd.s32 $0xC6C00, s5;
	s12 =	smul.u32 $0x34, s0  }
0x9: {  	s26 =	sshll.u32 s0, $0x6;
	_ =	strace $0x8000004A;
	s8 =	smul.u32 $0xC3800, s7  }
0xa: {  	s11 =	ssub.s32 $0x2, s7;
	p0 =	seq.s32 s7, $0x0;
	s9 =	sshrl.u32 s6, $0x3  }
0xb: {  	s13 =	sshrl.u32 s11, $0x1;
	s10 =	sadd.s32 $0x340, s10;
	s17 =	sadd.s32 s6, s2  }
0xc: {  	s9 =	sadd.s32 s9, s5;
	s8 =	sadd.s32 s6, s8;
	s11 =	ssub.s32 s11, s13  }
0xd: {  	s10 =	smov.u32 @p0 s12;
	s6 =	sor.u32 $0x1C04, s26;
	s13 =	simm.s32 $0x1A  }
0xe: {  	s17 =	sshrl.u32 s17, $0x3;
	s26 =	simm.s32 $0x1;
	s8 =	sshrl.u32 s8, $0x3  }
0xf: {  	s29 =	smul.u32 $0x1C0, s10;
	s13 =	simm.s32 @!p0 $0x1E;
	s30 =	sor.u32 $0x1, s10  }
0x10: {  	s12 =	sor.u32 $0x2, s10;
	s11 =	smax.u32 s11, $0x1;
	s18 =	smul.u32 $0x1C0, s30  }
0x11: {  	s16 =	sadd.s32 s8, s5;
	s5 =	sadd.s32 $0x4400, s9;
	s31 =	smul.u32 $0x1C0, s12  }
0x12: {  	s9 =	sadd.s32 $0xFFFFFFFF, s13;
	s19 =	smul.u32 $0x380, s13;
	s7 =	sadd.s32 s14, s29  }
0x13: {  	s8 =	sadd.s32 s15, s29;
	s10 =	sadd.s32 $0x55A00, s16;
	s12 =	sadd.s32 s14, s18  }
0x14: {  	s13 =	sadd.s32 s15, s18;
	s14 =	sadd.s32 s14, s31;
	s15 =	sadd.s32 s15, s31  }
0x15: {  	s16 =	sadd.s32 $0xFFFFF900, s19;
	s18 =	simm.s32 $0x4;
	s19 =	simm.s32 $0x1C00  }
.LBB2_1:
0x16: {  	[spmem:s17], [sflag:s6] =	dma.local [hbm:s5], $0x1870  }
0x17: {  	_ =	swait.ge [sflag:s18], $0x1870  }
0x18: {  	[sflag:s18] =	ssyncset.done $0x0  }
0x19: {  	[sflag:s18] =	ssyncadd.s32 $0xFFFFE790  }
0x1a: {  	[bflag:$0x0] =	sbarrier.arrive $0xFFFF  }
0x1b: {  	[tilespmem:s3], [sflag:$0x1] =	stream.linear.gather [hbm4b:s7+s3], $0xE00, $0x38;
	[tilespmem:$0x1DB80] =	vst v63  }
0x1c: {  	_ = 	snop  }
0x1d: {  	[tilespmem:s19], [sflag:$0x1] =	stream.linear.gather [hbm4b:s8+s3], $0xE00, $0x38;
	[tilespmem:$0x1DB80] =	vst v63  }
0x1e: {  	_ =	swait.ge [sflag:s26], $0xE00  }
0x1f: {  	[sflag:s26] =	ssyncset.done $0x0  }
0x20: {  	[sflag:s26] =	ssyncadd.s32 $0xFFFFF200  }
0x21: {  	_ =	swait.ge [sflag:s26], $0xE00  }
0x22: {  	[sflag:s26] =	ssyncset.done $0x0  }
0x23: {  	[sflag:s26] =	ssyncadd.s32 $0xFFFFF200  }
0x24: {  	[tilespmem:s21], [sflag:$0x2] =	stream.indirect.gather [hbm4b:s4+s20], $0x8, s3, s20, $0xb8;
	[tilespmem:$0x1DB80] =	vst v63  }
0x25: {  	_ =	swait.ge [sflag:s22], $0x7000  }
0x26: {  	[sflag:s22] =	ssyncset.done $0x0  }
0x27: {  	[sflag:s22] =	ssyncadd.s32 $0xFFFF9000  }
0x28: {  	[spmem:s2] =	stream.indirect.scatter.add.f32 [tilespmem:s21], [sflag:$0x3], $0x8, s19, s20, $0xb8;
	[tilespmem:$0x1DB80] =	vst v63  }
0x29: {  	_ = 	snop  }
0x2a: {  	[tilespmem:s20], [sflag:$0x1] =	stream.linear.gather [hbm4b:s12+s3], $0xE00, $0x38;
	[tilespmem:$0x1DB80] =	vst v63  }
0x2b: {  	_ = 	snop  }
0x2c: {  	[tilespmem:s23], [sflag:$0x1] =	stream.linear.gather [hbm4b:s13+s3], $0xE00, $0x38;
	[tilespmem:$0x1DB80] =	vst v63  }
0x2d: {  	_ =	swait.ge [sflag:s26], $0xE00  }
0x2e: {  	[sflag:s26] =	ssyncset.done $0x0  }
0x2f: {  	[sflag:s26] =	ssyncadd.s32 $0xFFFFF200  }
0x30: {  	_ =	swait.ge [sflag:s26], $0xE00  }
0x31: {  	[sflag:s26] =	ssyncset.done $0x0  }
0x32: {  	[sflag:s26] =	ssyncadd.s32 $0xFFFFF200  }
0x33: {  	[tilespmem:s24], [sflag:$0x2] =	stream.indirect.gather [hbm4b:s4+s20], $0x8, s20, s20, $0xb8;
	[tilespmem:$0x1DB80] =	vst v63  }
0x34: {  	_ =	swait.ge [sflag:s22], $0x7000  }
0x35: {  	[sflag:s22] =	ssyncset.done $0x0  }
0x36: {  	[sflag:s22] =	ssyncadd.s32 $0xFFFF9000  }
0x37: {  	_ =	swait.ge [sflag:s25], $0x7000  }
0x38: {  	[sflag:s25] =	ssyncset.done $0x0  }
0x39: {  	[sflag:s25] =	ssyncadd.s32 $0xFFFF9000  }
0x3a: {  	[spmem:s2] =	stream.indirect.scatter.add.f32 [tilespmem:s24], [sflag:$0x3], $0x8, s23, s20, $0xb8;
	[tilespmem:$0x1DB80] =	vst v63  }
0x3b: {  	_ = 	snop  }
0x3c: {  	[tilespmem:s3], [sflag:$0x1] =	stream.linear.gather [hbm4b:s14+s3], $0xE00, $0x38;
	[tilespmem:$0x1DB80] =	vst v63  }
0x3d: {  	_ = 	snop  }
0x3e: {  	[tilespmem:s19], [sflag:$0x1] =	stream.linear.gather [hbm4b:s15+s3], $0xE00, $0x38;
	[tilespmem:$0x1DB80] =	vst v63  }
0x3f: {  	_ =	swait.ge [sflag:s26], $0xE00  }
0x40: {  	[sflag:s26] =	ssyncset.done $0x0  }
0x41: {  	[sflag:s26] =	ssyncadd.s32 $0xFFFFF200  }
0x42: {  	_ =	swait.ge [sflag:s26], $0xE00  }
0x43: {  	[sflag:s26] =	ssyncset.done $0x0  }
0x44: {  	[sflag:s26] =	ssyncadd.s32 $0xFFFFF200  }
0x45: {  	[tilespmem:s21], [sflag:$0x2] =	stream.indirect.gather [hbm4b:s4+s20], $0x8, s3, s20, $0xb8;
	[tilespmem:$0x1DB80] =	vst v63  }
0x46: {  	_ =	swait.ge [sflag:s22], $0x7000  }
0x47: {  	[sflag:s22] =	ssyncset.done $0x0  }
0x48: {  	[sflag:s22] =	ssyncadd.s32 $0xFFFF9000  }
0x49: {  	_ =	swait.ge [sflag:s25], $0x7000  }
0x4a: {  	[sflag:s25] =	ssyncset.done $0x0  }
0x4b: {  	s29 =	sadd.s32 $0x0, s7;
	[sflag:s25] =	ssyncadd.s32 $0xFFFF9000  }
0x4c: {  	[spmem:s2] =	stream.indirect.scatter.add.f32 [tilespmem:s21], [sflag:$0x3], $0x8, s19, s20, $0xb8;
	[tilespmem:$0x1DB80] =	vst v63  }
0x4d: {  	s31 =	sadd.s32 $0x0, s8;
	s30 =	sadd.s32 $0x540, s29  }
0x4e: {  	[tilespmem:s20], [sflag:$0x1] =	stream.linear.gather [hbm4b:s30+s3], $0xE00, $0x38;
	[tilespmem:$0x1DB80] =	vst v63  }
0x4f: {  	s30 =	sadd.s32 $0x540, s31  }
0x50: {  	[tilespmem:s23], [sflag:$0x1] =	stream.linear.gather [hbm4b:s30+s3], $0xE00, $0x38;
	[tilespmem:$0x1DB80] =	vst v63  }
0x51: {  	_ =	swait.ge [sflag:s26], $0xE00  }
0x52: {  	[sflag:s26] =	ssyncset.done $0x0  }
0x53: {  	[sflag:s26] =	ssyncadd.s32 $0xFFFFF200  }
0x54: {  	_ =	swait.ge [sflag:s26], $0xE00  }
0x55: {  	[sflag:s26] =	ssyncset.done $0x0  }
0x56: {  	[sflag:s26] =	ssyncadd.s32 $0xFFFFF200  }
0x57: {  	[tilespmem:s24], [sflag:$0x2] =	stream.indirect.gather [hbm4b:s4+s20], $0x8, s20, s20, $0xb8;
	[tilespmem:$0x1DB80] =	vst v63  }
0x58: {  	_ =	swait.ge [sflag:s22], $0x7000  }
0x59: {  	[sflag:s22] =	ssyncset.done $0x0  }
0x5a: {  	[sflag:s22] =	ssyncadd.s32 $0xFFFF9000  }
0x5b: {  	_ =	swait.ge [sflag:s25], $0x7000  }
0x5c: {  	p0 =	sne.s32 s16, $0x380;
	[sflag:s25] =	ssyncset.done $0x0  }
.Ltmp0:
0x5d: {  	[sflag:s25] =	ssyncadd.s32 $0xFFFF9000;
	(pc) =	sbr.rel @!p0 .LBB2_3-.Ltmp0, $4  }
0x5e: {  	[spmem:s2] =	stream.indirect.scatter.add.f32 [tilespmem:s24], [sflag:$0x3], $0x8, s23, s20, $0xb8;
	[tilespmem:$0x1DB80] =	vst v63  }
0x5f: {  	s29 =	sadd.s32 $0x700, s29  }
0x60: {  	[tilespmem:s3], [sflag:$0x1] =	stream.linear.gather [hbm4b:s29+s3], $0xE00, $0x38;
	[tilespmem:$0x1DB80] =	vst v63  }
0x61: {  	s31 =	sadd.s32 $0x700, s31;
	s30 =	simm.s32 $0x2;
	s29 =	simm.s32 $0x380  }
.LBB2_2:
0x62: {  	[tilespmem:s19], [sflag:$0x1] =	stream.linear.gather [hbm4b:s31+s3], $0xE00, $0x38;
	[tilespmem:$0x1DB80] =	vst v63  }
0x63: {  	s31 =	smov.u32 s29;
	s29 =	sadd.s32 $0x380, s29;
	_ =	swait.ge [sflag:s26], $0xE00  }
0x64: {  	p0 =	sne.s32 s16, s29;
	[sflag:s26] =	ssyncset.done $0x0  }
0x65: {  	[sflag:s26] =	ssyncadd.s32 $0xFFFFF200  }
0x66: {  	_ =	swait.ge [sflag:s26], $0xE00  }
0x67: {  	[sflag:s26] =	ssyncset.done $0x0  }
0x68: {  	[sflag:s26] =	ssyncadd.s32 $0xFFFFF200  }
0x69: {  	[tilespmem:s21], [sflag:$0x2] =	stream.indirect.gather [hbm4b:s4+s20], $0x8, s3, s20, $0xb8;
	[tilespmem:$0x1DB80] =	vst v63  }
0x6a: {  	_ =	swait.ge [sflag:s22], $0x7000  }
0x6b: {  	[sflag:s22] =	ssyncset.done $0x0  }
0x6c: {  	[sflag:s22] =	ssyncadd.s32 $0xFFFF9000  }
0x6d: {  	_ =	swait.ge [sflag:s25], $0x7000  }
0x6e: {  	[sflag:s25] =	ssyncset.done $0x0  }
0x6f: {  	s0 =	sadd.s32 s31, s7;
	[sflag:s25] =	ssyncadd.s32 $0xFFFF9000  }
0x70: {  	[spmem:s2] =	stream.indirect.scatter.add.f32 [tilespmem:s21], [sflag:$0x3], $0x8, s19, s20, $0xb8;
	[tilespmem:$0x1DB80] =	vst v63  }
0x71: {  	s31 =	sadd.s32 s31, s8;
	s1 =	sadd.s32 $0x540, s0  }
0x72: {  	[tilespmem:s20], [sflag:$0x1] =	stream.linear.gather [hbm4b:s1+s3], $0xE00, $0x38;
	[tilespmem:$0x1DB80] =	vst v63  }
0x73: {  	s1 =	sadd.s32 $0x540, s31  }
0x74: {  	[tilespmem:s23], [sflag:$0x1] =	stream.linear.gather [hbm4b:s1+s3], $0xE00, $0x38;
	[tilespmem:$0x1DB80] =	vst v63  }
0x75: {  	_ =	swait.ge [sflag:s26], $0xE00  }
0x76: {  	[sflag:s26] =	ssyncset.done $0x0  }
0x77: {  	[sflag:s26] =	ssyncadd.s32 $0xFFFFF200  }
0x78: {  	_ =	swait.ge [sflag:s26], $0xE00  }
0x79: {  	[sflag:s26] =	ssyncset.done $0x0  }
0x7a: {  	[sflag:s26] =	ssyncadd.s32 $0xFFFFF200  }
0x7b: {  	[tilespmem:s24], [sflag:$0x2] =	stream.indirect.gather [hbm4b:s4+s20], $0x8, s20, s20, $0xb8;
	[tilespmem:$0x1DB80] =	vst v63  }
0x7c: {  	_ =	swait.ge [sflag:s22], $0x7000  }
0x7d: {  	[sflag:s22] =	ssyncset.done $0x0  }
0x7e: {  	[sflag:s22] =	ssyncadd.s32 $0xFFFF9000  }
0x7f: {  	_ =	swait.ge [sflag:s25], $0x7000  }
0x80: {  	[sflag:s25] =	ssyncset.done $0x0  }
.Ltmp1:
0x81: {  	[sflag:s25] =	ssyncadd.s32 $0xFFFF9000;
	(pc) =	sbr.rel @p0 .LBB2_2-.Ltmp1, $4  }
0x82: {  	[spmem:s2] =	stream.indirect.scatter.add.f32 [tilespmem:s24], [sflag:$0x3], $0x8, s23, s20, $0xb8;
	[tilespmem:$0x1DB80] =	vst v63  }
0x83: {  	s0 =	sadd.s32 $0x700, s0  }
0x84: {  	[tilespmem:s3], [sflag:$0x1] =	stream.linear.gather [hbm4b:s0+s3], $0xE00, $0x38;
	[tilespmem:$0x1DB80] =	vst v63  }
0x85: {  	s30 =	sadd.s32 $0x1, s30;
	s31 =	sadd.s32 $0x700, s31  }
.LBB2_3:
0x86: {  	[tilespmem:s19], [sflag:$0x1] =	stream.linear.gather [hbm4b:s31+s3], $0xE00, $0x38;
	[tilespmem:$0x1DB80] =	vst v63  }
0x87: {  	_ =	swait.ge [sflag:s26], $0xE00  }
0x88: {  	[sflag:s26] =	ssyncset.done $0x0  }
0x89: {  	[sflag:s26] =	ssyncadd.s32 $0xFFFFF200  }
0x8a: {  	_ =	swait.ge [sflag:s26], $0xE00  }
0x8b: {  	[sflag:s26] =	ssyncset.done $0x0  }
0x8c: {  	[sflag:s26] =	ssyncadd.s32 $0xFFFFF200  }
0x8d: {  	[tilespmem:s21], [sflag:$0x2] =	stream.indirect.gather [hbm4b:s4+s20], $0x8, s3, s20, $0xb8;
	[tilespmem:$0x1DB80] =	vst v63  }
0x8e: {  	_ =	swait.ge [sflag:s22], $0x7000  }
0x8f: {  	[sflag:s22] =	ssyncset.done $0x0  }
0x90: {  	[sflag:s22] =	ssyncadd.s32 $0xFFFF9000  }
0x91: {  	_ =	swait.ge [sflag:s25], $0x7000  }
0x92: {  	[sflag:s25] =	ssyncset.done $0x0  }
0x93: {  	s0 =	sadd.s32 s29, s7;
	[sflag:s25] =	ssyncadd.s32 $0xFFFF9000  }
0x94: {  	[spmem:s2] =	stream.indirect.scatter.add.f32 [tilespmem:s21], [sflag:$0x3], $0x8, s19, s20, $0xb8;
	[tilespmem:$0x1DB80] =	vst v63  }
0x95: {  	s31 =	sadd.s32 s29, s8;
	s0 =	sadd.s32 $0x540, s0  }
0x96: {  	[tilespmem:s20], [sflag:$0x1] =	stream.linear.gather [hbm4b:s0+s3], $0xE00, $0x38;
	[tilespmem:$0x1DB80] =	vst v63  }
0x97: {  	s0 =	sadd.s32 $0x540, s31  }
0x98: {  	[tilespmem:s23], [sflag:$0x1] =	stream.linear.gather [hbm4b:s0+s3], $0xE00, $0x38;
	[tilespmem:$0x1DB80] =	vst v63  }
0x99: {  	_ =	swait.ge [sflag:s26], $0xE00  }
0x9a: {  	[sflag:s26] =	ssyncset.done $0x0  }
0x9b: {  	[sflag:s26] =	ssyncadd.s32 $0xFFFFF200  }
0x9c: {  	_ =	swait.ge [sflag:s26], $0xE00  }
0x9d: {  	[sflag:s26] =	ssyncset.done $0x0  }
0x9e: {  	[sflag:s26] =	ssyncadd.s32 $0xFFFFF200  }
0x9f: {  	[tilespmem:s24], [sflag:$0x2] =	stream.indirect.gather [hbm4b:s4+s20], $0x8, s20, s20, $0xb8;
	[tilespmem:$0x1DB80] =	vst v63  }
0xa0: {  	_ =	swait.ge [sflag:s22], $0x7000  }
0xa1: {  	[sflag:s22] =	ssyncset.done $0x0  }
0xa2: {  	[sflag:s22] =	ssyncadd.s32 $0xFFFF9000  }
0xa3: {  	_ =	swait.ge [sflag:s25], $0x7000  }
0xa4: {  	p0 =	sge.u32 s30, s9;
	[sflag:s25] =	ssyncset.done $0x0  }
0xa5: {  	s0 =	sadd.s32 @!p0 s29, s7;
	[sflag:s25] =	ssyncadd.s32 $0xFFFF9000  }
0xa6: {  	[spmem:s2] =	stream.indirect.scatter.add.f32 [tilespmem:s24], [sflag:$0x3], $0x8, s23, s20, $0xb8;
	[tilespmem:$0x1DB80] =	vst v63  }
0xa7: {  	s1 =	simm.s32 @!p0 $0x0;
	s0 =	sadd.s32 @!p0 $0x700, s0  }
0xa8: {  	[tilespmem:s1], [sflag:$0x1] =	stream.linear.gather @!p0 [hbm4b:s0+s1], $0xE00, $0x38;
	[tilespmem:$0x1DB80] =	vst v63  }
0xa9: {  	s0 =	sadd.s32 @!p0 s29, s8  }
0xaa: {  	s29 =	simm.s32 @!p0 $0x1C00;
	s0 =	sadd.s32 @!p0 $0x700, s0  }
0xab: {  	[tilespmem:s29], [sflag:$0x1] =	stream.linear.gather @!p0 [hbm4b:s0+s1], $0xE00, $0x38;
	[tilespmem:$0x1DB80] =	vst v63  }
0xac: {  	_ =	swait.ge [sflag:s25], $0x7000  }
0xad: {  	s28 =	sadd.s32 $0x1, s28;
	[sflag:s25] =	ssyncset.done $0x0  }
0xae: {  	p0 =	sne.s32 s28, s11;
	[sflag:s25] =	ssyncadd.s32 $0xFFFF9000  }
.Ltmp2:
0xaf: {  	[bflag:$0x0] =	sbarrier.arrive $0xFFFF;
	(pc) =	sbr.rel @p0 .LBB2_1-.Ltmp2, $4  }
0xb0: {  	[hbm:s10], [sflag:s6] =	dma.local [spmem:s17], $0x1870  }
0xb1: {  	_ =	swait.ge [sflag:s18], $0x1870  }
0xb2: {  	[sflag:s18] =	ssyncset.done $0x0  }
0xb3: {  	[sflag:s18] =	ssyncadd.s32 $0xFFFFE790  }
0xb4: {  	_ =	sfence.sel $0x180000  }
0xb5: {  	[bflag:$0x0] =	sbarrier.arrive $0xFFFF  }
0xb6: {  	_ =	strace $0x9000004A  }
0xb7: {  	s0 =	stileid.u32;
	[bflag:$0x2] =	sbarrier.arrive $0xFFFF  }
0xb8: {  	p0 =	sne.s32 s0, $0x0;
	s0 =	rddreg [dreg:$0x2]  }
0xb9: {  	s0 =	sadd.s32 @!p0 $0x100000, s0  }
0xba: {  	[sflag:s0] =	ssyncadd.tile.s32 @!p0 $0x1;
	_ =	shalt  }
.Lfunc_end2:
_tile_overlayer_lowered:
.L_overlay_start_2:
0xbb: {  	(tag) =	ssettag $0x2  }
0xbc: {  	s0 =	rddreg [dreg:$0x0];
	s2 =	stileid.u32  }
0xbd: {  	s1 =	rddreg [dreg:$0x1];
	p0 =	sne.s32 s2, $0x0  }
0xbe: {  	s3 =	rddreg [dreg:$0x2];
	[bflag:$0x3] =	sbarrier.arrive $0xFFFF;
	s2 =	simm.s32 @!p0 $0x1C04  }
0xbf: {  	[timem:s3], [sflag:s2] =	dma.local @!p0 [hbm:s0], s1  }
0xc0: {  	s0 =	simm.s32 @!p0 $0x4  }
0xc1: {  	_ =	swait.ge @!p0 [sflag:s0], s1  }
0xc2: {  	s1 =	ssub.s32 @!p0 $0x0, s1;
	[sflag:s0] =	ssyncset.done @!p0 $0x0  }
0xc3: {  	[sflag:s0] =	ssyncadd.s32 @!p0 s1  }
0xc4: {  	[bflag:$0x3] =	sbarrier.arrive $0xFFFF  }
0xc5: {  	_ =	shalt  }

// kernel: kernel.16.cloned.1.call-start
scs
__scs_entry_jumppad:
0x0: {  	(pc) =	sbr.rel $0x88, $3  }
0x1: {  	(tag) =	ssettag $0x0;
	lr =	simm.s32 $0x1  }
0x2: {  	[smem:$0x3F97] =	sst lr;
	_ =	strace $0xD0000000  }
0x3: {  	_ = 	snop  }
0x4: {  	_ = 	snop  }
0x5: {  	_ = 	snop  }
0x6: {  	_ = 	snop  }
0x7: {  	_ = 	snop  }
__scs_overlays_trampoline_lowered:
0x8: {  	[smem:$0x3FA6] =	sst s0  }
0x9: {  	[smem:$0x3FA7] =	sst s1  }
0xa: {  	[smem:$0x3FA8] =	sst s2  }
0xb: {  	[smem:$0x3FA9] =	sst s3  }
0xc: {  	[smem:$0x3FAA] =	sst s4  }
0xd: {  	[smem:$0x3FAB] =	sst s5  }
0xe: {  	[smem:$0x3FAC] =	sst s6  }
0xf: {  	[smem:$0x3FAD] =	sst s7  }
0x10: {  	[smem:$0x3FAE] =	sst s8  }
0x11: {  	[smem:$0x3FAF] =	sst s9;
	s0 =	simm.s32 @!p0 $0x0  }
0x12: {  	s1 =	sld [smem:$0x3F95];
	s0 =	simm.s32 @p0 $0x1  }
0x13: {  	[smem:$0x3FB0] =	sst s0;
	s0 =	simm.s32 @!p1 $0x0  }
0x14: {  	s2 =	sld [smem:$0x3F94];
	s0 =	simm.s32 @p1 $0x1  }
0x15: {  	[smem:$0x3FB1] =	sst s0;
	s0 =	simm.s32 @!p2 $0x0  }
0x16: {  	s3 =	sld [smem:$0x3FDB];
	s0 =	simm.s32 @p2 $0x1  }
0x17: {  	s4 =	simm.s32 $0x1BF5;
	[smem:$0x3FB3] =	sst s0  }
0x18: {  	s0 =	sld [smem:$0x3F96];
	_ =	swait.ge [sflag:s4], $0x0  }
0x19: {  	s7 =	sld [smem:$0x3F97]  }
0x1a: {  	s8 =	sadd.s32 $0xFFFFE003, lr  }
0x1b: {  	s9 =	sadd.s32 $0xFFFFFEF7, lr;
	s5 =	simm.s32 $0xFFFFFFFF;
	p2 =	slt.u32 s8, $0xFFFFF086  }
0x1c: {  	p1 =	slt.u32 s9, $0xF7A;
	s5 =	simm.s32 @!p2 $0x0  }
0x1d: {  	s5 =	simm.s32 @p1 $0x1;
	p0 =	seq.s32 s7, s2  }
0x1e: {  	s7 =	smul.u32 @!p0 $0xF7A, s2;
	p2 =	seq.s32 @!p0 s5, $0x0  }
0x1f: {  	s9 =	smul.u32 $0xF7A, s1;
	s8 =	simm.s32 @!p0 $0x1BF5;
	p2 =	por !p2, p0  }
0x20: {  	[sflag:s8] =	ssyncset.s32 @!p0 $0xFFFFF086;
	s6 =	sadd.s32 @!p0 s3, s7;
	s7 =	simm.s32 @!p0 $0x108  }
0x21: {  	s3 =	sadd.s32 s3, s9;
	s6 =	sadd.s32 @!p0 $0x88, s6;
	s7 =	simm.s32 @p2 $0x1082  }
0x22: {  	[simem:s7], [sflag:s8] =	dma.local @!p0 [hbm:s6], $0xF7A  }
0x23: {  	s9 =	sor.u32 $0xD0000000, s2;
	s6 =	simm.s32 $0x108;
	_ =	swait.ge @!p0 [sflag:s8], $0x0  }
0x24: {  	s3 =	sadd.s32 $0x88, s3;
	s6 =	simm.s32 @!p1 $0x1082;
	[sflag:s4] =	ssyncset.s32 $0xFFFFF086  }
0x25: {  	[simem:s6], [sflag:s4] =	dma.local [hbm:s3], $0xF7A  }
0x26: {  	[smem:$0x3F97] =	sst s1;
	(tag) =	ssettag s2;
	_ =	strace s9  }
0x27: {  	s1 =	sld [smem:$0x3FA7]  }
0x28: {  	s2 =	sld [smem:$0x3FA8]  }
0x29: {  	s4 =	sld [smem:$0x3FAA]  }
0x2a: {  	p0 =	seq.s32 s5, $0x0;
	s5 =	sld [smem:$0x3FAB]  }
0x2b: {  	s6 =	sld [smem:$0x3FAC]  }
0x2c: {  	s7 =	sld [smem:$0x3FAD]  }
0x2d: {  	s3 =	simm.s32 $0x108;
	s8 =	sld [smem:$0x3FAE]  }
0x2e: {  	s3 =	simm.s32 @!p0 $0x1082;
	s9 =	sld [smem:$0x3FAF]  }
0x2f: {  	lr =	sadd.s32 s0, s3;
	s0 =	sld [smem:$0x3FA6]  }
0x30: {  	s3 =	sld [smem:$0x3FA9]  }
0x31: {  	[smem:$0x3FB2] =	sst s10  }
0x32: {  	s10 =	sld [smem:$0x3FB0];
	_ =	sdelay $0x3  }
0x33: {  	p0 =	seq.s32 s10, $0x1;
	s10 =	sld [smem:$0x3FB2];
	_ =	sdelay $0x3  }
0x34: {  	[smem:$0x3FB2] =	sst s10  }
0x35: {  	s10 =	sld [smem:$0x3FB1];
	_ =	sdelay $0x3  }
0x36: {  	p1 =	seq.s32 s10, $0x1;
	s10 =	sld [smem:$0x3FB2];
	_ =	sdelay $0x3  }
0x37: {  	[smem:$0x3FB2] =	sst s10  }
0x38: {  	s10 =	sld [smem:$0x3FB3]  }
0x39: {  	_ = 	snop;
	(pc) =	sbr.ind lr, $3  }
0x3a: {  	_ = 	snop  }
0x3b: {  	_ = 	snop  }
0x3c: {  	p2 =	seq.s32 s10, $0x1;
	s10 =	sld [smem:$0x3FB2]  }
0x3d: {  	_ =	shalt  }
0x3e: {  	_ =	shalt  }
0x3f: {  	_ =	shalt  }
0x40: {  	_ =	shalt  }
0x41: {  	_ =	shalt  }
0x42: {  	_ =	shalt  }
0x43: {  	_ =	shalt  }
0x44: {  	_ =	shalt  }
0x45: {  	_ =	shalt  }
0x46: {  	_ =	shalt  }
0x47: {  	_ =	shalt  }
0x48: {  	_ =	shalt  }
0x49: {  	_ =	shalt  }
0x4a: {  	_ =	shalt  }
0x4b: {  	_ =	shalt  }
0x4c: {  	_ =	shalt  }
0x4d: {  	_ =	shalt  }
0x4e: {  	_ =	shalt  }
0x4f: {  	_ =	shalt  }
0x50: {  	_ =	shalt  }
0x51: {  	_ =	shalt  }
0x52: {  	_ =	shalt  }
0x53: {  	_ =	shalt  }
0x54: {  	_ =	shalt  }
0x55: {  	_ =	shalt  }
0x56: {  	_ =	shalt  }
0x57: {  	_ =	shalt  }
0x58: {  	_ =	shalt  }
0x59: {  	_ =	shalt  }
0x5a: {  	_ =	shalt  }
0x5b: {  	_ =	shalt  }
0x5c: {  	_ =	shalt  }
0x5d: {  	_ =	shalt  }
0x5e: {  	_ =	shalt  }
0x5f: {  	_ =	shalt  }
0x60: {  	_ =	shalt  }
0x61: {  	_ =	shalt  }
0x62: {  	_ =	shalt  }
0x63: {  	_ =	shalt  }
0x64: {  	_ =	shalt  }
0x65: {  	_ =	shalt  }
0x66: {  	_ =	shalt  }
0x67: {  	_ =	shalt  }
0x68: {  	_ =	shalt  }
0x69: {  	_ =	shalt  }
0x6a: {  	_ =	shalt  }
0x6b: {  	_ =	shalt  }
0x6c: {  	_ =	shalt  }
0x6d: {  	_ =	shalt  }
0x6e: {  	_ =	shalt  }
0x6f: {  	_ =	shalt  }
0x70: {  	_ =	shalt  }
0x71: {  	_ =	shalt  }
0x72: {  	_ =	shalt  }
0x73: {  	_ =	shalt  }
0x74: {  	_ =	shalt  }
0x75: {  	_ =	shalt  }
0x76: {  	_ =	shalt  }
0x77: {  	_ =	shalt  }
0x78: {  	_ =	shalt  }
0x79: {  	_ =	shalt  }
0x7a: {  	_ =	shalt  }
0x7b: {  	_ =	shalt  }
0x7c: {  	_ =	shalt  }
0x7d: {  	_ =	shalt  }
0x7e: {  	_ =	shalt  }
0x7f: {  	_ =	shalt  }
0x80: {  	_ =	shalt  }
0x81: {  	_ =	shalt  }
0x82: {  	_ =	shalt  }
0x83: {  	_ =	shalt  }
0x84: {  	_ =	shalt  }
0x85: {  	_ =	shalt  }
0x86: {  	_ =	shalt  }
0x87: {  	_ =	shalt  }
.Lfunc_end0:
.L_simem_size_0:
called_computation.2_lowered:
.L_overlay_start_0:
0x88: {  	s2 =	sld [smem:$0x3FD9]  }
0x89: {  	s3 =	sld [smem:$0x3FFE];
	_ =	sdelay $0x1  }
0x8a: {  	s1 =	srdreg.scid  }
0x8b: {  	s0 =	sand.u32 $0x1, s1  }
0x8c: {  	s16 =	sshll.u32 s0, $0xA;
	s2 =	sadd.s32 s3, s2  }
0x8d: {  	s2 =	sadd.s32 s2, s16  }
0x8e: {  	[smem:$0x3FBE] =	sst s2  }
0x8f: {  	_ = 	snop  }
0x90: {  	(tm) =	ssettm $0x1  }
0x91: {  	s17 =	sld [smem:$0x3FFB];
	_ =	sdelay $0x3  }
0x92: {  	_ =	strace s17  }
0x93: {  	s2 =	sld [smem:$0x3FFC];
	_ =	sdelay $0x3  }
0x94: {  	_ =	strace s2  }
0x95: {  	s2 =	sld [smem:$0x3FFD];
	_ =	sdelay $0x3  }
0x96: {  	_ =	strace s2  }
0x97: {  	_ =	strace $0x8FFFFFFF  }
0x98: {  	s18 =	sld [smem:$0x3FDB];
	_ =	sdelay $0x1  }
0x99: {  	s19 =	simm.s32 $_scs_section_size  }
0x9a: {  	s4 =	simm.s32 $_size__tile_overlayer_lowered;
	s5 =	simm.s32 $_tile_overlayer_lowered  }
0x9b: {  	s22 =	simm.s32 $0x1BFF;
	s21 =	sshll.u32 s5, $0x1;
	s2 =	sadd.s32 s19, s18  }
0x9c: {  	s6 =	simm.s32 $0x0;
	s20 =	sshll.u32 s4, $0x1;
	s4 =	sadd.s32 s21, s2  }
0x9d: {  	[timem:s6], [sflag:s22] =	dma.local [hbm:s4], s20  }
0x9e: {  	_ =	swait.ge [sflag:s22], s20  }
0x9f: {  	s3 =	ssub.s32 $0x0, s20;
	[sflag:s22] =	ssyncset.done $0x0  }
0xa0: {  	[sflag:s22] =	ssyncadd.s32 s3;
	_ =	sdelay $0x1  }
0xa1: {  	s23 =	simm.s32 $0x1B8B  }
0xa2: {  	_ =	swait.ge [sflag:s23], $0x1  }
0xa3: {  	[sflag:s23] =	ssyncset.done $0x0  }
0xa4: {  	s25 =	simm.s32 $0x1B8E;
	s24 =	sld [smem:$0x3FFE];
	[sflag:s23] =	ssyncadd.s32 $0xFFFFFFFF  }
0xa5: {  	s26 =	simm.s32 $execute0_lowered;
	[smem:$0x3FD2] =	sst s25  }
0xa6: {  	s4 =	sshll.u32 s26, $0x1;
	_ =	strace $0x8000004C;
	[dreg:$0x1] =	wrdreg $0xFFFFFFFF  }
0xa7: {  	s28 =	simm.s32 $_size_execute0_lowered;
	s2 =	sadd.s32 s2, s4;
	[dreg:$0x0] =	wrdreg $0x0  }
0xa8: {  	s4 =	sshll.u32 s28, $0x1;
	[dreg:$0x2] =	wrdreg s2  }
0xa9: {  	[dreg:$0x3] =	wrdreg s4  }
0xaa: {  	[dreg:$0x4] =	wrdreg $0xC0  }
0xab: {  	_ =	task [dreg:s6], $0x5FFFF  }
0xac: {  	[dreg:$0x1] =	wrdreg $0xFFFFFFFF  }
0xad: {  	[dreg:$0x0] =	wrdreg $0x60  }
0xae: {  	[dreg:$0x2] =	wrdreg s24  }
0xaf: {  	[dreg:$0x3] =	wrdreg $0x118000  }
0xb0: {  	[dreg:$0x4] =	wrdreg $0x9  }
0xb1: {  	_ =	task.clear_ibuf [dreg:s6], $0x5FFFF;
	_ =	strace $0x9000004C  }
0xb2: {  	s29 =	simm.s32 $0x9;
	_ =	strace $0x8000004E  }
0xb3: {  	_ =	swait.ge [sflag:s29], $0x1  }
0xb4: {  	[sflag:s29] =	ssyncadd.s32 $0xFFFFFFFF  }
0xb5: {  	_ =	strace $0x9000004E  }
0xb6: {  	_ =	sfence  }
0xb7: {  	s30 =	sld [smem:$0x0];
	_ =	sdelay $0x2  }
0xb8: {  	s31 =	sshll.u32 s1, $0xD;
	s1 =	sshrl.u32 s1, $0x2  }
0xb9: {  	s3 =	sand.u32 $0x4000, s31;
	s1 =	sadd.s32 s1, s30  }
0xba: {  	s0 =	sor.u32 s3, s0;
	s1 =	sshll.u32 s1, $0x11  }
0xbb: {  	s0 =	sor.u32 s1, s0  }
0xbc: {  	s0 =	sadd.s32 $0x8F2B, s0  }
0xbd: {  	[sflag:s0] =	ssyncadd.remote.s32 $0x1  }
0xbe: {  	_ =	sfence.sel $0xFFFF  }
0xbf: {  	[dreg:$0x0] =	wrdreg $0xFFFFFFFF;
	(pc) =	sbr.abs _section_cstart, $3  }
0xc0: {  	[dreg:$0x1] =	wrdreg $0xFFFFFFFF  }
0xc1: {  	_ =	task.clear_ibuf [dreg:s6], $0x2FFFF;
	_ =	strace $0x9FFFFFFF  }
0xc2: {  	(tm) =	ssettm $0x7FFFFFFF  }
0xc3: {  	_ =	shalt  }
tec
execute0_lowered:
.L_overlay_start_1:
0x0: {  	(tag) =	ssettag $0x1  }
0x1: {  	s5 =	rddreg [dreg:$0x0]  }
0x2: {  	s2 =	rddreg [dreg:$0x1]  }
0x3: {  	s3 =	simm.s32 $0x0;
	s0 =	stileid.u32;
	s4 =	srdreg.scid  }
0x4: {  	s20 =	simm.s32 $0xE00;
	s21 =	simm.s32 $0x3800;
	s22 =	simm.s32 $0x2  }
0x5: {  	s23 =	simm.s32 $0x2A00;
	s24 =	simm.s32 $0xA800;
	s25 =	simm.s32 $0x3  }
0x6: {  	s28 =	simm.s32 $0x0;
	[smem:$0x7FF] =	sst s3;
	s6 =	smul.u32 $0xC380, s0  }
0x7: {  	s7 =	sand.u32 $0x1, s4;
	s4 =	sadd.s32 $0x1CC00, s5;
	s10 =	smul.u32 $0x3C, s0  }
0x8: {  	s14 =	sadd.s32 $0x18AC00, s5;
	s15 =	sadd.s32 $0xC6C00, s5;
	s12 =	smul.u32 $0x34, s0  }
0x9: {  	s26 =	sshll.u32 s0, $0x6;
	_ =	strace $0x8000004D;
	s8 =	smul.u32 $0xC3800, s7  }
0xa: {  	s11 =	ssub.s32 $0x2, s7;
	p0 =	seq.s32 s7, $0x0;
	s9 =	sshrl.u32 s6, $0x3  }
0xb: {  	s13 =	sshrl.u32 s11, $0x1;
	s10 =	sadd.s32 $0x340, s10;
	s17 =	sadd.s32 s6, s2  }
0xc: {  	s9 =	sadd.s32 s9, s5;
	s8 =	sadd.s32 s6, s8;
	s11 =	ssub.s32 s11, s13  }
0xd: {  	s10 =	smov.u32 @p0 s12;
	s6 =	sor.u32 $0x1C04, s26;
	s13 =	simm.s32 $0x1A  }
0xe: {  	s17 =	sshrl.u32 s17, $0x3;
	s26 =	simm.s32 $0x1;
	s8 =	sshrl.u32 s8, $0x3  }
0xf: {  	s29 =	smul.u32 $0x1C0, s10;
	s13 =	simm.s32 @!p0 $0x1E;
	s30 =	sor.u32 $0x1, s10  }
0x10: {  	s12 =	sor.u32 $0x2, s10;
	s11 =	smax.u32 s11, $0x1;
	s18 =	smul.u32 $0x1C0, s30  }
0x11: {  	s16 =	sadd.s32 s8, s5;
	s5 =	sadd.s32 $0x4400, s9;
	s31 =	smul.u32 $0x1C0, s12  }
0x12: {  	s9 =	sadd.s32 $0xFFFFFFFF, s13;
	s19 =	smul.u32 $0x380, s13;
	s7 =	sadd.s32 s14, s29  }
0x13: {  	s8 =	sadd.s32 s15, s29;
	s10 =	sadd.s32 $0x55A00, s16;
	s12 =	sadd.s32 s14, s18  }
0x14: {  	s13 =	sadd.s32 s15, s18;
	s14 =	sadd.s32 s14, s31;
	s15 =	sadd.s32 s15, s31  }
0x15: {  	s16 =	sadd.s32 $0xFFFFF900, s19;
	s18 =	simm.s32 $0x4;
	s19 =	simm.s32 $0x1C00  }
.LBB2_1:
0x16: {  	[spmem:s17], [sflag:s6] =	dma.local [hbm:s5], $0x1870  }
0x17: {  	_ =	swait.ge [sflag:s18], $0x1870  }
0x18: {  	[sflag:s18] =	ssyncset.done $0x0  }
0x19: {  	[sflag:s18] =	ssyncadd.s32 $0xFFFFE790  }
0x1a: {  	[bflag:$0x0] =	sbarrier.arrive $0xFFFF  }
0x1b: {  	[tilespmem:s3], [sflag:$0x1] =	stream.linear.gather [hbm4b:s7+s3], $0xE00, $0x38;
	[tilespmem:$0x1DB80] =	vst v63  }
0x1c: {  	_ = 	snop  }
0x1d: {  	[tilespmem:s19], [sflag:$0x1] =	stream.linear.gather [hbm4b:s8+s3], $0xE00, $0x38;
	[tilespmem:$0x1DB80] =	vst v63  }
0x1e: {  	_ =	swait.ge [sflag:s26], $0xE00  }
0x1f: {  	[sflag:s26] =	ssyncset.done $0x0  }
0x20: {  	[sflag:s26] =	ssyncadd.s32 $0xFFFFF200  }
0x21: {  	_ =	swait.ge [sflag:s26], $0xE00  }
0x22: {  	[sflag:s26] =	ssyncset.done $0x0  }
0x23: {  	[sflag:s26] =	ssyncadd.s32 $0xFFFFF200  }
0x24: {  	[tilespmem:s21], [sflag:$0x2] =	stream.indirect.gather [hbm4b:s4+s20], $0x8, s3, s20, $0xb8;
	[tilespmem:$0x1DB80] =	vst v63  }
0x25: {  	_ =	swait.ge [sflag:s22], $0x7000  }
0x26: {  	[sflag:s22] =	ssyncset.done $0x0  }
0x27: {  	[sflag:s22] =	ssyncadd.s32 $0xFFFF9000  }
0x28: {  	[spmem:s2] =	stream.indirect.scatter.add.f32 [tilespmem:s21], [sflag:$0x3], $0x8, s19, s20, $0xb8;
	[tilespmem:$0x1DB80] =	vst v63  }
0x29: {  	_ = 	snop  }
0x2a: {  	[tilespmem:s20], [sflag:$0x1] =	stream.linear.gather [hbm4b:s12+s3], $0xE00, $0x38;
	[tilespmem:$0x1DB80] =	vst v63  }
0x2b: {  	_ = 	snop  }
0x2c: {  	[tilespmem:s23], [sflag:$0x1] =	stream.linear.gather [hbm4b:s13+s3], $0xE00, $0x38;
	[tilespmem:$0x1DB80] =	vst v63  }
0x2d: {  	_ =	swait.ge [sflag:s26], $0xE00  }
0x2e: {  	[sflag:s26] =	ssyncset.done $0x0  }
0x2f: {  	[sflag:s26] =	ssyncadd.s32 $0xFFFFF200  }
0x30: {  	_ =	swait.ge [sflag:s26], $0xE00  }
0x31: {  	[sflag:s26] =	ssyncset.done $0x0  }
0x32: {  	[sflag:s26] =	ssyncadd.s32 $0xFFFFF200  }
0x33: {  	[tilespmem:s24], [sflag:$0x2] =	stream.indirect.gather [hbm4b:s4+s20], $0x8, s20, s20, $0xb8;
	[tilespmem:$0x1DB80] =	vst v63  }
0x34: {  	_ =	swait.ge [sflag:s22], $0x7000  }
0x35: {  	[sflag:s22] =	ssyncset.done $0x0  }
0x36: {  	[sflag:s22] =	ssyncadd.s32 $0xFFFF9000  }
0x37: {  	_ =	swait.ge [sflag:s25], $0x7000  }
0x38: {  	[sflag:s25] =	ssyncset.done $0x0  }
0x39: {  	[sflag:s25] =	ssyncadd.s32 $0xFFFF9000  }
0x3a: {  	[spmem:s2] =	stream.indirect.scatter.add.f32 [tilespmem:s24], [sflag:$0x3], $0x8, s23, s20, $0xb8;
	[tilespmem:$0x1DB80] =	vst v63  }
0x3b: {  	_ = 	snop  }
0x3c: {  	[tilespmem:s3], [sflag:$0x1] =	stream.linear.gather [hbm4b:s14+s3], $0xE00, $0x38;
	[tilespmem:$0x1DB80] =	vst v63  }
0x3d: {  	_ = 	snop  }
0x3e: {  	[tilespmem:s19], [sflag:$0x1] =	stream.linear.gather [hbm4b:s15+s3], $0xE00, $0x38;
	[tilespmem:$0x1DB80] =	vst v63  }
0x3f: {  	_ =	swait.ge [sflag:s26], $0xE00  }
0x40: {  	[sflag:s26] =	ssyncset.done $0x0  }
0x41: {  	[sflag:s26] =	ssyncadd.s32 $0xFFFFF200  }
0x42: {  	_ =	swait.ge [sflag:s26], $0xE00  }
0x43: {  	[sflag:s26] =	ssyncset.done $0x0  }
0x44: {  	[sflag:s26] =	ssyncadd.s32 $0xFFFFF200  }
0x45: {  	[tilespmem:s21], [sflag:$0x2] =	stream.indirect.gather [hbm4b:s4+s20], $0x8, s3, s20, $0xb8;
	[tilespmem:$0x1DB80] =	vst v63  }
0x46: {  	_ =	swait.ge [sflag:s22], $0x7000  }
0x47: {  	[sflag:s22] =	ssyncset.done $0x0  }
0x48: {  	[sflag:s22] =	ssyncadd.s32 $0xFFFF9000  }
0x49: {  	_ =	swait.ge [sflag:s25], $0x7000  }
0x4a: {  	[sflag:s25] =	ssyncset.done $0x0  }
0x4b: {  	s29 =	sadd.s32 $0x0, s7;
	[sflag:s25] =	ssyncadd.s32 $0xFFFF9000  }
0x4c: {  	[spmem:s2] =	stream.indirect.scatter.add.f32 [tilespmem:s21], [sflag:$0x3], $0x8, s19, s20, $0xb8;
	[tilespmem:$0x1DB80] =	vst v63  }
0x4d: {  	s31 =	sadd.s32 $0x0, s8;
	s30 =	sadd.s32 $0x540, s29  }
0x4e: {  	[tilespmem:s20], [sflag:$0x1] =	stream.linear.gather [hbm4b:s30+s3], $0xE00, $0x38;
	[tilespmem:$0x1DB80] =	vst v63  }
0x4f: {  	s30 =	sadd.s32 $0x540, s31  }
0x50: {  	[tilespmem:s23], [sflag:$0x1] =	stream.linear.gather [hbm4b:s30+s3], $0xE00, $0x38;
	[tilespmem:$0x1DB80] =	vst v63  }
0x51: {  	_ =	swait.ge [sflag:s26], $0xE00  }
0x52: {  	[sflag:s26] =	ssyncset.done $0x0  }
0x53: {  	[sflag:s26] =	ssyncadd.s32 $0xFFFFF200  }
0x54: {  	_ =	swait.ge [sflag:s26], $0xE00  }
0x55: {  	[sflag:s26] =	ssyncset.done $0x0  }
0x56: {  	[sflag:s26] =	ssyncadd.s32 $0xFFFFF200  }
0x57: {  	[tilespmem:s24], [sflag:$0x2] =	stream.indirect.gather [hbm4b:s4+s20], $0x8, s20, s20, $0xb8;
	[tilespmem:$0x1DB80] =	vst v63  }
0x58: {  	_ =	swait.ge [sflag:s22], $0x7000  }
0x59: {  	[sflag:s22] =	ssyncset.done $0x0  }
0x5a: {  	[sflag:s22] =	ssyncadd.s32 $0xFFFF9000  }
0x5b: {  	_ =	swait.ge [sflag:s25], $0x7000  }
0x5c: {  	p0 =	sne.s32 s16, $0x380;
	[sflag:s25] =	ssyncset.done $0x0  }
.Ltmp0:
0x5d: {  	[sflag:s25] =	ssyncadd.s32 $0xFFFF9000;
	(pc) =	sbr.rel @!p0 .LBB2_3-.Ltmp0, $4  }
0x5e: {  	[spmem:s2] =	stream.indirect.scatter.add.f32 [tilespmem:s24], [sflag:$0x3], $0x8, s23, s20, $0xb8;
	[tilespmem:$0x1DB80] =	vst v63  }
0x5f: {  	s29 =	sadd.s32 $0x700, s29  }
0x60: {  	[tilespmem:s3], [sflag:$0x1] =	stream.linear.gather [hbm4b:s29+s3], $0xE00, $0x38;
	[tilespmem:$0x1DB80] =	vst v63  }
0x61: {  	s31 =	sadd.s32 $0x700, s31;
	s30 =	simm.s32 $0x2;
	s29 =	simm.s32 $0x380  }
.LBB2_2:
0x62: {  	[tilespmem:s19], [sflag:$0x1] =	stream.linear.gather [hbm4b:s31+s3], $0xE00, $0x38;
	[tilespmem:$0x1DB80] =	vst v63  }
0x63: {  	s31 =	smov.u32 s29;
	s29 =	sadd.s32 $0x380, s29;
	_ =	swait.ge [sflag:s26], $0xE00  }
0x64: {  	p0 =	sne.s32 s16, s29;
	[sflag:s26] =	ssyncset.done $0x0  }
0x65: {  	[sflag:s26] =	ssyncadd.s32 $0xFFFFF200  }
0x66: {  	_ =	swait.ge [sflag:s26], $0xE00  }
0x67: {  	[sflag:s26] =	ssyncset.done $0x0  }
0x68: {  	[sflag:s26] =	ssyncadd.s32 $0xFFFFF200  }
0x69: {  	[tilespmem:s21], [sflag:$0x2] =	stream.indirect.gather [hbm4b:s4+s20], $0x8, s3, s20, $0xb8;
	[tilespmem:$0x1DB80] =	vst v63  }
0x6a: {  	_ =	swait.ge [sflag:s22], $0x7000  }
0x6b: {  	[sflag:s22] =	ssyncset.done $0x0  }
0x6c: {  	[sflag:s22] =	ssyncadd.s32 $0xFFFF9000  }
0x6d: {  	_ =	swait.ge [sflag:s25], $0x7000  }
0x6e: {  	[sflag:s25] =	ssyncset.done $0x0  }
0x6f: {  	s0 =	sadd.s32 s31, s7;
	[sflag:s25] =	ssyncadd.s32 $0xFFFF9000  }
0x70: {  	[spmem:s2] =	stream.indirect.scatter.add.f32 [tilespmem:s21], [sflag:$0x3], $0x8, s19, s20, $0xb8;
	[tilespmem:$0x1DB80] =	vst v63  }
0x71: {  	s31 =	sadd.s32 s31, s8;
	s1 =	sadd.s32 $0x540, s0  }
0x72: {  	[tilespmem:s20], [sflag:$0x1] =	stream.linear.gather [hbm4b:s1+s3], $0xE00, $0x38;
	[tilespmem:$0x1DB80] =	vst v63  }
0x73: {  	s1 =	sadd.s32 $0x540, s31  }
0x74: {  	[tilespmem:s23], [sflag:$0x1] =	stream.linear.gather [hbm4b:s1+s3], $0xE00, $0x38;
	[tilespmem:$0x1DB80] =	vst v63  }
0x75: {  	_ =	swait.ge [sflag:s26], $0xE00  }
0x76: {  	[sflag:s26] =	ssyncset.done $0x0  }
0x77: {  	[sflag:s26] =	ssyncadd.s32 $0xFFFFF200  }
0x78: {  	_ =	swait.ge [sflag:s26], $0xE00  }
0x79: {  	[sflag:s26] =	ssyncset.done $0x0  }
0x7a: {  	[sflag:s26] =	ssyncadd.s32 $0xFFFFF200  }
0x7b: {  	[tilespmem:s24], [sflag:$0x2] =	stream.indirect.gather [hbm4b:s4+s20], $0x8, s20, s20, $0xb8;
	[tilespmem:$0x1DB80] =	vst v63  }
0x7c: {  	_ =	swait.ge [sflag:s22], $0x7000  }
0x7d: {  	[sflag:s22] =	ssyncset.done $0x0  }
0x7e: {  	[sflag:s22] =	ssyncadd.s32 $0xFFFF9000  }
0x7f: {  	_ =	swait.ge [sflag:s25], $0x7000  }
0x80: {  	[sflag:s25] =	ssyncset.done $0x0  }
.Ltmp1:
0x81: {  	[sflag:s25] =	ssyncadd.s32 $0xFFFF9000;
	(pc) =	sbr.rel @p0 .LBB2_2-.Ltmp1, $4  }
0x82: {  	[spmem:s2] =	stream.indirect.scatter.add.f32 [tilespmem:s24], [sflag:$0x3], $0x8, s23, s20, $0xb8;
	[tilespmem:$0x1DB80] =	vst v63  }
0x83: {  	s0 =	sadd.s32 $0x700, s0  }
0x84: {  	[tilespmem:s3], [sflag:$0x1] =	stream.linear.gather [hbm4b:s0+s3], $0xE00, $0x38;
	[tilespmem:$0x1DB80] =	vst v63  }
0x85: {  	s30 =	sadd.s32 $0x1, s30;
	s31 =	sadd.s32 $0x700, s31  }
.LBB2_3:
0x86: {  	[tilespmem:s19], [sflag:$0x1] =	stream.linear.gather [hbm4b:s31+s3], $0xE00, $0x38;
	[tilespmem:$0x1DB80] =	vst v63  }
0x87: {  	_ =	swait.ge [sflag:s26], $0xE00  }
0x88: {  	[sflag:s26] =	ssyncset.done $0x0  }
0x89: {  	[sflag:s26] =	ssyncadd.s32 $0xFFFFF200  }
0x8a: {  	_ =	swait.ge [sflag:s26], $0xE00  }
0x8b: {  	[sflag:s26] =	ssyncset.done $0x0  }
0x8c: {  	[sflag:s26] =	ssyncadd.s32 $0xFFFFF200  }
0x8d: {  	[tilespmem:s21], [sflag:$0x2] =	stream.indirect.gather [hbm4b:s4+s20], $0x8, s3, s20, $0xb8;
	[tilespmem:$0x1DB80] =	vst v63  }
0x8e: {  	_ =	swait.ge [sflag:s22], $0x7000  }
0x8f: {  	[sflag:s22] =	ssyncset.done $0x0  }
0x90: {  	[sflag:s22] =	ssyncadd.s32 $0xFFFF9000  }
0x91: {  	_ =	swait.ge [sflag:s25], $0x7000  }
0x92: {  	[sflag:s25] =	ssyncset.done $0x0  }
0x93: {  	s0 =	sadd.s32 s29, s7;
	[sflag:s25] =	ssyncadd.s32 $0xFFFF9000  }
0x94: {  	[spmem:s2] =	stream.indirect.scatter.add.f32 [tilespmem:s21], [sflag:$0x3], $0x8, s19, s20, $0xb8;
	[tilespmem:$0x1DB80] =	vst v63  }
0x95: {  	s31 =	sadd.s32 s29, s8;
	s0 =	sadd.s32 $0x540, s0  }
0x96: {  	[tilespmem:s20], [sflag:$0x1] =	stream.linear.gather [hbm4b:s0+s3], $0xE00, $0x38;
	[tilespmem:$0x1DB80] =	vst v63  }
0x97: {  	s0 =	sadd.s32 $0x540, s31  }
0x98: {  	[tilespmem:s23], [sflag:$0x1] =	stream.linear.gather [hbm4b:s0+s3], $0xE00, $0x38;
	[tilespmem:$0x1DB80] =	vst v63  }
0x99: {  	_ =	swait.ge [sflag:s26], $0xE00  }
0x9a: {  	[sflag:s26] =	ssyncset.done $0x0  }
0x9b: {  	[sflag:s26] =	ssyncadd.s32 $0xFFFFF200  }
0x9c: {  	_ =	swait.ge [sflag:s26], $0xE00  }
0x9d: {  	[sflag:s26] =	ssyncset.done $0x0  }
0x9e: {  	[sflag:s26] =	ssyncadd.s32 $0xFFFFF200  }
0x9f: {  	[tilespmem:s24], [sflag:$0x2] =	stream.indirect.gather [hbm4b:s4+s20], $0x8, s20, s20, $0xb8;
	[tilespmem:$0x1DB80] =	vst v63  }
0xa0: {  	_ =	swait.ge [sflag:s22], $0x7000  }
0xa1: {  	[sflag:s22] =	ssyncset.done $0x0  }
0xa2: {  	[sflag:s22] =	ssyncadd.s32 $0xFFFF9000  }
0xa3: {  	_ =	swait.ge [sflag:s25], $0x7000  }
0xa4: {  	p0 =	sge.u32 s30, s9;
	[sflag:s25] =	ssyncset.done $0x0  }
0xa5: {  	s0 =	sadd.s32 @!p0 s29, s7;
	[sflag:s25] =	ssyncadd.s32 $0xFFFF9000  }
0xa6: {  	[spmem:s2] =	stream.indirect.scatter.add.f32 [tilespmem:s24], [sflag:$0x3], $0x8, s23, s20, $0xb8;
	[tilespmem:$0x1DB80] =	vst v63  }
0xa7: {  	s1 =	simm.s32 @!p0 $0x0;
	s0 =	sadd.s32 @!p0 $0x700, s0  }
0xa8: {  	[tilespmem:s1], [sflag:$0x1] =	stream.linear.gather @!p0 [hbm4b:s0+s1], $0xE00, $0x38;
	[tilespmem:$0x1DB80] =	vst v63  }
0xa9: {  	s0 =	sadd.s32 @!p0 s29, s8  }
0xaa: {  	s29 =	simm.s32 @!p0 $0x1C00;
	s0 =	sadd.s32 @!p0 $0x700, s0  }
0xab: {  	[tilespmem:s29], [sflag:$0x1] =	stream.linear.gather @!p0 [hbm4b:s0+s1], $0xE00, $0x38;
	[tilespmem:$0x1DB80] =	vst v63  }
0xac: {  	_ =	swait.ge [sflag:s25], $0x7000  }
0xad: {  	s28 =	sadd.s32 $0x1, s28;
	[sflag:s25] =	ssyncset.done $0x0  }
0xae: {  	p0 =	sne.s32 s28, s11;
	[sflag:s25] =	ssyncadd.s32 $0xFFFF9000  }
.Ltmp2:
0xaf: {  	[bflag:$0x0] =	sbarrier.arrive $0xFFFF;
	(pc) =	sbr.rel @p0 .LBB2_1-.Ltmp2, $4  }
0xb0: {  	[hbm:s10], [sflag:s6] =	dma.local [spmem:s17], $0x1870  }
0xb1: {  	_ =	swait.ge [sflag:s18], $0x1870  }
0xb2: {  	[sflag:s18] =	ssyncset.done $0x0  }
0xb3: {  	[sflag:s18] =	ssyncadd.s32 $0xFFFFE790  }
0xb4: {  	_ =	sfence.sel $0x180000  }
0xb5: {  	[bflag:$0x0] =	sbarrier.arrive $0xFFFF  }
0xb6: {  	_ =	strace $0x9000004D  }
0xb7: {  	s0 =	stileid.u32;
	[bflag:$0x2] =	sbarrier.arrive $0xFFFF  }
0xb8: {  	p0 =	sne.s32 s0, $0x0;
	s0 =	rddreg [dreg:$0x2]  }
0xb9: {  	s0 =	sadd.s32 @!p0 $0x100000, s0  }
0xba: {  	[sflag:s0] =	ssyncadd.tile.s32 @!p0 $0x1;
	_ =	shalt  }
.Lfunc_end2:
_tile_overlayer_lowered:
.L_overlay_start_2:
0xbb: {  	(tag) =	ssettag $0x2  }
0xbc: {  	s0 =	rddreg [dreg:$0x0];
	s2 =	stileid.u32  }
0xbd: {  	s1 =	rddreg [dreg:$0x1];
	p0 =	sne.s32 s2, $0x0  }
0xbe: {  	s3 =	rddreg [dreg:$0x2];
	[bflag:$0x3] =	sbarrier.arrive $0xFFFF;
	s2 =	simm.s32 @!p0 $0x1C04  }
0xbf: {  	[timem:s3], [sflag:s2] =	dma.local @!p0 [hbm:s0], s1  }
0xc0: {  	s0 =	simm.s32 @!p0 $0x4  }
0xc1: {  	_ =	swait.ge @!p0 [sflag:s0], s1  }
0xc2: {  	s1 =	ssub.s32 @!p0 $0x0, s1;
	[sflag:s0] =	ssyncset.done @!p0 $0x0  }
0xc3: {  	[sflag:s0] =	ssyncadd.s32 @!p0 s1  }
0xc4: {  	[bflag:$0x3] =	sbarrier.arrive $0xFFFF  }
0xc5: {  	_ =	shalt  }

// kernel: kernel.19.cloned.1.call-start
scs
__scs_entry_jumppad:
0x0: {  	(pc) =	sbr.rel $0x88, $3  }
0x1: {  	(tag) =	ssettag $0x0;
	lr =	simm.s32 $0x1  }
0x2: {  	[smem:$0x3F97] =	sst lr;
	_ =	strace $0xD0000000  }
0x3: {  	_ = 	snop  }
0x4: {  	_ = 	snop  }
0x5: {  	_ = 	snop  }
0x6: {  	_ = 	snop  }
0x7: {  	_ = 	snop  }
__scs_overlays_trampoline_lowered:
0x8: {  	[smem:$0x3FA6] =	sst s0  }
0x9: {  	[smem:$0x3FA7] =	sst s1  }
0xa: {  	[smem:$0x3FA8] =	sst s2  }
0xb: {  	[smem:$0x3FA9] =	sst s3  }
0xc: {  	[smem:$0x3FAA] =	sst s4  }
0xd: {  	[smem:$0x3FAB] =	sst s5  }
0xe: {  	[smem:$0x3FAC] =	sst s6  }
0xf: {  	[smem:$0x3FAD] =	sst s7  }
0x10: {  	[smem:$0x3FAE] =	sst s8  }
0x11: {  	[smem:$0x3FAF] =	sst s9;
	s0 =	simm.s32 @!p0 $0x0  }
0x12: {  	s1 =	sld [smem:$0x3F95];
	s0 =	simm.s32 @p0 $0x1  }
0x13: {  	[smem:$0x3FB0] =	sst s0;
	s0 =	simm.s32 @!p1 $0x0  }
0x14: {  	s2 =	sld [smem:$0x3F94];
	s0 =	simm.s32 @p1 $0x1  }
0x15: {  	[smem:$0x3FB1] =	sst s0;
	s0 =	simm.s32 @!p2 $0x0  }
0x16: {  	s3 =	sld [smem:$0x3FDB];
	s0 =	simm.s32 @p2 $0x1  }
0x17: {  	s4 =	simm.s32 $0x1BF5;
	[smem:$0x3FB3] =	sst s0  }
0x18: {  	s0 =	sld [smem:$0x3F96];
	_ =	swait.ge [sflag:s4], $0x0  }
0x19: {  	s7 =	sld [smem:$0x3F97]  }
0x1a: {  	s8 =	sadd.s32 $0xFFFFE003, lr  }
0x1b: {  	s9 =	sadd.s32 $0xFFFFFEF7, lr;
	s5 =	simm.s32 $0xFFFFFFFF;
	p2 =	slt.u32 s8, $0xFFFFF086  }
0x1c: {  	p1 =	slt.u32 s9, $0xF7A;
	s5 =	simm.s32 @!p2 $0x0  }
0x1d: {  	s5 =	simm.s32 @p1 $0x1;
	p0 =	seq.s32 s7, s2  }
0x1e: {  	s7 =	smul.u32 @!p0 $0xF7A, s2;
	p2 =	seq.s32 @!p0 s5, $0x0  }
0x1f: {  	s9 =	smul.u32 $0xF7A, s1;
	s8 =	simm.s32 @!p0 $0x1BF5;
	p2 =	por !p2, p0  }
0x20: {  	[sflag:s8] =	ssyncset.s32 @!p0 $0xFFFFF086;
	s6 =	sadd.s32 @!p0 s3, s7;
	s7 =	simm.s32 @!p0 $0x108  }
0x21: {  	s3 =	sadd.s32 s3, s9;
	s6 =	sadd.s32 @!p0 $0x88, s6;
	s7 =	simm.s32 @p2 $0x1082  }
0x22: {  	[simem:s7], [sflag:s8] =	dma.local @!p0 [hbm:s6], $0xF7A  }
0x23: {  	s9 =	sor.u32 $0xD0000000, s2;
	s6 =	simm.s32 $0x108;
	_ =	swait.ge @!p0 [sflag:s8], $0x0  }
0x24: {  	s3 =	sadd.s32 $0x88, s3;
	s6 =	simm.s32 @!p1 $0x1082;
	[sflag:s4] =	ssyncset.s32 $0xFFFFF086  }
0x25: {  	[simem:s6], [sflag:s4] =	dma.local [hbm:s3], $0xF7A  }
0x26: {  	[smem:$0x3F97] =	sst s1;
	(tag) =	ssettag s2;
	_ =	strace s9  }
0x27: {  	s1 =	sld [smem:$0x3FA7]  }
0x28: {  	s2 =	sld [smem:$0x3FA8]  }
0x29: {  	s4 =	sld [smem:$0x3FAA]  }
0x2a: {  	p0 =	seq.s32 s5, $0x0;
	s5 =	sld [smem:$0x3FAB]  }
0x2b: {  	s6 =	sld [smem:$0x3FAC]  }
0x2c: {  	s7 =	sld [smem:$0x3FAD]  }
0x2d: {  	s3 =	simm.s32 $0x108;
	s8 =	sld [smem:$0x3FAE]  }
0x2e: {  	s3 =	simm.s32 @!p0 $0x1082;
	s9 =	sld [smem:$0x3FAF]  }
0x2f: {  	lr =	sadd.s32 s0, s3;
	s0 =	sld [smem:$0x3FA6]  }
0x30: {  	s3 =	sld [smem:$0x3FA9]  }
0x31: {  	[smem:$0x3FB2] =	sst s10  }
0x32: {  	s10 =	sld [smem:$0x3FB0];
	_ =	sdelay $0x3  }
0x33: {  	p0 =	seq.s32 s10, $0x1;
	s10 =	sld [smem:$0x3FB2];
	_ =	sdelay $0x3  }
0x34: {  	[smem:$0x3FB2] =	sst s10  }
0x35: {  	s10 =	sld [smem:$0x3FB1];
	_ =	sdelay $0x3  }
0x36: {  	p1 =	seq.s32 s10, $0x1;
	s10 =	sld [smem:$0x3FB2];
	_ =	sdelay $0x3  }
0x37: {  	[smem:$0x3FB2] =	sst s10  }
0x38: {  	s10 =	sld [smem:$0x3FB3]  }
0x39: {  	_ = 	snop;
	(pc) =	sbr.ind lr, $3  }
0x3a: {  	_ = 	snop  }
0x3b: {  	_ = 	snop  }
0x3c: {  	p2 =	seq.s32 s10, $0x1;
	s10 =	sld [smem:$0x3FB2]  }
0x3d: {  	_ =	shalt  }
0x3e: {  	_ =	shalt  }
0x3f: {  	_ =	shalt  }
0x40: {  	_ =	shalt  }
0x41: {  	_ =	shalt  }
0x42: {  	_ =	shalt  }
0x43: {  	_ =	shalt  }
0x44: {  	_ =	shalt  }
0x45: {  	_ =	shalt  }
0x46: {  	_ =	shalt  }
0x47: {  	_ =	shalt  }
0x48: {  	_ =	shalt  }
0x49: {  	_ =	shalt  }
0x4a: {  	_ =	shalt  }
0x4b: {  	_ =	shalt  }
0x4c: {  	_ =	shalt  }
0x4d: {  	_ =	shalt  }
0x4e: {  	_ =	shalt  }
0x4f: {  	_ =	shalt  }
0x50: {  	_ =	shalt  }
0x51: {  	_ =	shalt  }
0x52: {  	_ =	shalt  }
0x53: {  	_ =	shalt  }
0x54: {  	_ =	shalt  }
0x55: {  	_ =	shalt  }
0x56: {  	_ =	shalt  }
0x57: {  	_ =	shalt  }
0x58: {  	_ =	shalt  }
0x59: {  	_ =	shalt  }
0x5a: {  	_ =	shalt  }
0x5b: {  	_ =	shalt  }
0x5c: {  	_ =	shalt  }
0x5d: {  	_ =	shalt  }
0x5e: {  	_ =	shalt  }
0x5f: {  	_ =	shalt  }
0x60: {  	_ =	shalt  }
0x61: {  	_ =	shalt  }
0x62: {  	_ =	shalt  }
0x63: {  	_ =	shalt  }
0x64: {  	_ =	shalt  }
0x65: {  	_ =	shalt  }
0x66: {  	_ =	shalt  }
0x67: {  	_ =	shalt  }
0x68: {  	_ =	shalt  }
0x69: {  	_ =	shalt  }
0x6a: {  	_ =	shalt  }
0x6b: {  	_ =	shalt  }
0x6c: {  	_ =	shalt  }
0x6d: {  	_ =	shalt  }
0x6e: {  	_ =	shalt  }
0x6f: {  	_ =	shalt  }
0x70: {  	_ =	shalt  }
0x71: {  	_ =	shalt  }
0x72: {  	_ =	shalt  }
0x73: {  	_ =	shalt  }
0x74: {  	_ =	shalt  }
0x75: {  	_ =	shalt  }
0x76: {  	_ =	shalt  }
0x77: {  	_ =	shalt  }
0x78: {  	_ =	shalt  }
0x79: {  	_ =	shalt  }
0x7a: {  	_ =	shalt  }
0x7b: {  	_ =	shalt  }
0x7c: {  	_ =	shalt  }
0x7d: {  	_ =	shalt  }
0x7e: {  	_ =	shalt  }
0x7f: {  	_ =	shalt  }
0x80: {  	_ =	shalt  }
0x81: {  	_ =	shalt  }
0x82: {  	_ =	shalt  }
0x83: {  	_ =	shalt  }
0x84: {  	_ =	shalt  }
0x85: {  	_ =	shalt  }
0x86: {  	_ =	shalt  }
0x87: {  	_ =	shalt  }
.Lfunc_end0:
.L_simem_size_0:
called_computation.3_lowered:
.L_overlay_start_0:
0x88: {  	s2 =	sld [smem:$0x3FD9]  }
0x89: {  	s3 =	sld [smem:$0x3FFE];
	_ =	sdelay $0x1  }
0x8a: {  	s1 =	srdreg.scid  }
0x8b: {  	s0 =	sand.u32 $0x1, s1  }
0x8c: {  	s16 =	sshll.u32 s0, $0xA;
	s2 =	sadd.s32 s3, s2  }
0x8d: {  	s2 =	sadd.s32 s2, s16  }
0x8e: {  	[smem:$0x3FBE] =	sst s2  }
0x8f: {  	_ = 	snop  }
0x90: {  	(tm) =	ssettm $0x1  }
0x91: {  	s17 =	sld [smem:$0x3FFB];
	_ =	sdelay $0x3  }
0x92: {  	_ =	strace s17  }
0x93: {  	s2 =	sld [smem:$0x3FFC];
	_ =	sdelay $0x3  }
0x94: {  	_ =	strace s2  }
0x95: {  	s2 =	sld [smem:$0x3FFD];
	_ =	sdelay $0x3  }
0x96: {  	_ =	strace s2  }
0x97: {  	_ =	strace $0x8FFFFFFF  }
0x98: {  	s18 =	sld [smem:$0x3FDB];
	_ =	sdelay $0x1  }
0x99: {  	s19 =	simm.s32 $_scs_section_size  }
0x9a: {  	s4 =	simm.s32 $_size__tile_overlayer_lowered;
	s5 =	simm.s32 $_tile_overlayer_lowered  }
0x9b: {  	s22 =	simm.s32 $0x1BFF;
	s21 =	sshll.u32 s5, $0x1;
	s2 =	sadd.s32 s19, s18  }
0x9c: {  	s6 =	simm.s32 $0x0;
	s20 =	sshll.u32 s4, $0x1;
	s4 =	sadd.s32 s21, s2  }
0x9d: {  	[timem:s6], [sflag:s22] =	dma.local [hbm:s4], s20  }
0x9e: {  	_ =	swait.ge [sflag:s22], s20  }
0x9f: {  	s3 =	ssub.s32 $0x0, s20;
	[sflag:s22] =	ssyncset.done $0x0  }
0xa0: {  	[sflag:s22] =	ssyncadd.s32 s3;
	_ =	sdelay $0x1  }
0xa1: {  	s23 =	simm.s32 $0x1B8B  }
0xa2: {  	_ =	swait.ge [sflag:s23], $0x1  }
0xa3: {  	[sflag:s23] =	ssyncset.done $0x0  }
0xa4: {  	s25 =	simm.s32 $0x1B8E;
	s24 =	sld [smem:$0x3FFE];
	[sflag:s23] =	ssyncadd.s32 $0xFFFFFFFF  }
0xa5: {  	s26 =	simm.s32 $execute0_lowered;
	[smem:$0x3FD2] =	sst s25  }
0xa6: {  	s4 =	sshll.u32 s26, $0x1;
	_ =	strace $0x8000004F;
	[dreg:$0x1] =	wrdreg $0xFFFFFFFF  }
0xa7: {  	s28 =	simm.s32 $_size_execute0_lowered;
	s2 =	sadd.s32 s2, s4;
	[dreg:$0x0] =	wrdreg $0x0  }
0xa8: {  	s4 =	sshll.u32 s28, $0x1;
	[dreg:$0x2] =	wrdreg s2  }
0xa9: {  	[dreg:$0x3] =	wrdreg s4  }
0xaa: {  	[dreg:$0x4] =	wrdreg $0xC0  }
0xab: {  	_ =	task [dreg:s6], $0x5FFFF  }
0xac: {  	[dreg:$0x1] =	wrdreg $0xFFFFFFFF  }
0xad: {  	[dreg:$0x0] =	wrdreg $0x60  }
0xae: {  	[dreg:$0x2] =	wrdreg s24  }
0xaf: {  	[dreg:$0x3] =	wrdreg $0x118000  }
0xb0: {  	[dreg:$0x4] =	wrdreg $0x9  }
0xb1: {  	_ =	task.clear_ibuf [dreg:s6], $0x5FFFF;
	_ =	strace $0x9000004F  }
0xb2: {  	s29 =	simm.s32 $0x9;
	_ =	strace $0x80000051  }
0xb3: {  	_ =	swait.ge [sflag:s29], $0x1  }
0xb4: {  	[sflag:s29] =	ssyncadd.s32 $0xFFFFFFFF  }
0xb5: {  	_ =	strace $0x90000051  }
0xb6: {  	_ =	sfence  }
0xb7: {  	s30 =	sld [smem:$0x0];
	_ =	sdelay $0x2  }
0xb8: {  	s31 =	sshll.u32 s1, $0xD;
	s1 =	sshrl.u32 s1, $0x2  }
0xb9: {  	s3 =	sand.u32 $0x4000, s31;
	s1 =	sadd.s32 s1, s30  }
0xba: {  	s0 =	sor.u32 s3, s0;
	s1 =	sshll.u32 s1, $0x11  }
0xbb: {  	s0 =	sor.u32 s1, s0  }
0xbc: {  	s0 =	sadd.s32 $0x8F2B, s0  }
0xbd: {  	[sflag:s0] =	ssyncadd.remote.s32 $0x1  }
0xbe: {  	_ =	sfence.sel $0xFFFF  }
0xbf: {  	[dreg:$0x0] =	wrdreg $0xFFFFFFFF;
	(pc) =	sbr.abs _section_cstart, $3  }
0xc0: {  	[dreg:$0x1] =	wrdreg $0xFFFFFFFF  }
0xc1: {  	_ =	task.clear_ibuf [dreg:s6], $0x2FFFF;
	_ =	strace $0x9FFFFFFF  }
0xc2: {  	(tm) =	ssettm $0x7FFFFFFF  }
0xc3: {  	_ =	shalt  }
tec
execute0_lowered:
.L_overlay_start_1:
0x0: {  	(tag) =	ssettag $0x1  }
0x1: {  	s5 =	rddreg [dreg:$0x0]  }
0x2: {  	s2 =	rddreg [dreg:$0x1]  }
0x3: {  	s3 =	simm.s32 $0x0;
	s0 =	stileid.u32;
	s4 =	srdreg.scid  }
0x4: {  	s20 =	simm.s32 $0xE00;
	s21 =	simm.s32 $0x3800;
	s22 =	simm.s32 $0x2  }
0x5: {  	s23 =	simm.s32 $0x2A00;
	s24 =	simm.s32 $0xA800;
	s25 =	simm.s32 $0x3  }
0x6: {  	s28 =	simm.s32 $0x0;
	[smem:$0x7FF] =	sst s3;
	s6 =	smul.u32 $0xC380, s0  }
0x7: {  	s7 =	sand.u32 $0x1, s4;
	s4 =	sadd.s32 $0x1CC00, s5;
	s10 =	smul.u32 $0x3C, s0  }
0x8: {  	s14 =	sadd.s32 $0x18AC00, s5;
	s15 =	sadd.s32 $0xC6C00, s5;
	s12 =	smul.u32 $0x34, s0  }
0x9: {  	s26 =	sshll.u32 s0, $0x6;
	_ =	strace $0x80000050;
	s8 =	smul.u32 $0xC3800, s7  }
0xa: {  	s11 =	ssub.s32 $0x2, s7;
	p0 =	seq.s32 s7, $0x0;
	s9 =	sshrl.u32 s6, $0x3  }
0xb: {  	s13 =	sshrl.u32 s11, $0x1;
	s10 =	sadd.s32 $0x340, s10;
	s17 =	sadd.s32 s6, s2  }
0xc: {  	s9 =	sadd.s32 s9, s5;
	s8 =	sadd.s32 s6, s8;
	s11 =	ssub.s32 s11, s13  }
0xd: {  	s10 =	smov.u32 @p0 s12;
	s6 =	sor.u32 $0x1C04, s26;
	s13 =	simm.s32 $0x1A  }
0xe: {  	s17 =	sshrl.u32 s17, $0x3;
	s26 =	simm.s32 $0x1;
	s8 =	sshrl.u32 s8, $0x3  }
0xf: {  	s29 =	smul.u32 $0x1C0, s10;
	s13 =	simm.s32 @!p0 $0x1E;
	s30 =	sor.u32 $0x1, s10  }
0x10: {  	s12 =	sor.u32 $0x2, s10;
	s11 =	smax.u32 s11, $0x1;
	s18 =	smul.u32 $0x1C0, s30  }
0x11: {  	s16 =	sadd.s32 s8, s5;
	s5 =	sadd.s32 $0x4400, s9;
	s31 =	smul.u32 $0x1C0, s12  }
0x12: {  	s9 =	sadd.s32 $0xFFFFFFFF, s13;
	s19 =	smul.u32 $0x380, s13;
	s7 =	sadd.s32 s14, s29  }
0x13: {  	s8 =	sadd.s32 s15, s29;
	s10 =	sadd.s32 $0x35400, s16;
	s12 =	sadd.s32 s14, s18  }
0x14: {  	s13 =	sadd.s32 s15, s18;
	s14 =	sadd.s32 s14, s31;
	s15 =	sadd.s32 s15, s31  }
0x15: {  	s16 =	sadd.s32 $0xFFFFF900, s19;
	s18 =	simm.s32 $0x4;
	s19 =	simm.s32 $0x1C00  }
.LBB2_1:
0x16: {  	[spmem:s17], [sflag:s6] =	dma.local [hbm:s5], $0x1870  }
0x17: {  	_ =	swait.ge [sflag:s18], $0x1870  }
0x18: {  	[sflag:s18] =	ssyncset.done $0x0  }
0x19: {  	[sflag:s18] =	ssyncadd.s32 $0xFFFFE790  }
0x1a: {  	[bflag:$0x0] =	sbarrier.arrive $0xFFFF  }
0x1b: {  	[tilespmem:s3], [sflag:$0x1] =	stream.linear.gather [hbm4b:s7+s3], $0xE00, $0x38;
	[tilespmem:$0x1DB80] =	vst v63  }
0x1c: {  	_ = 	snop  }
0x1d: {  	[tilespmem:s19], [sflag:$0x1] =	stream.linear.gather [hbm4b:s8+s3], $0xE00, $0x38;
	[tilespmem:$0x1DB80] =	vst v63  }
0x1e: {  	_ =	swait.ge [sflag:s26], $0xE00  }
0x1f: {  	[sflag:s26] =	ssyncset.done $0x0  }
0x20: {  	[sflag:s26] =	ssyncadd.s32 $0xFFFFF200  }
0x21: {  	_ =	swait.ge [sflag:s26], $0xE00  }
0x22: {  	[sflag:s26] =	ssyncset.done $0x0  }
0x23: {  	[sflag:s26] =	ssyncadd.s32 $0xFFFFF200  }
0x24: {  	[tilespmem:s21], [sflag:$0x2] =	stream.indirect.gather [hbm4b:s4+s20], $0x8, s3, s20, $0xb8;
	[tilespmem:$0x1DB80] =	vst v63  }
0x25: {  	_ =	swait.ge [sflag:s22], $0x7000  }
0x26: {  	[sflag:s22] =	ssyncset.done $0x0  }
0x27: {  	[sflag:s22] =	ssyncadd.s32 $0xFFFF9000  }
0x28: {  	[spmem:s2] =	stream.indirect.scatter.add.f32 [tilespmem:s21], [sflag:$0x3], $0x8, s19, s20, $0xb8;
	[tilespmem:$0x1DB80] =	vst v63  }
0x29: {  	_ = 	snop  }
0x2a: {  	[tilespmem:s20], [sflag:$0x1] =	stream.linear.gather [hbm4b:s12+s3], $0xE00, $0x38;
	[tilespmem:$0x1DB80] =	vst v63  }
0x2b: {  	_ = 	snop  }
0x2c: {  	[tilespmem:s23], [sflag:$0x1] =	stream.linear.gather [hbm4b:s13+s3], $0xE00, $0x38;
	[tilespmem:$0x1DB80] =	vst v63  }
0x2d: {  	_ =	swait.ge [sflag:s26], $0xE00  }
0x2e: {  	[sflag:s26] =	ssyncset.done $0x0  }
0x2f: {  	[sflag:s26] =	ssyncadd.s32 $0xFFFFF200  }
0x30: {  	_ =	swait.ge [sflag:s26], $0xE00  }
0x31: {  	[sflag:s26] =	ssyncset.done $0x0  }
0x32: {  	[sflag:s26] =	ssyncadd.s32 $0xFFFFF200  }
0x33: {  	[tilespmem:s24], [sflag:$0x2] =	stream.indirect.gather [hbm4b:s4+s20], $0x8, s20, s20, $0xb8;
	[tilespmem:$0x1DB80] =	vst v63  }
0x34: {  	_ =	swait.ge [sflag:s22], $0x7000  }
0x35: {  	[sflag:s22] =	ssyncset.done $0x0  }
0x36: {  	[sflag:s22] =	ssyncadd.s32 $0xFFFF9000  }
0x37: {  	_ =	swait.ge [sflag:s25], $0x7000  }
0x38: {  	[sflag:s25] =	ssyncset.done $0x0  }
0x39: {  	[sflag:s25] =	ssyncadd.s32 $0xFFFF9000  }
0x3a: {  	[spmem:s2] =	stream.indirect.scatter.add.f32 [tilespmem:s24], [sflag:$0x3], $0x8, s23, s20, $0xb8;
	[tilespmem:$0x1DB80] =	vst v63  }
0x3b: {  	_ = 	snop  }
0x3c: {  	[tilespmem:s3], [sflag:$0x1] =	stream.linear.gather [hbm4b:s14+s3], $0xE00, $0x38;
	[tilespmem:$0x1DB80] =	vst v63  }
0x3d: {  	_ = 	snop  }
0x3e: {  	[tilespmem:s19], [sflag:$0x1] =	stream.linear.gather [hbm4b:s15+s3], $0xE00, $0x38;
	[tilespmem:$0x1DB80] =	vst v63  }
0x3f: {  	_ =	swait.ge [sflag:s26], $0xE00  }
0x40: {  	[sflag:s26] =	ssyncset.done $0x0  }
0x41: {  	[sflag:s26] =	ssyncadd.s32 $0xFFFFF200  }
0x42: {  	_ =	swait.ge [sflag:s26], $0xE00  }
0x43: {  	[sflag:s26] =	ssyncset.done $0x0  }
0x44: {  	[sflag:s26] =	ssyncadd.s32 $0xFFFFF200  }
0x45: {  	[tilespmem:s21], [sflag:$0x2] =	stream.indirect.gather [hbm4b:s4+s20], $0x8, s3, s20, $0xb8;
	[tilespmem:$0x1DB80] =	vst v63  }
0x46: {  	_ =	swait.ge [sflag:s22], $0x7000  }
0x47: {  	[sflag:s22] =	ssyncset.done $0x0  }
0x48: {  	[sflag:s22] =	ssyncadd.s32 $0xFFFF9000  }
0x49: {  	_ =	swait.ge [sflag:s25], $0x7000  }
0x4a: {  	[sflag:s25] =	ssyncset.done $0x0  }
0x4b: {  	s29 =	sadd.s32 $0x0, s7;
	[sflag:s25] =	ssyncadd.s32 $0xFFFF9000  }
0x4c: {  	[spmem:s2] =	stream.indirect.scatter.add.f32 [tilespmem:s21], [sflag:$0x3], $0x8, s19, s20, $0xb8;
	[tilespmem:$0x1DB80] =	vst v63  }
0x4d: {  	s31 =	sadd.s32 $0x0, s8;
	s30 =	sadd.s32 $0x540, s29  }
0x4e: {  	[tilespmem:s20], [sflag:$0x1] =	stream.linear.gather [hbm4b:s30+s3], $0xE00, $0x38;
	[tilespmem:$0x1DB80] =	vst v63  }
0x4f: {  	s30 =	sadd.s32 $0x540, s31  }
0x50: {  	[tilespmem:s23], [sflag:$0x1] =	stream.linear.gather [hbm4b:s30+s3], $0xE00, $0x38;
	[tilespmem:$0x1DB80] =	vst v63  }
0x51: {  	_ =	swait.ge [sflag:s26], $0xE00  }
0x52: {  	[sflag:s26] =	ssyncset.done $0x0  }
0x53: {  	[sflag:s26] =	ssyncadd.s32 $0xFFFFF200  }
0x54: {  	_ =	swait.ge [sflag:s26], $0xE00  }
0x55: {  	[sflag:s26] =	ssyncset.done $0x0  }
0x56: {  	[sflag:s26] =	ssyncadd.s32 $0xFFFFF200  }
0x57: {  	[tilespmem:s24], [sflag:$0x2] =	stream.indirect.gather [hbm4b:s4+s20], $0x8, s20, s20, $0xb8;
	[tilespmem:$0x1DB80] =	vst v63  }
0x58: {  	_ =	swait.ge [sflag:s22], $0x7000  }
0x59: {  	[sflag:s22] =	ssyncset.done $0x0  }
0x5a: {  	[sflag:s22] =	ssyncadd.s32 $0xFFFF9000  }
0x5b: {  	_ =	swait.ge [sflag:s25], $0x7000  }
0x5c: {  	p0 =	sne.s32 s16, $0x380;
	[sflag:s25] =	ssyncset.done $0x0  }
.Ltmp0:
0x5d: {  	[sflag:s25] =	ssyncadd.s32 $0xFFFF9000;
	(pc) =	sbr.rel @!p0 .LBB2_3-.Ltmp0, $4  }
0x5e: {  	[spmem:s2] =	stream.indirect.scatter.add.f32 [tilespmem:s24], [sflag:$0x3], $0x8, s23, s20, $0xb8;
	[tilespmem:$0x1DB80] =	vst v63  }
0x5f: {  	s29 =	sadd.s32 $0x700, s29  }
0x60: {  	[tilespmem:s3], [sflag:$0x1] =	stream.linear.gather [hbm4b:s29+s3], $0xE00, $0x38;
	[tilespmem:$0x1DB80] =	vst v63  }
0x61: {  	s31 =	sadd.s32 $0x700, s31;
	s30 =	simm.s32 $0x2;
	s29 =	simm.s32 $0x380  }
.LBB2_2:
0x62: {  	[tilespmem:s19], [sflag:$0x1] =	stream.linear.gather [hbm4b:s31+s3], $0xE00, $0x38;
	[tilespmem:$0x1DB80] =	vst v63  }
0x63: {  	s31 =	smov.u32 s29;
	s29 =	sadd.s32 $0x380, s29;
	_ =	swait.ge [sflag:s26], $0xE00  }
0x64: {  	p0 =	sne.s32 s16, s29;
	[sflag:s26] =	ssyncset.done $0x0  }
0x65: {  	[sflag:s26] =	ssyncadd.s32 $0xFFFFF200  }
0x66: {  	_ =	swait.ge [sflag:s26], $0xE00  }
0x67: {  	[sflag:s26] =	ssyncset.done $0x0  }
0x68: {  	[sflag:s26] =	ssyncadd.s32 $0xFFFFF200  }
0x69: {  	[tilespmem:s21], [sflag:$0x2] =	stream.indirect.gather [hbm4b:s4+s20], $0x8, s3, s20, $0xb8;
	[tilespmem:$0x1DB80] =	vst v63  }
0x6a: {  	_ =	swait.ge [sflag:s22], $0x7000  }
0x6b: {  	[sflag:s22] =	ssyncset.done $0x0  }
0x6c: {  	[sflag:s22] =	ssyncadd.s32 $0xFFFF9000  }
0x6d: {  	_ =	swait.ge [sflag:s25], $0x7000  }
0x6e: {  	[sflag:s25] =	ssyncset.done $0x0  }
0x6f: {  	s0 =	sadd.s32 s31, s7;
	[sflag:s25] =	ssyncadd.s32 $0xFFFF9000  }
0x70: {  	[spmem:s2] =	stream.indirect.scatter.add.f32 [tilespmem:s21], [sflag:$0x3], $0x8, s19, s20, $0xb8;
	[tilespmem:$0x1DB80] =	vst v63  }
0x71: {  	s31 =	sadd.s32 s31, s8;
	s1 =	sadd.s32 $0x540, s0  }
0x72: {  	[tilespmem:s20], [sflag:$0x1] =	stream.linear.gather [hbm4b:s1+s3], $0xE00, $0x38;
	[tilespmem:$0x1DB80] =	vst v63  }
0x73: {  	s1 =	sadd.s32 $0x540, s31  }
0x74: {  	[tilespmem:s23], [sflag:$0x1] =	stream.linear.gather [hbm4b:s1+s3], $0xE00, $0x38;
	[tilespmem:$0x1DB80] =	vst v63  }
0x75: {  	_ =	swait.ge [sflag:s26], $0xE00  }
0x76: {  	[sflag:s26] =	ssyncset.done $0x0  }
0x77: {  	[sflag:s26] =	ssyncadd.s32 $0xFFFFF200  }
0x78: {  	_ =	swait.ge [sflag:s26], $0xE00  }
0x79: {  	[sflag:s26] =	ssyncset.done $0x0  }
0x7a: {  	[sflag:s26] =	ssyncadd.s32 $0xFFFFF200  }
0x7b: {  	[tilespmem:s24], [sflag:$0x2] =	stream.indirect.gather [hbm4b:s4+s20], $0x8, s20, s20, $0xb8;
	[tilespmem:$0x1DB80] =	vst v63  }
0x7c: {  	_ =	swait.ge [sflag:s22], $0x7000  }
0x7d: {  	[sflag:s22] =	ssyncset.done $0x0  }
0x7e: {  	[sflag:s22] =	ssyncadd.s32 $0xFFFF9000  }
0x7f: {  	_ =	swait.ge [sflag:s25], $0x7000  }
0x80: {  	[sflag:s25] =	ssyncset.done $0x0  }
.Ltmp1:
0x81: {  	[sflag:s25] =	ssyncadd.s32 $0xFFFF9000;
	(pc) =	sbr.rel @p0 .LBB2_2-.Ltmp1, $4  }
0x82: {  	[spmem:s2] =	stream.indirect.scatter.add.f32 [tilespmem:s24], [sflag:$0x3], $0x8, s23, s20, $0xb8;
	[tilespmem:$0x1DB80] =	vst v63  }
0x83: {  	s0 =	sadd.s32 $0x700, s0  }
0x84: {  	[tilespmem:s3], [sflag:$0x1] =	stream.linear.gather [hbm4b:s0+s3], $0xE00, $0x38;
	[tilespmem:$0x1DB80] =	vst v63  }
0x85: {  	s30 =	sadd.s32 $0x1, s30;
	s31 =	sadd.s32 $0x700, s31  }
.LBB2_3:
0x86: {  	[tilespmem:s19], [sflag:$0x1] =	stream.linear.gather [hbm4b:s31+s3], $0xE00, $0x38;
	[tilespmem:$0x1DB80] =	vst v63  }
0x87: {  	_ =	swait.ge [sflag:s26], $0xE00  }
0x88: {  	[sflag:s26] =	ssyncset.done $0x0  }
0x89: {  	[sflag:s26] =	ssyncadd.s32 $0xFFFFF200  }
0x8a: {  	_ =	swait.ge [sflag:s26], $0xE00  }
0x8b: {  	[sflag:s26] =	ssyncset.done $0x0  }
0x8c: {  	[sflag:s26] =	ssyncadd.s32 $0xFFFFF200  }
0x8d: {  	[tilespmem:s21], [sflag:$0x2] =	stream.indirect.gather [hbm4b:s4+s20], $0x8, s3, s20, $0xb8;
	[tilespmem:$0x1DB80] =	vst v63  }
0x8e: {  	_ =	swait.ge [sflag:s22], $0x7000  }
0x8f: {  	[sflag:s22] =	ssyncset.done $0x0  }
0x90: {  	[sflag:s22] =	ssyncadd.s32 $0xFFFF9000  }
0x91: {  	_ =	swait.ge [sflag:s25], $0x7000  }
0x92: {  	[sflag:s25] =	ssyncset.done $0x0  }
0x93: {  	s0 =	sadd.s32 s29, s7;
	[sflag:s25] =	ssyncadd.s32 $0xFFFF9000  }
0x94: {  	[spmem:s2] =	stream.indirect.scatter.add.f32 [tilespmem:s21], [sflag:$0x3], $0x8, s19, s20, $0xb8;
	[tilespmem:$0x1DB80] =	vst v63  }
0x95: {  	s31 =	sadd.s32 s29, s8;
	s0 =	sadd.s32 $0x540, s0  }
0x96: {  	[tilespmem:s20], [sflag:$0x1] =	stream.linear.gather [hbm4b:s0+s3], $0xE00, $0x38;
	[tilespmem:$0x1DB80] =	vst v63  }
0x97: {  	s0 =	sadd.s32 $0x540, s31  }
0x98: {  	[tilespmem:s23], [sflag:$0x1] =	stream.linear.gather [hbm4b:s0+s3], $0xE00, $0x38;
	[tilespmem:$0x1DB80] =	vst v63  }
0x99: {  	_ =	swait.ge [sflag:s26], $0xE00  }
0x9a: {  	[sflag:s26] =	ssyncset.done $0x0  }
0x9b: {  	[sflag:s26] =	ssyncadd.s32 $0xFFFFF200  }
0x9c: {  	_ =	swait.ge [sflag:s26], $0xE00  }
0x9d: {  	[sflag:s26] =	ssyncset.done $0x0  }
0x9e: {  	[sflag:s26] =	ssyncadd.s32 $0xFFFFF200  }
0x9f: {  	[tilespmem:s24], [sflag:$0x2] =	stream.indirect.gather [hbm4b:s4+s20], $0x8, s20, s20, $0xb8;
	[tilespmem:$0x1DB80] =	vst v63  }
0xa0: {  	_ =	swait.ge [sflag:s22], $0x7000  }
0xa1: {  	[sflag:s22] =	ssyncset.done $0x0  }
0xa2: {  	[sflag:s22] =	ssyncadd.s32 $0xFFFF9000  }
0xa3: {  	_ =	swait.ge [sflag:s25], $0x7000  }
0xa4: {  	p0 =	sge.u32 s30, s9;
	[sflag:s25] =	ssyncset.done $0x0  }
0xa5: {  	s0 =	sadd.s32 @!p0 s29, s7;
	[sflag:s25] =	ssyncadd.s32 $0xFFFF9000  }
0xa6: {  	[spmem:s2] =	stream.indirect.scatter.add.f32 [tilespmem:s24], [sflag:$0x3], $0x8, s23, s20, $0xb8;
	[tilespmem:$0x1DB80] =	vst v63  }
0xa7: {  	s1 =	simm.s32 @!p0 $0x0;
	s0 =	sadd.s32 @!p0 $0x700, s0  }
0xa8: {  	[tilespmem:s1], [sflag:$0x1] =	stream.linear.gather @!p0 [hbm4b:s0+s1], $0xE00, $0x38;
	[tilespmem:$0x1DB80] =	vst v63  }
0xa9: {  	s0 =	sadd.s32 @!p0 s29, s8  }
0xaa: {  	s29 =	simm.s32 @!p0 $0x1C00;
	s0 =	sadd.s32 @!p0 $0x700, s0  }
0xab: {  	[tilespmem:s29], [sflag:$0x1] =	stream.linear.gather @!p0 [hbm4b:s0+s1], $0xE00, $0x38;
	[tilespmem:$0x1DB80] =	vst v63  }
0xac: {  	_ =	swait.ge [sflag:s25], $0x7000  }
0xad: {  	s28 =	sadd.s32 $0x1, s28;
	[sflag:s25] =	ssyncset.done $0x0  }
0xae: {  	p0 =	sne.s32 s28, s11;
	[sflag:s25] =	ssyncadd.s32 $0xFFFF9000  }
.Ltmp2:
0xaf: {  	[bflag:$0x0] =	sbarrier.arrive $0xFFFF;
	(pc) =	sbr.rel @p0 .LBB2_1-.Ltmp2, $4  }
0xb0: {  	[hbm:s10], [sflag:s6] =	dma.local [spmem:s17], $0x1870  }
0xb1: {  	_ =	swait.ge [sflag:s18], $0x1870  }
0xb2: {  	[sflag:s18] =	ssyncset.done $0x0  }
0xb3: {  	[sflag:s18] =	ssyncadd.s32 $0xFFFFE790  }
0xb4: {  	_ =	sfence.sel $0x180000  }
0xb5: {  	[bflag:$0x0] =	sbarrier.arrive $0xFFFF  }
0xb6: {  	_ =	strace $0x90000050  }
0xb7: {  	s0 =	stileid.u32;
	[bflag:$0x2] =	sbarrier.arrive $0xFFFF  }
0xb8: {  	p0 =	sne.s32 s0, $0x0;
	s0 =	rddreg [dreg:$0x2]  }
0xb9: {  	s0 =	sadd.s32 @!p0 $0x100000, s0  }
0xba: {  	[sflag:s0] =	ssyncadd.tile.s32 @!p0 $0x1;
	_ =	shalt  }
.Lfunc_end2:
_tile_overlayer_lowered:
.L_overlay_start_2:
0xbb: {  	(tag) =	ssettag $0x2  }
0xbc: {  	s0 =	rddreg [dreg:$0x0];
	s2 =	stileid.u32  }
0xbd: {  	s1 =	rddreg [dreg:$0x1];
	p0 =	sne.s32 s2, $0x0  }
0xbe: {  	s3 =	rddreg [dreg:$0x2];
	[bflag:$0x3] =	sbarrier.arrive $0xFFFF;
	s2 =	simm.s32 @!p0 $0x1C04  }
0xbf: {  	[timem:s3], [sflag:s2] =	dma.local @!p0 [hbm:s0], s1  }
0xc0: {  	s0 =	simm.s32 @!p0 $0x4  }
0xc1: {  	_ =	swait.ge @!p0 [sflag:s0], s1  }
0xc2: {  	s1 =	ssub.s32 @!p0 $0x0, s1;
	[sflag:s0] =	ssyncset.done @!p0 $0x0  }
0xc3: {  	[sflag:s0] =	ssyncadd.s32 @!p0 s1  }
0xc4: {  	[bflag:$0x3] =	sbarrier.arrive $0xFFFF  }
0xc5: {  	_ =	shalt  }

</sc_bundles>
